<compile_context>
chip_gen: v7x
topology: tpu7x:2x2x1
jax: 0.10.2.dev20260603
libtpu: 0.0.44.dev20260713+nightly
codegen_flags: <defaults>
</compile_context>

<pallas_src>
import functools

import jax
import jax.numpy as jnp
from jax import lax
from jax.experimental import pallas as pl
from jax.experimental.pallas import tpu as pltpu
from jax.experimental.pallas import tpu_sc as plsc

NC = 2
NS = 16
NW = NC * NS


def _sc_mesh():
    return plsc.VectorSubcoreMesh(core_axis_name="c", subcore_axis_name="s")


def _sc_degree(edges, ones_row, zeros_col, npad, n_chunks, chunk):
    w = ones_row.shape[1]
    rps = npad // NS

    @functools.partial(
        pl.kernel,
        out_type=jax.ShapeDtypeStruct((NC, npad, w), jnp.float32),
        mesh=_sc_mesh(),
        scratch_types=[
            pltpu.VMEM((n_chunks, chunk), jnp.int32),
            pltpu.VMEM((chunk, w), jnp.float32),
            pltpu.VMEM_SHARED((npad, w), jnp.float32),
            [pltpu.SemaphoreType.DMA] * 4,
        ],
        compiler_params=pltpu.CompilerParams(use_tc_tiling_on_sc=False),
    )
    def k(edges_hbm, ones_hbm, zeros_hbm, out_hbm, dst_v, ones_v, acc, sems):
        c = lax.axis_index("c")
        s = lax.axis_index("s")
        wid = c * NS + s
        pltpu.sync_copy(zeros_hbm.at[pl.ds(s * rps, rps)],
                        acc.at[pl.ds(s * rps, rps)])
        pltpu.sync_copy(edges_hbm.at[1, wid], dst_v)
        pltpu.sync_copy(ones_hbm, ones_v)
        plsc.subcore_barrier()

        def body(i, carry):
            for k in range(4):
                j = 4 * i + k

                @pl.when(j >= 4)
                def _():
                    pltpu.make_async_copy(
                        ones_v, acc.at[dst_v.at[j - 4]], sems[k]).wait()

                pltpu.async_copy(ones_v, acc.at[dst_v.at[j]], sems[k], add=True)
            return carry

        lax.fori_loop(0, n_chunks // 4, body, 0)
        for k in range(4):
            j = n_chunks - 4 + k
            pltpu.make_async_copy(ones_v, acc.at[dst_v.at[j]], sems[k]).wait()
        plsc.subcore_barrier()
        pltpu.sync_copy(acc.at[pl.ds(s * rps, rps)],
                        out_hbm.at[c, pl.ds(s * rps, rps)])

    return k(edges, ones_row, zeros_col)


def _sc_segment_sum(h, edges, zeros, npad, n_chunks, chunk):
    f = h.shape[1]
    dt = h.dtype
    rps = npad // NS

    @functools.partial(
        pl.kernel,
        out_type=jax.ShapeDtypeStruct((NC, npad, f), dt),
        mesh=_sc_mesh(),
        scratch_types=[
            pltpu.VMEM((n_chunks, chunk), jnp.int32),
            pltpu.VMEM((n_chunks, chunk), jnp.int32),
            [pltpu.VMEM((chunk, f), dt)] * 8,
            pltpu.VMEM_SHARED((npad, f), dt),
            [pltpu.SemaphoreType.DMA] * 8,
            [pltpu.SemaphoreType.DMA] * 8,
        ],
        compiler_params=pltpu.CompilerParams(use_tc_tiling_on_sc=False),
    )
    def k(h_hbm, edges_hbm, zeros_hbm, out_hbm,
          src_v, dst_v, rows, acc, semg, sems):
        c = lax.axis_index("c")
        s = lax.axis_index("s")
        wid = c * NS + s
        pltpu.sync_copy(zeros_hbm.at[pl.ds(s * rps, rps)],
                        acc.at[pl.ds(s * rps, rps)])
        pltpu.sync_copy(edges_hbm.at[0, wid], src_v)
        pltpu.sync_copy(edges_hbm.at[1, wid], dst_v)
        plsc.subcore_barrier()

        for j in range(4):
            pltpu.async_copy(h_hbm.at[src_v.at[j]], rows[j], semg[j])

        def body(i, carry):
            for k in range(8):
                j = 8 * i + k
                b2 = (k + 4) % 8

                @pl.when(j >= 4)
                def _():
                    pltpu.make_async_copy(
                        rows[b2], acc.at[dst_v.at[j - 4]], sems[b2]).wait()

                @pl.when(j + 4 < n_chunks)
                def _():
                    pltpu.async_copy(
                        h_hbm.at[src_v.at[j + 4]], rows[b2], semg[b2])

                pltpu.make_async_copy(
                    h_hbm.at[src_v.at[j]], rows[k], semg[k]).wait()
                pltpu.async_copy(
                    rows[k], acc.at[dst_v.at[j]], sems[k], add=True)
            return carry

        lax.fori_loop(0, n_chunks // 8, body, 0)
        for k in range(4, 8):
            j = n_chunks - 8 + k
            pltpu.make_async_copy(
                rows[k], acc.at[dst_v.at[j]], sems[k]).wait()
        plsc.subcore_barrier()
        pltpu.sync_copy(acc.at[pl.ds(s * rps, rps)],
                        out_hbm.at[c, pl.ds(s * rps, rps)])

    return k(h, edges, zeros)


def _tc_first(x, w1, degp):
    n = x.shape[0]
    f = w1.shape[1]

    def body(x_ref, w_ref, degp_ref, h_ref, dinv_ref):
        deg = degp_ref[0, :, :1] + degp_ref[1, :, :1] + 1.0
        dinv = lax.rsqrt(deg)[:n]
        h = jnp.dot(x_ref[...], w_ref[...], preferred_element_type=jnp.float32)
        h_ref[...] = (h * dinv).astype(jnp.bfloat16)
        dinv_ref[...] = dinv

    return pl.pallas_call(
        body,
        out_shape=(jax.ShapeDtypeStruct((n, f), jnp.bfloat16),
                   jax.ShapeDtypeStruct((n, 1), jnp.float32)),
    )(x, w1, degp)


def _tc_mid(sp, hp, dinv, b1, w2):
    n, f = hp.shape
    f2 = w2.shape[1]

    def body(sp_ref, hp_ref, dinv_ref, b_ref, w_ref, out_ref):
        s = (sp_ref[0, :n].astype(jnp.float32) + sp_ref[1, :n].astype(jnp.float32)
             + hp_ref[...].astype(jnp.float32))
        h1 = jnp.maximum(s * dinv_ref[...] + b_ref[...], 0.0)
        h2 = jnp.dot(h1, w_ref[...], preferred_element_type=jnp.float32)
        out_ref[...] = (h2 * dinv_ref[...]).astype(jnp.bfloat16)

    return pl.pallas_call(
        body,
        out_shape=jax.ShapeDtypeStruct((n, f2), jnp.bfloat16),
    )(sp, hp, dinv, b1, w2)


def _tc_head(sp, hp, dinv, b2, w3, b3, w4, b4):
    n, f = hp.shape

    def body(sp_ref, hp_ref, dinv_ref, b2_ref, w3_ref, b3_ref, w4_ref, b4_ref,
             out_ref):
        s = (sp_ref[0, :n].astype(jnp.float32) + sp_ref[1, :n].astype(jnp.float32)
             + hp_ref[...].astype(jnp.float32))
        h2 = jnp.maximum(s * dinv_ref[...] + b2_ref[...], 0.0)
        g = jnp.sum(h2, axis=0, keepdims=True) * (1.0 / n)
        g3 = jnp.dot(g, w3_ref[...], preferred_element_type=jnp.float32)
        g3 = jnp.maximum(g3 + b3_ref[...], 0.0)
        o = jnp.dot(g3, w4_ref[...], preferred_element_type=jnp.float32)
        o = o + b4_ref[...]
        out_ref[...] = 1.0 / (1.0 + jnp.exp(-o))

    return pl.pallas_call(
        body,
        out_shape=jax.ShapeDtypeStruct((1, 1), jnp.float32),
    )(sp, hp, dinv, b2, w3, b3, w4, b4)


def kernel(x, edge_index, W1, b1, W2, b2, W3, b3, W4, b4):
    n, d = x.shape
    e = edge_index.shape[1]
    chunk = 125
    per_tile = e // NW
    n_chunks = per_tile // chunk
    npad = ((n + 8 * NS - 1) // (8 * NS)) * (8 * NS)

    edges = edge_index.astype(jnp.int32).reshape(2, NW, n_chunks, chunk)

    ones_row = jnp.ones((chunk, 8), jnp.float32)
    zeros_col = jnp.zeros((npad, 8), jnp.float32)
    zeros1 = jnp.zeros((npad, W1.shape[1]), jnp.bfloat16)
    zeros2 = jnp.zeros((npad, W2.shape[1]), jnp.bfloat16)

    degp = _sc_degree(edges, ones_row, zeros_col, npad, n_chunks, chunk)
    h1p, dinv = _tc_first(x, W1, degp)
    s1p = _sc_segment_sum(h1p, edges, zeros1, npad, n_chunks, chunk)
    h2p = _tc_mid(s1p, h1p, dinv, b1.reshape(1, -1), W2)
    s2p = _sc_segment_sum(h2p, edges, zeros2, npad, n_chunks, chunk)
    out = _tc_head(s2p, h2p, dinv, b2.reshape(1, -1), W3, b3.reshape(1, -1),
                   W4, b4.reshape(1, -1))
    return out.reshape(1)

# --- scband reference (transcript-rebuilt; emitter-appended) ---
"""Pipeline reference for scband-simple-gnn-22436909154901 (READ-ONLY COPY).

The authoritative reference and input builder live on the scoring server;
editing this copy changes nothing except your own understanding.
"""

import jax, jax.numpy as jnp
import numpy as np

N = 10000
E = 320000
D = 128


def setup_inputs(seed: int = 0) -> dict:
    key = jax.random.key(seed)
    ks = jax.random.split(key, 12)
    x = jax.random.normal(ks[0], (N, D), dtype=jnp.float32)
    edge_index = jax.random.randint(ks[1], (2, E), 0, N).astype(jnp.int64)
    W1 = jax.random.normal(ks[2], (D, 32), dtype=jnp.float32) * (1.0 / np.sqrt(D))
    b1 = jnp.zeros((32,), dtype=jnp.float32)
    W2 = jax.random.normal(ks[3], (32, 64), dtype=jnp.float32) * (1.0 / np.sqrt(32))
    b2 = jnp.zeros((64,), dtype=jnp.float32)
    W3 = jax.random.normal(ks[4], (64, 128), dtype=jnp.float32) * (1.0 / np.sqrt(64))
    b3 = jnp.zeros((128,), dtype=jnp.float32)
    W4 = jax.random.normal(ks[5], (128, 1), dtype=jnp.float32) * (1.0 / np.sqrt(128))
    b4 = jnp.zeros((1,), dtype=jnp.float32)
    return {"x": x, "edge_index": edge_index, "W1": W1, "b1": b1, "W2": W2, "b2": b2, "W3": W3, "b3": b3, "W4": W4, "b4": b4}


def _gcn_layer(x, src, dst, W, b):
    n = x.shape[0]
    loop = jnp.arange(n, dtype=src.dtype)
    src_sl = jnp.concatenate([src, loop])
    dst_sl = jnp.concatenate([dst, loop])
    deg = jax.ops.segment_sum(jnp.ones(src_sl.shape[0], dtype=x.dtype), dst_sl, num_segments=n)
    dinv = jax.lax.rsqrt(jnp.maximum(deg, 1.0))
    norm = dinv[src_sl] * dinv[dst_sl]
    h = x @ W
    msg = h[src_sl] * norm[:, None]
    agg = jax.ops.segment_sum(msg, dst_sl, num_segments=n)
    return agg + b


def reference(x, edge_index, W1, b1, W2, b2, W3, b3, W4, b4):
    src = edge_index[0]
    dst = edge_index[1]
    h = jax.nn.relu(_gcn_layer(x, src, dst, W1, b1))
    h = jax.nn.relu(_gcn_layer(h, src, dst, W2, b2))
    g = jnp.mean(h, axis=0)
    g = jax.nn.relu(g @ W3 + b3)
    out = jax.nn.sigmoid(g @ W4 + b4)
    return out

if __name__ == "__main__":
    import jax
    _d = setup_inputs()
    print(jax.jit(kernel)(*tuple(_d.values())))

</pallas_src>

<mosaic_0001>
#map = affine_map<(d0, d1) -> (0, 0, 0, 0)>
#map1 = affine_map<(d0, d1) -> (0, 0)>
#map2 = affine_map<(d0, d1) -> (0, 0, 0)>
module attributes {stable_mosaic.version = 14 : i64} {
  func.func @k(%arg0: i32, %arg1: i32, %arg2: memref<2x32x80x125xi32, #tpu.memory_space<hbm>>, %arg3: memref<125x8xf32, #tpu.memory_space<hbm>>, %arg4: memref<10112x8xf32, #tpu.memory_space<hbm>>, %arg5: memref<2x10112x8xf32, #tpu.memory_space<hbm>>, %arg6: memref<80x125xi32, #tpu.memory_space<vmem>>, %arg7: memref<125x8xf32, #tpu.memory_space<vmem>>, %arg8: memref<10112x8xf32, #tpu.memory_space<vmem_shared>>, %arg9: memref<!tpu.dma_semaphore, #tpu.memory_space<semaphore_mem>>, %arg10: memref<!tpu.dma_semaphore, #tpu.memory_space<semaphore_mem>>, %arg11: memref<!tpu.dma_semaphore, #tpu.memory_space<semaphore_mem>>, %arg12: memref<!tpu.dma_semaphore, #tpu.memory_space<semaphore_mem>>) attributes {dimension_semantics = [#tpu.dimension_semantics<core_parallel>, #tpu.dimension_semantics<subcore_parallel>], iteration_bounds = array<i64: 2, 16>, scalar_prefetch = 0 : i64, scratch_operands = 7 : i64, tpu.core_type = #tpu.core_type<sc_vector_subcore>, window_params = [{transform_indices = #map}, {transform_indices = #map1}, {transform_indices = #map1}, {transform_indices = #map2}]} {
    %mul3A = arith.constant 16 : i32
    %mul3A_0 = arith.muli %arg0, %mul3A : i32
    %add3A = arith.addi %mul3A_0, %arg1 : i32
    %mul3A_1 = arith.constant 632 : i32
    %mul3A_2 = arith.muli %arg1, %mul3A_1 : i32
    %mul3A_3 = arith.constant 632 : i32
    %mul3A_4 = arith.muli %arg1, %mul3A_3 : i32
    "tpu.region"() ({
      %run_scoped3A_42 = tpu.sem_alloc : memref<!tpu.dma_semaphore, #tpu.memory_space<semaphore_mem>>
      %dma_start3A = arith.constant 0 : i32
      %dma_start3A_43 = tpu.memref_slice %arg8[%mul3A_4, %dma_start3A] : memref<10112x8xf32, #tpu.memory_space<vmem_shared>> -> memref<632x8xf32, #tpu.memory_space<vmem_shared>>
      %dma_start3A_44 = arith.constant 0 : i32
      %dma_start3A_45 = tpu.memref_slice %arg4[%mul3A_2, %dma_start3A_44] : memref<10112x8xf32, #tpu.memory_space<hbm>> -> memref<632x8xf32, #tpu.memory_space<hbm>>
      tpu.enqueue_dma source(%dma_start3A_45 : memref<632x8xf32, #tpu.memory_space<hbm>>) target(%dma_start3A_43 : memref<632x8xf32, #tpu.memory_space<vmem_shared>>) target_semaphore(%run_scoped3A_42 : memref<!tpu.dma_semaphore, #tpu.memory_space<semaphore_mem>>)
      %dma_wait3A_46 = arith.constant 0 : i32
      %dma_wait3A_47 = tpu.memref_slice %arg8[%mul3A_4, %dma_wait3A_46] : memref<10112x8xf32, #tpu.memory_space<vmem_shared>> -> memref<632x8xf32, #tpu.memory_space<vmem_shared>>
      %dma_wait3A_48 = arith.constant 0 : i32
      %dma_wait3A_49 = tpu.memref_slice %arg4[%mul3A_2, %dma_wait3A_48] : memref<10112x8xf32, #tpu.memory_space<hbm>> -> memref<632x8xf32, #tpu.memory_space<hbm>>
      tpu.wait_dma2 semaphore(%run_scoped3A_42 : memref<!tpu.dma_semaphore, #tpu.memory_space<semaphore_mem>>) src(%dma_wait3A_49 : memref<632x8xf32, #tpu.memory_space<hbm>>) dst(%dma_wait3A_47 : memref<632x8xf32, #tpu.memory_space<vmem_shared>>)
      tpu.yield
    }) : () -> ()
    %run_scoped3A = arith.constant 1 : i32
    "tpu.region"() ({
      %run_scoped3A_42 = tpu.sem_alloc : memref<!tpu.dma_semaphore, #tpu.memory_space<semaphore_mem>>
      %dma_start3A = arith.constant 0 : i32
      %dma_start3A_43 = arith.constant 0 : i32
      %dma_start3A_44 = tpu.memref_slice %arg2[%run_scoped3A, %add3A, %dma_start3A, %dma_start3A_43] : memref<2x32x80x125xi32, #tpu.memory_space<hbm>> -> memref<1x1x80x125xi32, #tpu.memory_space<hbm>>
      %dma_start3A_45 = tpu.memref_squeeze %dma_start3A_44 : memref<1x1x80x125xi32, #tpu.memory_space<hbm>> -> memref<80x125xi32, #tpu.memory_space<hbm>>
      %dma_start3A_46 = arith.constant 0 : i32
      %dma_start3A_47 = arith.constant 0 : i32
      %dma_start3A_48 = tpu.memref_slice %arg2[%run_scoped3A, %add3A, %dma_start3A_46, %dma_start3A_47] : memref<2x32x80x125xi32, #tpu.memory_space<hbm>> -> memref<1x1x80x125xi32, #tpu.memory_space<hbm>>
      %dma_start3A_49 = tpu.memref_squeeze %dma_start3A_48 : memref<1x1x80x125xi32, #tpu.memory_space<hbm>> -> memref<80x125xi32, #tpu.memory_space<hbm>>
      tpu.enqueue_dma source(%dma_start3A_49 : memref<80x125xi32, #tpu.memory_space<hbm>>) target(%arg6 : memref<80x125xi32, #tpu.memory_space<vmem>>) target_semaphore(%run_scoped3A_42 : memref<!tpu.dma_semaphore, #tpu.memory_space<semaphore_mem>>)
      %dma_wait3A_50 = arith.constant 0 : i32
      %dma_wait3A_51 = arith.constant 0 : i32
      %dma_wait3A_52 = tpu.memref_slice %arg2[%run_scoped3A, %add3A, %dma_wait3A_50, %dma_wait3A_51] : memref<2x32x80x125xi32, #tpu.memory_space<hbm>> -> memref<1x1x80x125xi32, #tpu.memory_space<hbm>>
      %dma_wait3A_53 = tpu.memref_squeeze %dma_wait3A_52 : memref<1x1x80x125xi32, #tpu.memory_space<hbm>> -> memref<80x125xi32, #tpu.memory_space<hbm>>
      %dma_wait3A_54 = arith.constant 0 : i32
      %dma_wait3A_55 = arith.constant 0 : i32
      %dma_wait3A_56 = tpu.memref_slice %arg2[%run_scoped3A, %add3A, %dma_wait3A_54, %dma_wait3A_55] : memref<2x32x80x125xi32, #tpu.memory_space<hbm>> -> memref<1x1x80x125xi32, #tpu.memory_space<hbm>>
      %dma_wait3A_57 = tpu.memref_squeeze %dma_wait3A_56 : memref<1x1x80x125xi32, #tpu.memory_space<hbm>> -> memref<80x125xi32, #tpu.memory_space<hbm>>
      tpu.wait_dma2 semaphore(%run_scoped3A_42 : memref<!tpu.dma_semaphore, #tpu.memory_space<semaphore_mem>>) src(%dma_wait3A_57 : memref<80x125xi32, #tpu.memory_space<hbm>>) dst(%arg6 : memref<80x125xi32, #tpu.memory_space<vmem>>)
      tpu.yield
    }) : () -> ()
    "tpu.region"() ({
      %run_scoped3A_42 = tpu.sem_alloc : memref<!tpu.dma_semaphore, #tpu.memory_space<semaphore_mem>>
      tpu.enqueue_dma source(%arg3 : memref<125x8xf32, #tpu.memory_space<hbm>>) target(%arg7 : memref<125x8xf32, #tpu.memory_space<vmem>>) target_semaphore(%run_scoped3A_42 : memref<!tpu.dma_semaphore, #tpu.memory_space<semaphore_mem>>)
      tpu.wait_dma2 semaphore(%run_scoped3A_42 : memref<!tpu.dma_semaphore, #tpu.memory_space<semaphore_mem>>) src(%arg3 : memref<125x8xf32, #tpu.memory_space<hbm>>) dst(%arg7 : memref<125x8xf32, #tpu.memory_space<vmem>>)
      tpu.yield
    }) : () -> ()
    %barrier3A = arith.constant 0 : index
    tpu.barrier barrier_id(%barrier3A)
    %scan3A = arith.constant 0 : i32
    %scan3A_5 = arith.constant 0 : i32
    %scan3A_6 = arith.constant 20 : i32
    %scan3A_7 = arith.addi %scan3A_5, %scan3A_6 : i32
    %scan3A_8 = arith.constant 1 : i32
    scf.for %scan3A_42 = %scan3A_5 to %scan3A_7 step %scan3A_8  : i32 {
      %mul3A_43 = arith.constant 4 : i32
      %mul3A_44 = arith.muli %mul3A_43, %scan3A_42 : i32
      %add3A_45 = arith.constant 0 : i32
      %add3A_46 = arith.addi %mul3A_44, %add3A_45 : i32
      %ge3A = arith.constant 4 : i32
      %ge3A_47 = arith.cmpi sge, %add3A_46, %ge3A : i32
      %convert_element_type3A = arith.extui %ge3A_47 : i1 to i32
      %cond3A = arith.constant 0 : i32
      %cond3A_48 = arith.cmpi ne, %convert_element_type3A, %cond3A : i32
      scf.if %cond3A_48 {
        %sub3A = arith.constant 4 : i32
        %sub3A_99 = arith.subi %add3A_46, %sub3A : i32
        %dma_wait3A_100 = arith.constant 0 : i32
        %dma_wait3A_101 = tpu.memref_slice %arg6[%sub3A_99, %dma_wait3A_100] : memref<80x125xi32, #tpu.memory_space<vmem>> -> memref<1x125xi32, #tpu.memory_space<vmem>>
        %dma_wait3A_102 = tpu.memref_squeeze %dma_wait3A_101 : memref<1x125xi32, #tpu.memory_space<vmem>> -> memref<125xi32, #tpu.memory_space<vmem>>
        %dma_wait3A_103 = arith.constant 0 : i32
        %dma_wait3A_104 = arith.constant 0 : i32
        %dma_wait3A_105 = tpu.memref_slice %arg8[%dma_wait3A_103, %dma_wait3A_104] : memref<10112x8xf32, #tpu.memory_space<vmem_shared>> -> memref<10112x8xf32, #tpu.memory_space<vmem_shared>>
        tpu.wait_indirect_dma semaphore(%arg9 : memref<!tpu.dma_semaphore, #tpu.memory_space<semaphore_mem>>) src(%arg7 : memref<125x8xf32, #tpu.memory_space<vmem>>) dst(%dma_wait3A_105 : memref<10112x8xf32, #tpu.memory_space<vmem_shared>>)
      } else {
      }
      %dma_start3A = arith.constant 0 : i32
      %dma_start3A_49 = tpu.memref_slice %arg6[%add3A_46, %dma_start3A] : memref<80x125xi32, #tpu.memory_space<vmem>> -> memref<1x125xi32, #tpu.memory_space<vmem>>
      %dma_start3A_50 = tpu.memref_squeeze %dma_start3A_49 : memref<1x125xi32, #tpu.memory_space<vmem>> -> memref<125xi32, #tpu.memory_space<vmem>>
      %dma_start3A_51 = arith.constant 0 : i32
      %dma_start3A_52 = arith.constant 0 : i32
      %dma_start3A_53 = tpu.memref_slice %arg8[%dma_start3A_51, %dma_start3A_52] : memref<10112x8xf32, #tpu.memory_space<vmem_shared>> -> memref<10112x8xf32, #tpu.memory_space<vmem_shared>>
      tpu.enqueue_indirect_dma source(%arg7 : memref<125x8xf32, #tpu.memory_space<vmem>>) target(%dma_start3A_53 : memref<10112x8xf32, #tpu.memory_space<vmem_shared>>) offsets(%dma_start3A_50 : memref<125xi32, #tpu.memory_space<vmem>>) semaphore(%arg9 : memref<!tpu.dma_semaphore, #tpu.memory_space<semaphore_mem>>) {add = true}
      %mul3A_54 = arith.constant 4 : i32
      %mul3A_55 = arith.muli %mul3A_54, %scan3A_42 : i32
      %add3A_56 = arith.constant 1 : i32
      %add3A_57 = arith.addi %mul3A_55, %add3A_56 : i32
      %ge3A_58 = arith.constant 4 : i32
      %ge3A_59 = arith.cmpi sge, %add3A_57, %ge3A_58 : i32
      %convert_element_type3A_60 = arith.extui %ge3A_59 : i1 to i32
      %cond3A_61 = arith.constant 0 : i32
      %cond3A_62 = arith.cmpi ne, %convert_element_type3A_60, %cond3A_61 : i32
      scf.if %cond3A_62 {
        %sub3A = arith.constant 4 : i32
        %sub3A_99 = arith.subi %add3A_57, %sub3A : i32
        %dma_wait3A_100 = arith.constant 0 : i32
        %dma_wait3A_101 = tpu.memref_slice %arg6[%sub3A_99, %dma_wait3A_100] : memref<80x125xi32, #tpu.memory_space<vmem>> -> memref<1x125xi32, #tpu.memory_space<vmem>>
        %dma_wait3A_102 = tpu.memref_squeeze %dma_wait3A_101 : memref<1x125xi32, #tpu.memory_space<vmem>> -> memref<125xi32, #tpu.memory_space<vmem>>
        %dma_wait3A_103 = arith.constant 0 : i32
        %dma_wait3A_104 = arith.constant 0 : i32
        %dma_wait3A_105 = tpu.memref_slice %arg8[%dma_wait3A_103, %dma_wait3A_104] : memref<10112x8xf32, #tpu.memory_space<vmem_shared>> -> memref<10112x8xf32, #tpu.memory_space<vmem_shared>>
        tpu.wait_indirect_dma semaphore(%arg10 : memref<!tpu.dma_semaphore, #tpu.memory_space<semaphore_mem>>) src(%arg7 : memref<125x8xf32, #tpu.memory_space<vmem>>) dst(%dma_wait3A_105 : memref<10112x8xf32, #tpu.memory_space<vmem_shared>>)
      } else {
      }
      %dma_start3A_63 = arith.constant 0 : i32
      %dma_start3A_64 = tpu.memref_slice %arg6[%add3A_57, %dma_start3A_63] : memref<80x125xi32, #tpu.memory_space<vmem>> -> memref<1x125xi32, #tpu.memory_space<vmem>>
      %dma_start3A_65 = tpu.memref_squeeze %dma_start3A_64 : memref<1x125xi32, #tpu.memory_space<vmem>> -> memref<125xi32, #tpu.memory_space<vmem>>
      %dma_start3A_66 = arith.constant 0 : i32
      %dma_start3A_67 = arith.constant 0 : i32
      %dma_start3A_68 = tpu.memref_slice %arg8[%dma_start3A_66, %dma_start3A_67] : memref<10112x8xf32, #tpu.memory_space<vmem_shared>> -> memref<10112x8xf32, #tpu.memory_space<vmem_shared>>
      tpu.enqueue_indirect_dma source(%arg7 : memref<125x8xf32, #tpu.memory_space<vmem>>) target(%dma_start3A_68 : memref<10112x8xf32, #tpu.memory_space<vmem_shared>>) offsets(%dma_start3A_65 : memref<125xi32, #tpu.memory_space<vmem>>) semaphore(%arg10 : memref<!tpu.dma_semaphore, #tpu.memory_space<semaphore_mem>>) {add = true}
      %mul3A_69 = arith.constant 4 : i32
      %mul3A_70 = arith.muli %mul3A_69, %scan3A_42 : i32
      %add3A_71 = arith.constant 2 : i32
      %add3A_72 = arith.addi %mul3A_70, %add3A_71 : i32
      %ge3A_73 = arith.constant 4 : i32
      %ge3A_74 = arith.cmpi sge, %add3A_72, %ge3A_73 : i32
      %convert_element_type3A_75 = arith.extui %ge3A_74 : i1 to i32
      %cond3A_76 = arith.constant 0 : i32
      %cond3A_77 = arith.cmpi ne, %convert_element_type3A_75, %cond3A_76 : i32
      scf.if %cond3A_77 {
        %sub3A = arith.constant 4 : i32
        %sub3A_99 = arith.subi %add3A_72, %sub3A : i32
        %dma_wait3A_100 = arith.constant 0 : i32
        %dma_wait3A_101 = tpu.memref_slice %arg6[%sub3A_99, %dma_wait3A_100] : memref<80x125xi32, #tpu.memory_space<vmem>> -> memref<1x125xi32, #tpu.memory_space<vmem>>
        %dma_wait3A_102 = tpu.memref_squeeze %dma_wait3A_101 : memref<1x125xi32, #tpu.memory_space<vmem>> -> memref<125xi32, #tpu.memory_space<vmem>>
        %dma_wait3A_103 = arith.constant 0 : i32
        %dma_wait3A_104 = arith.constant 0 : i32
        %dma_wait3A_105 = tpu.memref_slice %arg8[%dma_wait3A_103, %dma_wait3A_104] : memref<10112x8xf32, #tpu.memory_space<vmem_shared>> -> memref<10112x8xf32, #tpu.memory_space<vmem_shared>>
        tpu.wait_indirect_dma semaphore(%arg11 : memref<!tpu.dma_semaphore, #tpu.memory_space<semaphore_mem>>) src(%arg7 : memref<125x8xf32, #tpu.memory_space<vmem>>) dst(%dma_wait3A_105 : memref<10112x8xf32, #tpu.memory_space<vmem_shared>>)
      } else {
      }
      %dma_start3A_78 = arith.constant 0 : i32
      %dma_start3A_79 = tpu.memref_slice %arg6[%add3A_72, %dma_start3A_78] : memref<80x125xi32, #tpu.memory_space<vmem>> -> memref<1x125xi32, #tpu.memory_space<vmem>>
      %dma_start3A_80 = tpu.memref_squeeze %dma_start3A_79 : memref<1x125xi32, #tpu.memory_space<vmem>> -> memref<125xi32, #tpu.memory_space<vmem>>
      %dma_start3A_81 = arith.constant 0 : i32
      %dma_start3A_82 = arith.constant 0 : i32
      %dma_start3A_83 = tpu.memref_slice %arg8[%dma_start3A_81, %dma_start3A_82] : memref<10112x8xf32, #tpu.memory_space<vmem_shared>> -> memref<10112x8xf32, #tpu.memory_space<vmem_shared>>
      tpu.enqueue_indirect_dma source(%arg7 : memref<125x8xf32, #tpu.memory_space<vmem>>) target(%dma_start3A_83 : memref<10112x8xf32, #tpu.memory_space<vmem_shared>>) offsets(%dma_start3A_80 : memref<125xi32, #tpu.memory_space<vmem>>) semaphore(%arg11 : memref<!tpu.dma_semaphore, #tpu.memory_space<semaphore_mem>>) {add = true}
      %mul3A_84 = arith.constant 4 : i32
      %mul3A_85 = arith.muli %mul3A_84, %scan3A_42 : i32
      %add3A_86 = arith.constant 3 : i32
      %add3A_87 = arith.addi %mul3A_85, %add3A_86 : i32
      %ge3A_88 = arith.constant 4 : i32
      %ge3A_89 = arith.cmpi sge, %add3A_87, %ge3A_88 : i32
      %convert_element_type3A_90 = arith.extui %ge3A_89 : i1 to i32
      %cond3A_91 = arith.constant 0 : i32
      %cond3A_92 = arith.cmpi ne, %convert_element_type3A_90, %cond3A_91 : i32
      scf.if %cond3A_92 {
        %sub3A = arith.constant 4 : i32
        %sub3A_99 = arith.subi %add3A_87, %sub3A : i32
        %dma_wait3A_100 = arith.constant 0 : i32
        %dma_wait3A_101 = tpu.memref_slice %arg6[%sub3A_99, %dma_wait3A_100] : memref<80x125xi32, #tpu.memory_space<vmem>> -> memref<1x125xi32, #tpu.memory_space<vmem>>
        %dma_wait3A_102 = tpu.memref_squeeze %dma_wait3A_101 : memref<1x125xi32, #tpu.memory_space<vmem>> -> memref<125xi32, #tpu.memory_space<vmem>>
        %dma_wait3A_103 = arith.constant 0 : i32
        %dma_wait3A_104 = arith.constant 0 : i32
        %dma_wait3A_105 = tpu.memref_slice %arg8[%dma_wait3A_103, %dma_wait3A_104] : memref<10112x8xf32, #tpu.memory_space<vmem_shared>> -> memref<10112x8xf32, #tpu.memory_space<vmem_shared>>
        tpu.wait_indirect_dma semaphore(%arg12 : memref<!tpu.dma_semaphore, #tpu.memory_space<semaphore_mem>>) src(%arg7 : memref<125x8xf32, #tpu.memory_space<vmem>>) dst(%dma_wait3A_105 : memref<10112x8xf32, #tpu.memory_space<vmem_shared>>)
      } else {
      }
      %dma_start3A_93 = arith.constant 0 : i32
      %dma_start3A_94 = tpu.memref_slice %arg6[%add3A_87, %dma_start3A_93] : memref<80x125xi32, #tpu.memory_space<vmem>> -> memref<1x125xi32, #tpu.memory_space<vmem>>
      %dma_start3A_95 = tpu.memref_squeeze %dma_start3A_94 : memref<1x125xi32, #tpu.memory_space<vmem>> -> memref<125xi32, #tpu.memory_space<vmem>>
      %dma_start3A_96 = arith.constant 0 : i32
      %dma_start3A_97 = arith.constant 0 : i32
      %dma_start3A_98 = tpu.memref_slice %arg8[%dma_start3A_96, %dma_start3A_97] : memref<10112x8xf32, #tpu.memory_space<vmem_shared>> -> memref<10112x8xf32, #tpu.memory_space<vmem_shared>>
      tpu.enqueue_indirect_dma source(%arg7 : memref<125x8xf32, #tpu.memory_space<vmem>>) target(%dma_start3A_98 : memref<10112x8xf32, #tpu.memory_space<vmem_shared>>) offsets(%dma_start3A_95 : memref<125xi32, #tpu.memory_space<vmem>>) semaphore(%arg12 : memref<!tpu.dma_semaphore, #tpu.memory_space<semaphore_mem>>) {add = true}
    }
    %scan3A_9 = arith.constant 20 : i32
    %dma_wait3A = arith.constant 76 : i32
    %dma_wait3A_10 = arith.constant 0 : i32
    %dma_wait3A_11 = tpu.memref_slice %arg6[%dma_wait3A, %dma_wait3A_10] : memref<80x125xi32, #tpu.memory_space<vmem>> -> memref<1x125xi32, #tpu.memory_space<vmem>>
    %dma_wait3A_12 = tpu.memref_squeeze %dma_wait3A_11 : memref<1x125xi32, #tpu.memory_space<vmem>> -> memref<125xi32, #tpu.memory_space<vmem>>
    %dma_wait3A_13 = arith.constant 0 : i32
    %dma_wait3A_14 = arith.constant 0 : i32
    %dma_wait3A_15 = tpu.memref_slice %arg8[%dma_wait3A_13, %dma_wait3A_14] : memref<10112x8xf32, #tpu.memory_space<vmem_shared>> -> memref<10112x8xf32, #tpu.memory_space<vmem_shared>>
    tpu.wait_indirect_dma semaphore(%arg9 : memref<!tpu.dma_semaphore, #tpu.memory_space<semaphore_mem>>) src(%arg7 : memref<125x8xf32, #tpu.memory_space<vmem>>) dst(%dma_wait3A_15 : memref<10112x8xf32, #tpu.memory_space<vmem_shared>>)
    %dma_wait3A_16 = arith.constant 77 : i32
    %dma_wait3A_17 = arith.constant 0 : i32
    %dma_wait3A_18 = tpu.memref_slice %arg6[%dma_wait3A_16, %dma_wait3A_17] : memref<80x125xi32, #tpu.memory_space<vmem>> -> memref<1x125xi32, #tpu.memory_space<vmem>>
    %dma_wait3A_19 = tpu.memref_squeeze %dma_wait3A_18 : memref<1x125xi32, #tpu.memory_space<vmem>> -> memref<125xi32, #tpu.memory_space<vmem>>
    %dma_wait3A_20 = arith.constant 0 : i32
    %dma_wait3A_21 = arith.constant 0 : i32
    %dma_wait3A_22 = tpu.memref_slice %arg8[%dma_wait3A_20, %dma_wait3A_21] : memref<10112x8xf32, #tpu.memory_space<vmem_shared>> -> memref<10112x8xf32, #tpu.memory_space<vmem_shared>>
    tpu.wait_indirect_dma semaphore(%arg10 : memref<!tpu.dma_semaphore, #tpu.memory_space<semaphore_mem>>) src(%arg7 : memref<125x8xf32, #tpu.memory_space<vmem>>) dst(%dma_wait3A_22 : memref<10112x8xf32, #tpu.memory_space<vmem_shared>>)
    %dma_wait3A_23 = arith.constant 78 : i32
    %dma_wait3A_24 = arith.constant 0 : i32
    %dma_wait3A_25 = tpu.memref_slice %arg6[%dma_wait3A_23, %dma_wait3A_24] : memref<80x125xi32, #tpu.memory_space<vmem>> -> memref<1x125xi32, #tpu.memory_space<vmem>>
    %dma_wait3A_26 = tpu.memref_squeeze %dma_wait3A_25 : memref<1x125xi32, #tpu.memory_space<vmem>> -> memref<125xi32, #tpu.memory_space<vmem>>
    %dma_wait3A_27 = arith.constant 0 : i32
    %dma_wait3A_28 = arith.constant 0 : i32
    %dma_wait3A_29 = tpu.memref_slice %arg8[%dma_wait3A_27, %dma_wait3A_28] : memref<10112x8xf32, #tpu.memory_space<vmem_shared>> -> memref<10112x8xf32, #tpu.memory_space<vmem_shared>>
    tpu.wait_indirect_dma semaphore(%arg11 : memref<!tpu.dma_semaphore, #tpu.memory_space<semaphore_mem>>) src(%arg7 : memref<125x8xf32, #tpu.memory_space<vmem>>) dst(%dma_wait3A_29 : memref<10112x8xf32, #tpu.memory_space<vmem_shared>>)
    %dma_wait3A_30 = arith.constant 79 : i32
    %dma_wait3A_31 = arith.constant 0 : i32
    %dma_wait3A_32 = tpu.memref_slice %arg6[%dma_wait3A_30, %dma_wait3A_31] : memref<80x125xi32, #tpu.memory_space<vmem>> -> memref<1x125xi32, #tpu.memory_space<vmem>>
    %dma_wait3A_33 = tpu.memref_squeeze %dma_wait3A_32 : memref<1x125xi32, #tpu.memory_space<vmem>> -> memref<125xi32, #tpu.memory_space<vmem>>
    %dma_wait3A_34 = arith.constant 0 : i32
    %dma_wait3A_35 = arith.constant 0 : i32
    %dma_wait3A_36 = tpu.memref_slice %arg8[%dma_wait3A_34, %dma_wait3A_35] : memref<10112x8xf32, #tpu.memory_space<vmem_shared>> -> memref<10112x8xf32, #tpu.memory_space<vmem_shared>>
    tpu.wait_indirect_dma semaphore(%arg12 : memref<!tpu.dma_semaphore, #tpu.memory_space<semaphore_mem>>) src(%arg7 : memref<125x8xf32, #tpu.memory_space<vmem>>) dst(%dma_wait3A_36 : memref<10112x8xf32, #tpu.memory_space<vmem_shared>>)
    %barrier3A_37 = arith.constant 0 : index
    tpu.barrier barrier_id(%barrier3A_37)
    %mul3A_38 = arith.constant 632 : i32
    %mul3A_39 = arith.muli %arg1, %mul3A_38 : i32
    %mul3A_40 = arith.constant 632 : i32
    %mul3A_41 = arith.muli %arg1, %mul3A_40 : i32
    "tpu.region"() ({
      %run_scoped3A_42 = tpu.sem_alloc : memref<!tpu.dma_semaphore, #tpu.memory_space<semaphore_mem>>
      %dma_start3A = arith.constant 0 : i32
      %dma_start3A_43 = tpu.memref_slice %arg5[%arg0, %mul3A_41, %dma_start3A] : memref<2x10112x8xf32, #tpu.memory_space<hbm>> -> memref<1x632x8xf32, #tpu.memory_space<hbm>>
      %dma_start3A_44 = tpu.memref_squeeze %dma_start3A_43 : memref<1x632x8xf32, #tpu.memory_space<hbm>> -> memref<632x8xf32, #tpu.memory_space<hbm>>
      %dma_start3A_45 = arith.constant 0 : i32
      %dma_start3A_46 = tpu.memref_slice %arg8[%mul3A_39, %dma_start3A_45] : memref<10112x8xf32, #tpu.memory_space<vmem_shared>> -> memref<632x8xf32, #tpu.memory_space<vmem_shared>>
      tpu.enqueue_dma source(%dma_start3A_46 : memref<632x8xf32, #tpu.memory_space<vmem_shared>>) target(%dma_start3A_44 : memref<632x8xf32, #tpu.memory_space<hbm>>) target_semaphore(%run_scoped3A_42 : memref<!tpu.dma_semaphore, #tpu.memory_space<semaphore_mem>>)
      %dma_wait3A_47 = arith.constant 0 : i32
      %dma_wait3A_48 = tpu.memref_slice %arg5[%arg0, %mul3A_41, %dma_wait3A_47] : memref<2x10112x8xf32, #tpu.memory_space<hbm>> -> memref<1x632x8xf32, #tpu.memory_space<hbm>>
      %dma_wait3A_49 = tpu.memref_squeeze %dma_wait3A_48 : memref<1x632x8xf32, #tpu.memory_space<hbm>> -> memref<632x8xf32, #tpu.memory_space<hbm>>
      %dma_wait3A_50 = arith.constant 0 : i32
      %dma_wait3A_51 = tpu.memref_slice %arg8[%mul3A_39, %dma_wait3A_50] : memref<10112x8xf32, #tpu.memory_space<vmem_shared>> -> memref<632x8xf32, #tpu.memory_space<vmem_shared>>
      tpu.wait_dma2 semaphore(%run_scoped3A_42 : memref<!tpu.dma_semaphore, #tpu.memory_space<semaphore_mem>>) src(%dma_wait3A_51 : memref<632x8xf32, #tpu.memory_space<vmem_shared>>) dst(%dma_wait3A_49 : memref<632x8xf32, #tpu.memory_space<hbm>>)
      tpu.yield
    }) : () -> ()
    return
  }
}

#map = affine_map<(d0, d1) -> (0, 0)>
#map1 = affine_map<(d0, d1) -> (0, 0, 0, 0)>
#map2 = affine_map<(d0, d1) -> (0, 0, 0)>
module attributes {stable_mosaic.version = 14 : i64} {
  func.func @k(%arg0: i32, %arg1: i32, %arg2: memref<10000x64xbf16, #tpu.memory_space<hbm>>, %arg3: memref<2x32x80x125xi32, #tpu.memory_space<hbm>>, %arg4: memref<10112x64xbf16, #tpu.memory_space<hbm>>, %arg5: memref<2x10112x64xbf16, #tpu.memory_space<hbm>>, %arg6: memref<80x125xi32, #tpu.memory_space<vmem>>, %arg7: memref<80x125xi32, #tpu.memory_space<vmem>>, %arg8: memref<125x64xbf16, #tpu.memory_space<vmem>>, %arg9: memref<125x64xbf16, #tpu.memory_space<vmem>>, %arg10: memref<125x64xbf16, #tpu.memory_space<vmem>>, %arg11: memref<125x64xbf16, #tpu.memory_space<vmem>>, %arg12: memref<125x64xbf16, #tpu.memory_space<vmem>>, %arg13: memref<125x64xbf16, #tpu.memory_space<vmem>>, %arg14: memref<125x64xbf16, #tpu.memory_space<vmem>>, %arg15: memref<125x64xbf16, #tpu.memory_space<vmem>>, %arg16: memref<10112x64xbf16, #tpu.memory_space<vmem_shared>>, %arg17: memref<!tpu.dma_semaphore, #tpu.memory_space<semaphore_mem>>, %arg18: memref<!tpu.dma_semaphore, #tpu.memory_space<semaphore_mem>>, %arg19: memref<!tpu.dma_semaphore, #tpu.memory_space<semaphore_mem>>, %arg20: memref<!tpu.dma_semaphore, #tpu.memory_space<semaphore_mem>>, %arg21: memref<!tpu.dma_semaphore, #tpu.memory_space<semaphore_mem>>, %arg22: memref<!tpu.dma_semaphore, #tpu.memory_space<semaphore_mem>>, %arg23: memref<!tpu.dma_semaphore, #tpu.memory_space<semaphore_mem>>, %arg24: memref<!tpu.dma_semaphore, #tpu.memory_space<semaphore_mem>>, %arg25: memref<!tpu.dma_semaphore, #tpu.memory_space<semaphore_mem>>, %arg26: memref<!tpu.dma_semaphore, #tpu.memory_space<semaphore_mem>>, %arg27: memref<!tpu.dma_semaphore, #tpu.memory_space<semaphore_mem>>, %arg28: memref<!tpu.dma_semaphore, #tpu.memory_space<semaphore_mem>>, %arg29: memref<!tpu.dma_semaphore, #tpu.memory_space<semaphore_mem>>, %arg30: memref<!tpu.dma_semaphore, #tpu.memory_space<semaphore_mem>>, %arg31: memref<!tpu.dma_semaphore, #tpu.memory_space<semaphore_mem>>, %arg32: memref<!tpu.dma_semaphore, #tpu.memory_space<semaphore_mem>>) attributes {dimension_semantics = [#tpu.dimension_semantics<core_parallel>, #tpu.dimension_semantics<subcore_parallel>], iteration_bounds = array<i64: 2, 16>, scalar_prefetch = 0 : i64, scratch_operands = 27 : i64, tpu.core_type = #tpu.core_type<sc_vector_subcore>, window_params = [{transform_indices = #map}, {transform_indices = #map1}, {transform_indices = #map}, {transform_indices = #map2}]} {
    %mul3A = arith.constant 16 : i32
    %mul3A_0 = arith.muli %arg0, %mul3A : i32
    %add3A = arith.addi %mul3A_0, %arg1 : i32
    %mul3A_1 = arith.constant 632 : i32
    %mul3A_2 = arith.muli %arg1, %mul3A_1 : i32
    %mul3A_3 = arith.constant 632 : i32
    %mul3A_4 = arith.muli %arg1, %mul3A_3 : i32
    "tpu.region"() ({
      %run_scoped3A_70 = tpu.sem_alloc : memref<!tpu.dma_semaphore, #tpu.memory_space<semaphore_mem>>
      %dma_start3A_71 = arith.constant 0 : i32
      %dma_start3A_72 = tpu.memref_slice %arg16[%mul3A_4, %dma_start3A_71] : memref<10112x64xbf16, #tpu.memory_space<vmem_shared>> -> memref<632x64xbf16, #tpu.memory_space<vmem_shared>>
      %dma_start3A_73 = arith.constant 0 : i32
      %dma_start3A_74 = tpu.memref_slice %arg4[%mul3A_2, %dma_start3A_73] : memref<10112x64xbf16, #tpu.memory_space<hbm>> -> memref<632x64xbf16, #tpu.memory_space<hbm>>
      tpu.enqueue_dma source(%dma_start3A_74 : memref<632x64xbf16, #tpu.memory_space<hbm>>) target(%dma_start3A_72 : memref<632x64xbf16, #tpu.memory_space<vmem_shared>>) target_semaphore(%run_scoped3A_70 : memref<!tpu.dma_semaphore, #tpu.memory_space<semaphore_mem>>)
      %dma_wait3A_75 = arith.constant 0 : i32
      %dma_wait3A_76 = tpu.memref_slice %arg16[%mul3A_4, %dma_wait3A_75] : memref<10112x64xbf16, #tpu.memory_space<vmem_shared>> -> memref<632x64xbf16, #tpu.memory_space<vmem_shared>>
      %dma_wait3A_77 = arith.constant 0 : i32
      %dma_wait3A_78 = tpu.memref_slice %arg4[%mul3A_2, %dma_wait3A_77] : memref<10112x64xbf16, #tpu.memory_space<hbm>> -> memref<632x64xbf16, #tpu.memory_space<hbm>>
      tpu.wait_dma2 semaphore(%run_scoped3A_70 : memref<!tpu.dma_semaphore, #tpu.memory_space<semaphore_mem>>) src(%dma_wait3A_78 : memref<632x64xbf16, #tpu.memory_space<hbm>>) dst(%dma_wait3A_76 : memref<632x64xbf16, #tpu.memory_space<vmem_shared>>)
      tpu.yield
    }) : () -> ()
    %run_scoped3A = arith.constant 0 : i32
    "tpu.region"() ({
      %run_scoped3A_70 = tpu.sem_alloc : memref<!tpu.dma_semaphore, #tpu.memory_space<semaphore_mem>>
      %dma_start3A_71 = arith.constant 0 : i32
      %dma_start3A_72 = arith.constant 0 : i32
      %dma_start3A_73 = tpu.memref_slice %arg3[%run_scoped3A, %add3A, %dma_start3A_71, %dma_start3A_72] : memref<2x32x80x125xi32, #tpu.memory_space<hbm>> -> memref<1x1x80x125xi32, #tpu.memory_space<hbm>>
      %dma_start3A_74 = tpu.memref_squeeze %dma_start3A_73 : memref<1x1x80x125xi32, #tpu.memory_space<hbm>> -> memref<80x125xi32, #tpu.memory_space<hbm>>
      %dma_start3A_75 = arith.constant 0 : i32
      %dma_start3A_76 = arith.constant 0 : i32
      %dma_start3A_77 = tpu.memref_slice %arg3[%run_scoped3A, %add3A, %dma_start3A_75, %dma_start3A_76] : memref<2x32x80x125xi32, #tpu.memory_space<hbm>> -> memref<1x1x80x125xi32, #tpu.memory_space<hbm>>
      %dma_start3A_78 = tpu.memref_squeeze %dma_start3A_77 : memref<1x1x80x125xi32, #tpu.memory_space<hbm>> -> memref<80x125xi32, #tpu.memory_space<hbm>>
      tpu.enqueue_dma source(%dma_start3A_78 : memref<80x125xi32, #tpu.memory_space<hbm>>) target(%arg6 : memref<80x125xi32, #tpu.memory_space<vmem>>) target_semaphore(%run_scoped3A_70 : memref<!tpu.dma_semaphore, #tpu.memory_space<semaphore_mem>>)
      %dma_wait3A_79 = arith.constant 0 : i32
      %dma_wait3A_80 = arith.constant 0 : i32
      %dma_wait3A_81 = tpu.memref_slice %arg3[%run_scoped3A, %add3A, %dma_wait3A_79, %dma_wait3A_80] : memref<2x32x80x125xi32, #tpu.memory_space<hbm>> -> memref<1x1x80x125xi32, #tpu.memory_space<hbm>>
      %dma_wait3A_82 = tpu.memref_squeeze %dma_wait3A_81 : memref<1x1x80x125xi32, #tpu.memory_space<hbm>> -> memref<80x125xi32, #tpu.memory_space<hbm>>
      %dma_wait3A_83 = arith.constant 0 : i32
      %dma_wait3A_84 = arith.constant 0 : i32
      %dma_wait3A_85 = tpu.memref_slice %arg3[%run_scoped3A, %add3A, %dma_wait3A_83, %dma_wait3A_84] : memref<2x32x80x125xi32, #tpu.memory_space<hbm>> -> memref<1x1x80x125xi32, #tpu.memory_space<hbm>>
      %dma_wait3A_86 = tpu.memref_squeeze %dma_wait3A_85 : memref<1x1x80x125xi32, #tpu.memory_space<hbm>> -> memref<80x125xi32, #tpu.memory_space<hbm>>
      tpu.wait_dma2 semaphore(%run_scoped3A_70 : memref<!tpu.dma_semaphore, #tpu.memory_space<semaphore_mem>>) src(%dma_wait3A_86 : memref<80x125xi32, #tpu.memory_space<hbm>>) dst(%arg6 : memref<80x125xi32, #tpu.memory_space<vmem>>)
      tpu.yield
    }) : () -> ()
    %run_scoped3A_5 = arith.constant 1 : i32
    "tpu.region"() ({
      %run_scoped3A_70 = tpu.sem_alloc : memref<!tpu.dma_semaphore, #tpu.memory_space<semaphore_mem>>
      %dma_start3A_71 = arith.constant 0 : i32
      %dma_start3A_72 = arith.constant 0 : i32
      %dma_start3A_73 = tpu.memref_slice %arg3[%run_scoped3A_5, %add3A, %dma_start3A_71, %dma_start3A_72] : memref<2x32x80x125xi32, #tpu.memory_space<hbm>> -> memref<1x1x80x125xi32, #tpu.memory_space<hbm>>
      %dma_start3A_74 = tpu.memref_squeeze %dma_start3A_73 : memref<1x1x80x125xi32, #tpu.memory_space<hbm>> -> memref<80x125xi32, #tpu.memory_space<hbm>>
      %dma_start3A_75 = arith.constant 0 : i32
      %dma_start3A_76 = arith.constant 0 : i32
      %dma_start3A_77 = tpu.memref_slice %arg3[%run_scoped3A_5, %add3A, %dma_start3A_75, %dma_start3A_76] : memref<2x32x80x125xi32, #tpu.memory_space<hbm>> -> memref<1x1x80x125xi32, #tpu.memory_space<hbm>>
      %dma_start3A_78 = tpu.memref_squeeze %dma_start3A_77 : memref<1x1x80x125xi32, #tpu.memory_space<hbm>> -> memref<80x125xi32, #tpu.memory_space<hbm>>
      tpu.enqueue_dma source(%dma_start3A_78 : memref<80x125xi32, #tpu.memory_space<hbm>>) target(%arg7 : memref<80x125xi32, #tpu.memory_space<vmem>>) target_semaphore(%run_scoped3A_70 : memref<!tpu.dma_semaphore, #tpu.memory_space<semaphore_mem>>)
      %dma_wait3A_79 = arith.constant 0 : i32
      %dma_wait3A_80 = arith.constant 0 : i32
      %dma_wait3A_81 = tpu.memref_slice %arg3[%run_scoped3A_5, %add3A, %dma_wait3A_79, %dma_wait3A_80] : memref<2x32x80x125xi32, #tpu.memory_space<hbm>> -> memref<1x1x80x125xi32, #tpu.memory_space<hbm>>
      %dma_wait3A_82 = tpu.memref_squeeze %dma_wait3A_81 : memref<1x1x80x125xi32, #tpu.memory_space<hbm>> -> memref<80x125xi32, #tpu.memory_space<hbm>>
      %dma_wait3A_83 = arith.constant 0 : i32
      %dma_wait3A_84 = arith.constant 0 : i32
      %dma_wait3A_85 = tpu.memref_slice %arg3[%run_scoped3A_5, %add3A, %dma_wait3A_83, %dma_wait3A_84] : memref<2x32x80x125xi32, #tpu.memory_space<hbm>> -> memref<1x1x80x125xi32, #tpu.memory_space<hbm>>
      %dma_wait3A_86 = tpu.memref_squeeze %dma_wait3A_85 : memref<1x1x80x125xi32, #tpu.memory_space<hbm>> -> memref<80x125xi32, #tpu.memory_space<hbm>>
      tpu.wait_dma2 semaphore(%run_scoped3A_70 : memref<!tpu.dma_semaphore, #tpu.memory_space<semaphore_mem>>) src(%dma_wait3A_86 : memref<80x125xi32, #tpu.memory_space<hbm>>) dst(%arg7 : memref<80x125xi32, #tpu.memory_space<vmem>>)
      tpu.yield
    }) : () -> ()
    %barrier3A = arith.constant 0 : index
    tpu.barrier barrier_id(%barrier3A)
    %dma_start3A = arith.constant 0 : i32
    %dma_start3A_6 = arith.constant 0 : i32
    %dma_start3A_7 = tpu.memref_slice %arg6[%dma_start3A, %dma_start3A_6] : memref<80x125xi32, #tpu.memory_space<vmem>> -> memref<1x125xi32, #tpu.memory_space<vmem>>
    %dma_start3A_8 = tpu.memref_squeeze %dma_start3A_7 : memref<1x125xi32, #tpu.memory_space<vmem>> -> memref<125xi32, #tpu.memory_space<vmem>>
    %dma_start3A_9 = arith.constant 0 : i32
    %dma_start3A_10 = arith.constant 0 : i32
    %dma_start3A_11 = tpu.memref_slice %arg2[%dma_start3A_9, %dma_start3A_10] : memref<10000x64xbf16, #tpu.memory_space<hbm>> -> memref<10000x64xbf16, #tpu.memory_space<hbm>>
    tpu.enqueue_indirect_dma source(%dma_start3A_11 : memref<10000x64xbf16, #tpu.memory_space<hbm>>) target(%arg8 : memref<125x64xbf16, #tpu.memory_space<vmem>>) offsets(%dma_start3A_8 : memref<125xi32, #tpu.memory_space<vmem>>) semaphore(%arg17 : memref<!tpu.dma_semaphore, #tpu.memory_space<semaphore_mem>>)
    %dma_start3A_12 = arith.constant 1 : i32
    %dma_start3A_13 = arith.constant 0 : i32
    %dma_start3A_14 = tpu.memref_slice %arg6[%dma_start3A_12, %dma_start3A_13] : memref<80x125xi32, #tpu.memory_space<vmem>> -> memref<1x125xi32, #tpu.memory_space<vmem>>
    %dma_start3A_15 = tpu.memref_squeeze %dma_start3A_14 : memref<1x125xi32, #tpu.memory_space<vmem>> -> memref<125xi32, #tpu.memory_space<vmem>>
    %dma_start3A_16 = arith.constant 0 : i32
    %dma_start3A_17 = arith.constant 0 : i32
    %dma_start3A_18 = tpu.memref_slice %arg2[%dma_start3A_16, %dma_start3A_17] : memref<10000x64xbf16, #tpu.memory_space<hbm>> -> memref<10000x64xbf16, #tpu.memory_space<hbm>>
    tpu.enqueue_indirect_dma source(%dma_start3A_18 : memref<10000x64xbf16, #tpu.memory_space<hbm>>) target(%arg9 : memref<125x64xbf16, #tpu.memory_space<vmem>>) offsets(%dma_start3A_15 : memref<125xi32, #tpu.memory_space<vmem>>) semaphore(%arg18 : memref<!tpu.dma_semaphore, #tpu.memory_space<semaphore_mem>>)
    %dma_start3A_19 = arith.constant 2 : i32
    %dma_start3A_20 = arith.constant 0 : i32
    %dma_start3A_21 = tpu.memref_slice %arg6[%dma_start3A_19, %dma_start3A_20] : memref<80x125xi32, #tpu.memory_space<vmem>> -> memref<1x125xi32, #tpu.memory_space<vmem>>
    %dma_start3A_22 = tpu.memref_squeeze %dma_start3A_21 : memref<1x125xi32, #tpu.memory_space<vmem>> -> memref<125xi32, #tpu.memory_space<vmem>>
    %dma_start3A_23 = arith.constant 0 : i32
    %dma_start3A_24 = arith.constant 0 : i32
    %dma_start3A_25 = tpu.memref_slice %arg2[%dma_start3A_23, %dma_start3A_24] : memref<10000x64xbf16, #tpu.memory_space<hbm>> -> memref<10000x64xbf16, #tpu.memory_space<hbm>>
    tpu.enqueue_indirect_dma source(%dma_start3A_25 : memref<10000x64xbf16, #tpu.memory_space<hbm>>) target(%arg10 : memref<125x64xbf16, #tpu.memory_space<vmem>>) offsets(%dma_start3A_22 : memref<125xi32, #tpu.memory_space<vmem>>) semaphore(%arg19 : memref<!tpu.dma_semaphore, #tpu.memory_space<semaphore_mem>>)
    %dma_start3A_26 = arith.constant 3 : i32
    %dma_start3A_27 = arith.constant 0 : i32
    %dma_start3A_28 = tpu.memref_slice %arg6[%dma_start3A_26, %dma_start3A_27] : memref<80x125xi32, #tpu.memory_space<vmem>> -> memref<1x125xi32, #tpu.memory_space<vmem>>
    %dma_start3A_29 = tpu.memref_squeeze %dma_start3A_28 : memref<1x125xi32, #tpu.memory_space<vmem>> -> memref<125xi32, #tpu.memory_space<vmem>>
    %dma_start3A_30 = arith.constant 0 : i32
    %dma_start3A_31 = arith.constant 0 : i32
    %dma_start3A_32 = tpu.memref_slice %arg2[%dma_start3A_30, %dma_start3A_31] : memref<10000x64xbf16, #tpu.memory_space<hbm>> -> memref<10000x64xbf16, #tpu.memory_space<hbm>>
    tpu.enqueue_indirect_dma source(%dma_start3A_32 : memref<10000x64xbf16, #tpu.memory_space<hbm>>) target(%arg11 : memref<125x64xbf16, #tpu.memory_space<vmem>>) offsets(%dma_start3A_29 : memref<125xi32, #tpu.memory_space<vmem>>) semaphore(%arg20 : memref<!tpu.dma_semaphore, #tpu.memory_space<semaphore_mem>>)
    %scan3A = arith.constant 0 : i32
    %scan3A_33 = arith.constant 0 : i32
    %scan3A_34 = arith.constant 10 : i32
    %scan3A_35 = arith.addi %scan3A_33, %scan3A_34 : i32
    %scan3A_36 = arith.constant 1 : i32
    scf.for %scan3A_70 = %scan3A_33 to %scan3A_35 step %scan3A_36  : i32 {
      %mul3A_71 = arith.constant 8 : i32
      %mul3A_72 = arith.muli %mul3A_71, %scan3A_70 : i32
      %add3A_73 = arith.constant 0 : i32
      %add3A_74 = arith.addi %mul3A_72, %add3A_73 : i32
      %ge3A = arith.constant 4 : i32
      %ge3A_75 = arith.cmpi sge, %add3A_74, %ge3A : i32
      %convert_element_type3A = arith.extui %ge3A_75 : i1 to i32
      %cond3A = arith.constant 0 : i32
      %cond3A_76 = arith.cmpi ne, %convert_element_type3A, %cond3A : i32
      scf.if %cond3A_76 {
        %sub3A = arith.constant 4 : i32
        %sub3A_291 = arith.subi %add3A_74, %sub3A : i32
        %dma_wait3A_292 = arith.constant 0 : i32
        %dma_wait3A_293 = tpu.memref_slice %arg7[%sub3A_291, %dma_wait3A_292] : memref<80x125xi32, #tpu.memory_space<vmem>> -> memref<1x125xi32, #tpu.memory_space<vmem>>
        %dma_wait3A_294 = tpu.memref_squeeze %dma_wait3A_293 : memref<1x125xi32, #tpu.memory_space<vmem>> -> memref<125xi32, #tpu.memory_space<vmem>>
        %dma_wait3A_295 = arith.constant 0 : i32
        %dma_wait3A_296 = arith.constant 0 : i32
        %dma_wait3A_297 = tpu.memref_slice %arg16[%dma_wait3A_295, %dma_wait3A_296] : memref<10112x64xbf16, #tpu.memory_space<vmem_shared>> -> memref<10112x64xbf16, #tpu.memory_space<vmem_shared>>
        tpu.wait_indirect_dma semaphore(%arg29 : memref<!tpu.dma_semaphore, #tpu.memory_space<semaphore_mem>>) src(%arg12 : memref<125x64xbf16, #tpu.memory_space<vmem>>) dst(%dma_wait3A_297 : memref<10112x64xbf16, #tpu.memory_space<vmem_shared>>)
      } else {
      }
      %add3A_77 = arith.constant 4 : i32
      %add3A_78 = arith.addi %add3A_74, %add3A_77 : i32
      %lt3A = arith.constant 80 : i32
      %lt3A_79 = arith.cmpi slt, %add3A_78, %lt3A : i32
      %convert_element_type3A_80 = arith.extui %lt3A_79 : i1 to i32
      %cond3A_81 = arith.constant 0 : i32
      %cond3A_82 = arith.cmpi ne, %convert_element_type3A_80, %cond3A_81 : i32
      scf.if %cond3A_82 {
        %add3A_291 = arith.constant 4 : i32
        %add3A_292 = arith.addi %add3A_74, %add3A_291 : i32
        %dma_start3A_293 = arith.constant 0 : i32
        %dma_start3A_294 = tpu.memref_slice %arg6[%add3A_292, %dma_start3A_293] : memref<80x125xi32, #tpu.memory_space<vmem>> -> memref<1x125xi32, #tpu.memory_space<vmem>>
        %dma_start3A_295 = tpu.memref_squeeze %dma_start3A_294 : memref<1x125xi32, #tpu.memory_space<vmem>> -> memref<125xi32, #tpu.memory_space<vmem>>
        %dma_start3A_296 = arith.constant 0 : i32
        %dma_start3A_297 = arith.constant 0 : i32
        %dma_start3A_298 = tpu.memref_slice %arg2[%dma_start3A_296, %dma_start3A_297] : memref<10000x64xbf16, #tpu.memory_space<hbm>> -> memref<10000x64xbf16, #tpu.memory_space<hbm>>
        tpu.enqueue_indirect_dma source(%dma_start3A_298 : memref<10000x64xbf16, #tpu.memory_space<hbm>>) target(%arg12 : memref<125x64xbf16, #tpu.memory_space<vmem>>) offsets(%dma_start3A_295 : memref<125xi32, #tpu.memory_space<vmem>>) semaphore(%arg21 : memref<!tpu.dma_semaphore, #tpu.memory_space<semaphore_mem>>)
      } else {
      }
      %dma_wait3A_83 = arith.constant 0 : i32
      %dma_wait3A_84 = tpu.memref_slice %arg6[%add3A_74, %dma_wait3A_83] : memref<80x125xi32, #tpu.memory_space<vmem>> -> memref<1x125xi32, #tpu.memory_space<vmem>>
      %dma_wait3A_85 = tpu.memref_squeeze %dma_wait3A_84 : memref<1x125xi32, #tpu.memory_space<vmem>> -> memref<125xi32, #tpu.memory_space<vmem>>
      %dma_wait3A_86 = arith.constant 0 : i32
      %dma_wait3A_87 = arith.constant 0 : i32
      %dma_wait3A_88 = tpu.memref_slice %arg2[%dma_wait3A_86, %dma_wait3A_87] : memref<10000x64xbf16, #tpu.memory_space<hbm>> -> memref<10000x64xbf16, #tpu.memory_space<hbm>>
      tpu.wait_indirect_dma semaphore(%arg17 : memref<!tpu.dma_semaphore, #tpu.memory_space<semaphore_mem>>) src(%dma_wait3A_88 : memref<10000x64xbf16, #tpu.memory_space<hbm>>) dst(%arg8 : memref<125x64xbf16, #tpu.memory_space<vmem>>)
      %dma_start3A_89 = arith.constant 0 : i32
      %dma_start3A_90 = tpu.memref_slice %arg7[%add3A_74, %dma_start3A_89] : memref<80x125xi32, #tpu.memory_space<vmem>> -> memref<1x125xi32, #tpu.memory_space<vmem>>
      %dma_start3A_91 = tpu.memref_squeeze %dma_start3A_90 : memref<1x125xi32, #tpu.memory_space<vmem>> -> memref<125xi32, #tpu.memory_space<vmem>>
      %dma_start3A_92 = arith.constant 0 : i32
      %dma_start3A_93 = arith.constant 0 : i32
      %dma_start3A_94 = tpu.memref_slice %arg16[%dma_start3A_92, %dma_start3A_93] : memref<10112x64xbf16, #tpu.memory_space<vmem_shared>> -> memref<10112x64xbf16, #tpu.memory_space<vmem_shared>>
      tpu.enqueue_indirect_dma source(%arg8 : memref<125x64xbf16, #tpu.memory_space<vmem>>) target(%dma_start3A_94 : memref<10112x64xbf16, #tpu.memory_space<vmem_shared>>) offsets(%dma_start3A_91 : memref<125xi32, #tpu.memory_space<vmem>>) semaphore(%arg25 : memref<!tpu.dma_semaphore, #tpu.memory_space<semaphore_mem>>) {add = true}
      %mul3A_95 = arith.constant 8 : i32
      %mul3A_96 = arith.muli %mul3A_95, %scan3A_70 : i32
      %add3A_97 = arith.constant 1 : i32
      %add3A_98 = arith.addi %mul3A_96, %add3A_97 : i32
      %ge3A_99 = arith.constant 4 : i32
      %ge3A_100 = arith.cmpi sge, %add3A_98, %ge3A_99 : i32
      %convert_element_type3A_101 = arith.extui %ge3A_100 : i1 to i32
      %cond3A_102 = arith.constant 0 : i32
      %cond3A_103 = arith.cmpi ne, %convert_element_type3A_101, %cond3A_102 : i32
      scf.if %cond3A_103 {
        %sub3A = arith.constant 4 : i32
        %sub3A_291 = arith.subi %add3A_98, %sub3A : i32
        %dma_wait3A_292 = arith.constant 0 : i32
        %dma_wait3A_293 = tpu.memref_slice %arg7[%sub3A_291, %dma_wait3A_292] : memref<80x125xi32, #tpu.memory_space<vmem>> -> memref<1x125xi32, #tpu.memory_space<vmem>>
        %dma_wait3A_294 = tpu.memref_squeeze %dma_wait3A_293 : memref<1x125xi32, #tpu.memory_space<vmem>> -> memref<125xi32, #tpu.memory_space<vmem>>
        %dma_wait3A_295 = arith.constant 0 : i32
        %dma_wait3A_296 = arith.constant 0 : i32
        %dma_wait3A_297 = tpu.memref_slice %arg16[%dma_wait3A_295, %dma_wait3A_296] : memref<10112x64xbf16, #tpu.memory_space<vmem_shared>> -> memref<10112x64xbf16, #tpu.memory_space<vmem_shared>>
        tpu.wait_indirect_dma semaphore(%arg30 : memref<!tpu.dma_semaphore, #tpu.memory_space<semaphore_mem>>) src(%arg13 : memref<125x64xbf16, #tpu.memory_space<vmem>>) dst(%dma_wait3A_297 : memref<10112x64xbf16, #tpu.memory_space<vmem_shared>>)
      } else {
      }
      %add3A_104 = arith.constant 4 : i32
      %add3A_105 = arith.addi %add3A_98, %add3A_104 : i32
      %lt3A_106 = arith.constant 80 : i32
      %lt3A_107 = arith.cmpi slt, %add3A_105, %lt3A_106 : i32
      %convert_element_type3A_108 = arith.extui %lt3A_107 : i1 to i32
      %cond3A_109 = arith.constant 0 : i32
      %cond3A_110 = arith.cmpi ne, %convert_element_type3A_108, %cond3A_109 : i32
      scf.if %cond3A_110 {
        %add3A_291 = arith.constant 4 : i32
        %add3A_292 = arith.addi %add3A_98, %add3A_291 : i32
        %dma_start3A_293 = arith.constant 0 : i32
        %dma_start3A_294 = tpu.memref_slice %arg6[%add3A_292, %dma_start3A_293] : memref<80x125xi32, #tpu.memory_space<vmem>> -> memref<1x125xi32, #tpu.memory_space<vmem>>
        %dma_start3A_295 = tpu.memref_squeeze %dma_start3A_294 : memref<1x125xi32, #tpu.memory_space<vmem>> -> memref<125xi32, #tpu.memory_space<vmem>>
        %dma_start3A_296 = arith.constant 0 : i32
        %dma_start3A_297 = arith.constant 0 : i32
        %dma_start3A_298 = tpu.memref_slice %arg2[%dma_start3A_296, %dma_start3A_297] : memref<10000x64xbf16, #tpu.memory_space<hbm>> -> memref<10000x64xbf16, #tpu.memory_space<hbm>>
        tpu.enqueue_indirect_dma source(%dma_start3A_298 : memref<10000x64xbf16, #tpu.memory_space<hbm>>) target(%arg13 : memref<125x64xbf16, #tpu.memory_space<vmem>>) offsets(%dma_start3A_295 : memref<125xi32, #tpu.memory_space<vmem>>) semaphore(%arg22 : memref<!tpu.dma_semaphore, #tpu.memory_space<semaphore_mem>>)
      } else {
      }
      %dma_wait3A_111 = arith.constant 0 : i32
      %dma_wait3A_112 = tpu.memref_slice %arg6[%add3A_98, %dma_wait3A_111] : memref<80x125xi32, #tpu.memory_space<vmem>> -> memref<1x125xi32, #tpu.memory_space<vmem>>
      %dma_wait3A_113 = tpu.memref_squeeze %dma_wait3A_112 : memref<1x125xi32, #tpu.memory_space<vmem>> -> memref<125xi32, #tpu.memory_space<vmem>>
      %dma_wait3A_114 = arith.constant 0 : i32
      %dma_wait3A_115 = arith.constant 0 : i32
      %dma_wait3A_116 = tpu.memref_slice %arg2[%dma_wait3A_114, %dma_wait3A_115] : memref<10000x64xbf16, #tpu.memory_space<hbm>> -> memref<10000x64xbf16, #tpu.memory_space<hbm>>
      tpu.wait_indirect_dma semaphore(%arg18 : memref<!tpu.dma_semaphore, #tpu.memory_space<semaphore_mem>>) src(%dma_wait3A_116 : memref<10000x64xbf16, #tpu.memory_space<hbm>>) dst(%arg9 : memref<125x64xbf16, #tpu.memory_space<vmem>>)
      %dma_start3A_117 = arith.constant 0 : i32
      %dma_start3A_118 = tpu.memref_slice %arg7[%add3A_98, %dma_start3A_117] : memref<80x125xi32, #tpu.memory_space<vmem>> -> memref<1x125xi32, #tpu.memory_space<vmem>>
      %dma_start3A_119 = tpu.memref_squeeze %dma_start3A_118 : memref<1x125xi32, #tpu.memory_space<vmem>> -> memref<125xi32, #tpu.memory_space<vmem>>
      %dma_start3A_120 = arith.constant 0 : i32
      %dma_start3A_121 = arith.constant 0 : i32
      %dma_start3A_122 = tpu.memref_slice %arg16[%dma_start3A_120, %dma_start3A_121] : memref<10112x64xbf16, #tpu.memory_space<vmem_shared>> -> memref<10112x64xbf16, #tpu.memory_space<vmem_shared>>
      tpu.enqueue_indirect_dma source(%arg9 : memref<125x64xbf16, #tpu.memory_space<vmem>>) target(%dma_start3A_122 : memref<10112x64xbf16, #tpu.memory_space<vmem_shared>>) offsets(%dma_start3A_119 : memref<125xi32, #tpu.memory_space<vmem>>) semaphore(%arg26 : memref<!tpu.dma_semaphore, #tpu.memory_space<semaphore_mem>>) {add = true}
      %mul3A_123 = arith.constant 8 : i32
      %mul3A_124 = arith.muli %mul3A_123, %scan3A_70 : i32
      %add3A_125 = arith.constant 2 : i32
      %add3A_126 = arith.addi %mul3A_124, %add3A_125 : i32
      %ge3A_127 = arith.constant 4 : i32
      %ge3A_128 = arith.cmpi sge, %add3A_126, %ge3A_127 : i32
      %convert_element_type3A_129 = arith.extui %ge3A_128 : i1 to i32
      %cond3A_130 = arith.constant 0 : i32
      %cond3A_131 = arith.cmpi ne, %convert_element_type3A_129, %cond3A_130 : i32
      scf.if %cond3A_131 {
        %sub3A = arith.constant 4 : i32
        %sub3A_291 = arith.subi %add3A_126, %sub3A : i32
        %dma_wait3A_292 = arith.constant 0 : i32
        %dma_wait3A_293 = tpu.memref_slice %arg7[%sub3A_291, %dma_wait3A_292] : memref<80x125xi32, #tpu.memory_space<vmem>> -> memref<1x125xi32, #tpu.memory_space<vmem>>
        %dma_wait3A_294 = tpu.memref_squeeze %dma_wait3A_293 : memref<1x125xi32, #tpu.memory_space<vmem>> -> memref<125xi32, #tpu.memory_space<vmem>>
        %dma_wait3A_295 = arith.constant 0 : i32
        %dma_wait3A_296 = arith.constant 0 : i32
        %dma_wait3A_297 = tpu.memref_slice %arg16[%dma_wait3A_295, %dma_wait3A_296] : memref<10112x64xbf16, #tpu.memory_space<vmem_shared>> -> memref<10112x64xbf16, #tpu.memory_space<vmem_shared>>
        tpu.wait_indirect_dma semaphore(%arg31 : memref<!tpu.dma_semaphore, #tpu.memory_space<semaphore_mem>>) src(%arg14 : memref<125x64xbf16, #tpu.memory_space<vmem>>) dst(%dma_wait3A_297 : memref<10112x64xbf16, #tpu.memory_space<vmem_shared>>)
      } else {
      }
      %add3A_132 = arith.constant 4 : i32
      %add3A_133 = arith.addi %add3A_126, %add3A_132 : i32
      %lt3A_134 = arith.constant 80 : i32
      %lt3A_135 = arith.cmpi slt, %add3A_133, %lt3A_134 : i32
      %convert_element_type3A_136 = arith.extui %lt3A_135 : i1 to i32
      %cond3A_137 = arith.constant 0 : i32
      %cond3A_138 = arith.cmpi ne, %convert_element_type3A_136, %cond3A_137 : i32
      scf.if %cond3A_138 {
        %add3A_291 = arith.constant 4 : i32
        %add3A_292 = arith.addi %add3A_126, %add3A_291 : i32
        %dma_start3A_293 = arith.constant 0 : i32
        %dma_start3A_294 = tpu.memref_slice %arg6[%add3A_292, %dma_start3A_293] : memref<80x125xi32, #tpu.memory_space<vmem>> -> memref<1x125xi32, #tpu.memory_space<vmem>>
        %dma_start3A_295 = tpu.memref_squeeze %dma_start3A_294 : memref<1x125xi32, #tpu.memory_space<vmem>> -> memref<125xi32, #tpu.memory_space<vmem>>
        %dma_start3A_296 = arith.constant 0 : i32
        %dma_start3A_297 = arith.constant 0 : i32
        %dma_start3A_298 = tpu.memref_slice %arg2[%dma_start3A_296, %dma_start3A_297] : memref<10000x64xbf16, #tpu.memory_space<hbm>> -> memref<10000x64xbf16, #tpu.memory_space<hbm>>
        tpu.enqueue_indirect_dma source(%dma_start3A_298 : memref<10000x64xbf16, #tpu.memory_space<hbm>>) target(%arg14 : memref<125x64xbf16, #tpu.memory_space<vmem>>) offsets(%dma_start3A_295 : memref<125xi32, #tpu.memory_space<vmem>>) semaphore(%arg23 : memref<!tpu.dma_semaphore, #tpu.memory_space<semaphore_mem>>)
      } else {
      }
      %dma_wait3A_139 = arith.constant 0 : i32
      %dma_wait3A_140 = tpu.memref_slice %arg6[%add3A_126, %dma_wait3A_139] : memref<80x125xi32, #tpu.memory_space<vmem>> -> memref<1x125xi32, #tpu.memory_space<vmem>>
      %dma_wait3A_141 = tpu.memref_squeeze %dma_wait3A_140 : memref<1x125xi32, #tpu.memory_space<vmem>> -> memref<125xi32, #tpu.memory_space<vmem>>
      %dma_wait3A_142 = arith.constant 0 : i32
      %dma_wait3A_143 = arith.constant 0 : i32
      %dma_wait3A_144 = tpu.memref_slice %arg2[%dma_wait3A_142, %dma_wait3A_143] : memref<10000x64xbf16, #tpu.memory_space<hbm>> -> memref<10000x64xbf16, #tpu.memory_space<hbm>>
      tpu.wait_indirect_dma semaphore(%arg19 : memref<!tpu.dma_semaphore, #tpu.memory_space<semaphore_mem>>) src(%dma_wait3A_144 : memref<10000x64xbf16, #tpu.memory_space<hbm>>) dst(%arg10 : memref<125x64xbf16, #tpu.memory_space<vmem>>)
      %dma_start3A_145 = arith.constant 0 : i32
      %dma_start3A_146 = tpu.memref_slice %arg7[%add3A_126, %dma_start3A_145] : memref<80x125xi32, #tpu.memory_space<vmem>> -> memref<1x125xi32, #tpu.memory_space<vmem>>
      %dma_start3A_147 = tpu.memref_squeeze %dma_start3A_146 : memref<1x125xi32, #tpu.memory_space<vmem>> -> memref<125xi32, #tpu.memory_space<vmem>>
      %dma_start3A_148 = arith.constant 0 : i32
      %dma_start3A_149 = arith.constant 0 : i32
      %dma_start3A_150 = tpu.memref_slice %arg16[%dma_start3A_148, %dma_start3A_149] : memref<10112x64xbf16, #tpu.memory_space<vmem_shared>> -> memref<10112x64xbf16, #tpu.memory_space<vmem_shared>>
      tpu.enqueue_indirect_dma source(%arg10 : memref<125x64xbf16, #tpu.memory_space<vmem>>) target(%dma_start3A_150 : memref<10112x64xbf16, #tpu.memory_space<vmem_shared>>) offsets(%dma_start3A_147 : memref<125xi32, #tpu.memory_space<vmem>>) semaphore(%arg27 : memref<!tpu.dma_semaphore, #tpu.memory_space<semaphore_mem>>) {add = true}
      %mul3A_151 = arith.constant 8 : i32
      %mul3A_152 = arith.muli %mul3A_151, %scan3A_70 : i32
      %add3A_153 = arith.constant 3 : i32
      %add3A_154 = arith.addi %mul3A_152, %add3A_153 : i32
      %ge3A_155 = arith.constant 4 : i32
      %ge3A_156 = arith.cmpi sge, %add3A_154, %ge3A_155 : i32
      %convert_element_type3A_157 = arith.extui %ge3A_156 : i1 to i32
      %cond3A_158 = arith.constant 0 : i32
      %cond3A_159 = arith.cmpi ne, %convert_element_type3A_157, %cond3A_158 : i32
      scf.if %cond3A_159 {
        %sub3A = arith.constant 4 : i32
        %sub3A_291 = arith.subi %add3A_154, %sub3A : i32
        %dma_wait3A_292 = arith.constant 0 : i32
        %dma_wait3A_293 = tpu.memref_slice %arg7[%sub3A_291, %dma_wait3A_292] : memref<80x125xi32, #tpu.memory_space<vmem>> -> memref<1x125xi32, #tpu.memory_space<vmem>>
        %dma_wait3A_294 = tpu.memref_squeeze %dma_wait3A_293 : memref<1x125xi32, #tpu.memory_space<vmem>> -> memref<125xi32, #tpu.memory_space<vmem>>
        %dma_wait3A_295 = arith.constant 0 : i32
        %dma_wait3A_296 = arith.constant 0 : i32
        %dma_wait3A_297 = tpu.memref_slice %arg16[%dma_wait3A_295, %dma_wait3A_296] : memref<10112x64xbf16, #tpu.memory_space<vmem_shared>> -> memref<10112x64xbf16, #tpu.memory_space<vmem_shared>>
        tpu.wait_indirect_dma semaphore(%arg32 : memref<!tpu.dma_semaphore, #tpu.memory_space<semaphore_mem>>) src(%arg15 : memref<125x64xbf16, #tpu.memory_space<vmem>>) dst(%dma_wait3A_297 : memref<10112x64xbf16, #tpu.memory_space<vmem_shared>>)
      } else {
      }
      %add3A_160 = arith.constant 4 : i32
      %add3A_161 = arith.addi %add3A_154, %add3A_160 : i32
      %lt3A_162 = arith.constant 80 : i32
      %lt3A_163 = arith.cmpi slt, %add3A_161, %lt3A_162 : i32
      %convert_element_type3A_164 = arith.extui %lt3A_163 : i1 to i32
      %cond3A_165 = arith.constant 0 : i32
      %cond3A_166 = arith.cmpi ne, %convert_element_type3A_164, %cond3A_165 : i32
      scf.if %cond3A_166 {
        %add3A_291 = arith.constant 4 : i32
        %add3A_292 = arith.addi %add3A_154, %add3A_291 : i32
        %dma_start3A_293 = arith.constant 0 : i32
        %dma_start3A_294 = tpu.memref_slice %arg6[%add3A_292, %dma_start3A_293] : memref<80x125xi32, #tpu.memory_space<vmem>> -> memref<1x125xi32, #tpu.memory_space<vmem>>
        %dma_start3A_295 = tpu.memref_squeeze %dma_start3A_294 : memref<1x125xi32, #tpu.memory_space<vmem>> -> memref<125xi32, #tpu.memory_space<vmem>>
        %dma_start3A_296 = arith.constant 0 : i32
        %dma_start3A_297 = arith.constant 0 : i32
        %dma_start3A_298 = tpu.memref_slice %arg2[%dma_start3A_296, %dma_start3A_297] : memref<10000x64xbf16, #tpu.memory_space<hbm>> -> memref<10000x64xbf16, #tpu.memory_space<hbm>>
        tpu.enqueue_indirect_dma source(%dma_start3A_298 : memref<10000x64xbf16, #tpu.memory_space<hbm>>) target(%arg15 : memref<125x64xbf16, #tpu.memory_space<vmem>>) offsets(%dma_start3A_295 : memref<125xi32, #tpu.memory_space<vmem>>) semaphore(%arg24 : memref<!tpu.dma_semaphore, #tpu.memory_space<semaphore_mem>>)
      } else {
      }
      %dma_wait3A_167 = arith.constant 0 : i32
      %dma_wait3A_168 = tpu.memref_slice %arg6[%add3A_154, %dma_wait3A_167] : memref<80x125xi32, #tpu.memory_space<vmem>> -> memref<1x125xi32, #tpu.memory_space<vmem>>
      %dma_wait3A_169 = tpu.memref_squeeze %dma_wait3A_168 : memref<1x125xi32, #tpu.memory_space<vmem>> -> memref<125xi32, #tpu.memory_space<vmem>>
      %dma_wait3A_170 = arith.constant 0 : i32
      %dma_wait3A_171 = arith.constant 0 : i32
      %dma_wait3A_172 = tpu.memref_slice %arg2[%dma_wait3A_170, %dma_wait3A_171] : memref<10000x64xbf16, #tpu.memory_space<hbm>> -> memref<10000x64xbf16, #tpu.memory_space<hbm>>
      tpu.wait_indirect_dma semaphore(%arg20 : memref<!tpu.dma_semaphore, #tpu.memory_space<semaphore_mem>>) src(%dma_wait3A_172 : memref<10000x64xbf16, #tpu.memory_space<hbm>>) dst(%arg11 : memref<125x64xbf16, #tpu.memory_space<vmem>>)
      %dma_start3A_173 = arith.constant 0 : i32
      %dma_start3A_174 = tpu.memref_slice %arg7[%add3A_154, %dma_start3A_173] : memref<80x125xi32, #tpu.memory_space<vmem>> -> memref<1x125xi32, #tpu.memory_space<vmem>>
      %dma_start3A_175 = tpu.memref_squeeze %dma_start3A_174 : memref<1x125xi32, #tpu.memory_space<vmem>> -> memref<125xi32, #tpu.memory_space<vmem>>
      %dma_start3A_176 = arith.constant 0 : i32
      %dma_start3A_177 = arith.constant 0 : i32
      %dma_start3A_178 = tpu.memref_slice %arg16[%dma_start3A_176, %dma_start3A_177] : memref<10112x64xbf16, #tpu.memory_space<vmem_shared>> -> memref<10112x64xbf16, #tpu.memory_space<vmem_shared>>
      tpu.enqueue_indirect_dma source(%arg11 : memref<125x64xbf16, #tpu.memory_space<vmem>>) target(%dma_start3A_178 : memref<10112x64xbf16, #tpu.memory_space<vmem_shared>>) offsets(%dma_start3A_175 : memref<125xi32, #tpu.memory_space<vmem>>) semaphore(%arg28 : memref<!tpu.dma_semaphore, #tpu.memory_space<semaphore_mem>>) {add = true}
      %mul3A_179 = arith.constant 8 : i32
      %mul3A_180 = arith.muli %mul3A_179, %scan3A_70 : i32
      %add3A_181 = arith.constant 4 : i32
      %add3A_182 = arith.addi %mul3A_180, %add3A_181 : i32
      %ge3A_183 = arith.constant 4 : i32
      %ge3A_184 = arith.cmpi sge, %add3A_182, %ge3A_183 : i32
      %convert_element_type3A_185 = arith.extui %ge3A_184 : i1 to i32
      %cond3A_186 = arith.constant 0 : i32
      %cond3A_187 = arith.cmpi ne, %convert_element_type3A_185, %cond3A_186 : i32
      scf.if %cond3A_187 {
        %sub3A = arith.constant 4 : i32
        %sub3A_291 = arith.subi %add3A_182, %sub3A : i32
        %dma_wait3A_292 = arith.constant 0 : i32
        %dma_wait3A_293 = tpu.memref_slice %arg7[%sub3A_291, %dma_wait3A_292] : memref<80x125xi32, #tpu.memory_space<vmem>> -> memref<1x125xi32, #tpu.memory_space<vmem>>
        %dma_wait3A_294 = tpu.memref_squeeze %dma_wait3A_293 : memref<1x125xi32, #tpu.memory_space<vmem>> -> memref<125xi32, #tpu.memory_space<vmem>>
        %dma_wait3A_295 = arith.constant 0 : i32
        %dma_wait3A_296 = arith.constant 0 : i32
        %dma_wait3A_297 = tpu.memref_slice %arg16[%dma_wait3A_295, %dma_wait3A_296] : memref<10112x64xbf16, #tpu.memory_space<vmem_shared>> -> memref<10112x64xbf16, #tpu.memory_space<vmem_shared>>
        tpu.wait_indirect_dma semaphore(%arg25 : memref<!tpu.dma_semaphore, #tpu.memory_space<semaphore_mem>>) src(%arg8 : memref<125x64xbf16, #tpu.memory_space<vmem>>) dst(%dma_wait3A_297 : memref<10112x64xbf16, #tpu.memory_space<vmem_shared>>)
      } else {
      }
      %add3A_188 = arith.constant 4 : i32
      %add3A_189 = arith.addi %add3A_182, %add3A_188 : i32
      %lt3A_190 = arith.constant 80 : i32
      %lt3A_191 = arith.cmpi slt, %add3A_189, %lt3A_190 : i32
      %convert_element_type3A_192 = arith.extui %lt3A_191 : i1 to i32
      %cond3A_193 = arith.constant 0 : i32
      %cond3A_194 = arith.cmpi ne, %convert_element_type3A_192, %cond3A_193 : i32
      scf.if %cond3A_194 {
        %add3A_291 = arith.constant 4 : i32
        %add3A_292 = arith.addi %add3A_182, %add3A_291 : i32
        %dma_start3A_293 = arith.constant 0 : i32
        %dma_start3A_294 = tpu.memref_slice %arg6[%add3A_292, %dma_start3A_293] : memref<80x125xi32, #tpu.memory_space<vmem>> -> memref<1x125xi32, #tpu.memory_space<vmem>>
        %dma_start3A_295 = tpu.memref_squeeze %dma_start3A_294 : memref<1x125xi32, #tpu.memory_space<vmem>> -> memref<125xi32, #tpu.memory_space<vmem>>
        %dma_start3A_296 = arith.constant 0 : i32
        %dma_start3A_297 = arith.constant 0 : i32
        %dma_start3A_298 = tpu.memref_slice %arg2[%dma_start3A_296, %dma_start3A_297] : memref<10000x64xbf16, #tpu.memory_space<hbm>> -> memref<10000x64xbf16, #tpu.memory_space<hbm>>
        tpu.enqueue_indirect_dma source(%dma_start3A_298 : memref<10000x64xbf16, #tpu.memory_space<hbm>>) target(%arg8 : memref<125x64xbf16, #tpu.memory_space<vmem>>) offsets(%dma_start3A_295 : memref<125xi32, #tpu.memory_space<vmem>>) semaphore(%arg17 : memref<!tpu.dma_semaphore, #tpu.memory_space<semaphore_mem>>)
      } else {
      }
      %dma_wait3A_195 = arith.constant 0 : i32
      %dma_wait3A_196 = tpu.memref_slice %arg6[%add3A_182, %dma_wait3A_195] : memref<80x125xi32, #tpu.memory_space<vmem>> -> memref<1x125xi32, #tpu.memory_space<vmem>>
      %dma_wait3A_197 = tpu.memref_squeeze %dma_wait3A_196 : memref<1x125xi32, #tpu.memory_space<vmem>> -> memref<125xi32, #tpu.memory_space<vmem>>
      %dma_wait3A_198 = arith.constant 0 : i32
      %dma_wait3A_199 = arith.constant 0 : i32
      %dma_wait3A_200 = tpu.memref_slice %arg2[%dma_wait3A_198, %dma_wait3A_199] : memref<10000x64xbf16, #tpu.memory_space<hbm>> -> memref<10000x64xbf16, #tpu.memory_space<hbm>>
      tpu.wait_indirect_dma semaphore(%arg21 : memref<!tpu.dma_semaphore, #tpu.memory_space<semaphore_mem>>) src(%dma_wait3A_200 : memref<10000x64xbf16, #tpu.memory_space<hbm>>) dst(%arg12 : memref<125x64xbf16, #tpu.memory_space<vmem>>)
      %dma_start3A_201 = arith.constant 0 : i32
      %dma_start3A_202 = tpu.memref_slice %arg7[%add3A_182, %dma_start3A_201] : memref<80x125xi32, #tpu.memory_space<vmem>> -> memref<1x125xi32, #tpu.memory_space<vmem>>
      %dma_start3A_203 = tpu.memref_squeeze %dma_start3A_202 : memref<1x125xi32, #tpu.memory_space<vmem>> -> memref<125xi32, #tpu.memory_space<vmem>>
      %dma_start3A_204 = arith.constant 0 : i32
      %dma_start3A_205 = arith.constant 0 : i32
      %dma_start3A_206 = tpu.memref_slice %arg16[%dma_start3A_204, %dma_start3A_205] : memref<10112x64xbf16, #tpu.memory_space<vmem_shared>> -> memref<10112x64xbf16, #tpu.memory_space<vmem_shared>>
      tpu.enqueue_indirect_dma source(%arg12 : memref<125x64xbf16, #tpu.memory_space<vmem>>) target(%dma_start3A_206 : memref<10112x64xbf16, #tpu.memory_space<vmem_shared>>) offsets(%dma_start3A_203 : memref<125xi32, #tpu.memory_space<vmem>>) semaphore(%arg29 : memref<!tpu.dma_semaphore, #tpu.memory_space<semaphore_mem>>) {add = true}
      %mul3A_207 = arith.constant 8 : i32
      %mul3A_208 = arith.muli %mul3A_207, %scan3A_70 : i32
      %add3A_209 = arith.constant 5 : i32
      %add3A_210 = arith.addi %mul3A_208, %add3A_209 : i32
      %ge3A_211 = arith.constant 4 : i32
      %ge3A_212 = arith.cmpi sge, %add3A_210, %ge3A_211 : i32
      %convert_element_type3A_213 = arith.extui %ge3A_212 : i1 to i32
      %cond3A_214 = arith.constant 0 : i32
      %cond3A_215 = arith.cmpi ne, %convert_element_type3A_213, %cond3A_214 : i32
      scf.if %cond3A_215 {
        %sub3A = arith.constant 4 : i32
        %sub3A_291 = arith.subi %add3A_210, %sub3A : i32
        %dma_wait3A_292 = arith.constant 0 : i32
        %dma_wait3A_293 = tpu.memref_slice %arg7[%sub3A_291, %dma_wait3A_292] : memref<80x125xi32, #tpu.memory_space<vmem>> -> memref<1x125xi32, #tpu.memory_space<vmem>>
        %dma_wait3A_294 = tpu.memref_squeeze %dma_wait3A_293 : memref<1x125xi32, #tpu.memory_space<vmem>> -> memref<125xi32, #tpu.memory_space<vmem>>
        %dma_wait3A_295 = arith.constant 0 : i32
        %dma_wait3A_296 = arith.constant 0 : i32
        %dma_wait3A_297 = tpu.memref_slice %arg16[%dma_wait3A_295, %dma_wait3A_296] : memref<10112x64xbf16, #tpu.memory_space<vmem_shared>> -> memref<10112x64xbf16, #tpu.memory_space<vmem_shared>>
        tpu.wait_indirect_dma semaphore(%arg26 : memref<!tpu.dma_semaphore, #tpu.memory_space<semaphore_mem>>) src(%arg9 : memref<125x64xbf16, #tpu.memory_space<vmem>>) dst(%dma_wait3A_297 : memref<10112x64xbf16, #tpu.memory_space<vmem_shared>>)
      } else {
      }
      %add3A_216 = arith.constant 4 : i32
      %add3A_217 = arith.addi %add3A_210, %add3A_216 : i32
      %lt3A_218 = arith.constant 80 : i32
      %lt3A_219 = arith.cmpi slt, %add3A_217, %lt3A_218 : i32
      %convert_element_type3A_220 = arith.extui %lt3A_219 : i1 to i32
      %cond3A_221 = arith.constant 0 : i32
      %cond3A_222 = arith.cmpi ne, %convert_element_type3A_220, %cond3A_221 : i32
      scf.if %cond3A_222 {
        %add3A_291 = arith.constant 4 : i32
        %add3A_292 = arith.addi %add3A_210, %add3A_291 : i32
        %dma_start3A_293 = arith.constant 0 : i32
        %dma_start3A_294 = tpu.memref_slice %arg6[%add3A_292, %dma_start3A_293] : memref<80x125xi32, #tpu.memory_space<vmem>> -> memref<1x125xi32, #tpu.memory_space<vmem>>
        %dma_start3A_295 = tpu.memref_squeeze %dma_start3A_294 : memref<1x125xi32, #tpu.memory_space<vmem>> -> memref<125xi32, #tpu.memory_space<vmem>>
        %dma_start3A_296 = arith.constant 0 : i32
        %dma_start3A_297 = arith.constant 0 : i32
        %dma_start3A_298 = tpu.memref_slice %arg2[%dma_start3A_296, %dma_start3A_297] : memref<10000x64xbf16, #tpu.memory_space<hbm>> -> memref<10000x64xbf16, #tpu.memory_space<hbm>>
        tpu.enqueue_indirect_dma source(%dma_start3A_298 : memref<10000x64xbf16, #tpu.memory_space<hbm>>) target(%arg9 : memref<125x64xbf16, #tpu.memory_space<vmem>>) offsets(%dma_start3A_295 : memref<125xi32, #tpu.memory_space<vmem>>) semaphore(%arg18 : memref<!tpu.dma_semaphore, #tpu.memory_space<semaphore_mem>>)
      } else {
      }
      %dma_wait3A_223 = arith.constant 0 : i32
      %dma_wait3A_224 = tpu.memref_slice %arg6[%add3A_210, %dma_wait3A_223] : memref<80x125xi32, #tpu.memory_space<vmem>> -> memref<1x125xi32, #tpu.memory_space<vmem>>
      %dma_wait3A_225 = tpu.memref_squeeze %dma_wait3A_224 : memref<1x125xi32, #tpu.memory_space<vmem>> -> memref<125xi32, #tpu.memory_space<vmem>>
      %dma_wait3A_226 = arith.constant 0 : i32
      %dma_wait3A_227 = arith.constant 0 : i32
      %dma_wait3A_228 = tpu.memref_slice %arg2[%dma_wait3A_226, %dma_wait3A_227] : memref<10000x64xbf16, #tpu.memory_space<hbm>> -> memref<10000x64xbf16, #tpu.memory_space<hbm>>
      tpu.wait_indirect_dma semaphore(%arg22 : memref<!tpu.dma_semaphore, #tpu.memory_space<semaphore_mem>>) src(%dma_wait3A_228 : memref<10000x64xbf16, #tpu.memory_space<hbm>>) dst(%arg13 : memref<125x64xbf16, #tpu.memory_space<vmem>>)
      %dma_start3A_229 = arith.constant 0 : i32
      %dma_start3A_230 = tpu.memref_slice %arg7[%add3A_210, %dma_start3A_229] : memref<80x125xi32, #tpu.memory_space<vmem>> -> memref<1x125xi32, #tpu.memory_space<vmem>>
      %dma_start3A_231 = tpu.memref_squeeze %dma_start3A_230 : memref<1x125xi32, #tpu.memory_space<vmem>> -> memref<125xi32, #tpu.memory_space<vmem>>
      %dma_start3A_232 = arith.constant 0 : i32
      %dma_start3A_233 = arith.constant 0 : i32
      %dma_start3A_234 = tpu.memref_slice %arg16[%dma_start3A_232, %dma_start3A_233] : memref<10112x64xbf16, #tpu.memory_space<vmem_shared>> -> memref<10112x64xbf16, #tpu.memory_space<vmem_shared>>
      tpu.enqueue_indirect_dma source(%arg13 : memref<125x64xbf16, #tpu.memory_space<vmem>>) target(%dma_start3A_234 : memref<10112x64xbf16, #tpu.memory_space<vmem_shared>>) offsets(%dma_start3A_231 : memref<125xi32, #tpu.memory_space<vmem>>) semaphore(%arg30 : memref<!tpu.dma_semaphore, #tpu.memory_space<semaphore_mem>>) {add = true}
      %mul3A_235 = arith.constant 8 : i32
      %mul3A_236 = arith.muli %mul3A_235, %scan3A_70 : i32
      %add3A_237 = arith.constant 6 : i32
      %add3A_238 = arith.addi %mul3A_236, %add3A_237 : i32
      %ge3A_239 = arith.constant 4 : i32
      %ge3A_240 = arith.cmpi sge, %add3A_238, %ge3A_239 : i32
      %convert_element_type3A_241 = arith.extui %ge3A_240 : i1 to i32
      %cond3A_242 = arith.constant 0 : i32
      %cond3A_243 = arith.cmpi ne, %convert_element_type3A_241, %cond3A_242 : i32
      scf.if %cond3A_243 {
        %sub3A = arith.constant 4 : i32
        %sub3A_291 = arith.subi %add3A_238, %sub3A : i32
        %dma_wait3A_292 = arith.constant 0 : i32
        %dma_wait3A_293 = tpu.memref_slice %arg7[%sub3A_291, %dma_wait3A_292] : memref<80x125xi32, #tpu.memory_space<vmem>> -> memref<1x125xi32, #tpu.memory_space<vmem>>
        %dma_wait3A_294 = tpu.memref_squeeze %dma_wait3A_293 : memref<1x125xi32, #tpu.memory_space<vmem>> -> memref<125xi32, #tpu.memory_space<vmem>>
        %dma_wait3A_295 = arith.constant 0 : i32
        %dma_wait3A_296 = arith.constant 0 : i32
        %dma_wait3A_297 = tpu.memref_slice %arg16[%dma_wait3A_295, %dma_wait3A_296] : memref<10112x64xbf16, #tpu.memory_space<vmem_shared>> -> memref<10112x64xbf16, #tpu.memory_space<vmem_shared>>
        tpu.wait_indirect_dma semaphore(%arg27 : memref<!tpu.dma_semaphore, #tpu.memory_space<semaphore_mem>>) src(%arg10 : memref<125x64xbf16, #tpu.memory_space<vmem>>) dst(%dma_wait3A_297 : memref<10112x64xbf16, #tpu.memory_space<vmem_shared>>)
      } else {
      }
      %add3A_244 = arith.constant 4 : i32
      %add3A_245 = arith.addi %add3A_238, %add3A_244 : i32
      %lt3A_246 = arith.constant 80 : i32
      %lt3A_247 = arith.cmpi slt, %add3A_245, %lt3A_246 : i32
      %convert_element_type3A_248 = arith.extui %lt3A_247 : i1 to i32
      %cond3A_249 = arith.constant 0 : i32
      %cond3A_250 = arith.cmpi ne, %convert_element_type3A_248, %cond3A_249 : i32
      scf.if %cond3A_250 {
        %add3A_291 = arith.constant 4 : i32
        %add3A_292 = arith.addi %add3A_238, %add3A_291 : i32
        %dma_start3A_293 = arith.constant 0 : i32
        %dma_start3A_294 = tpu.memref_slice %arg6[%add3A_292, %dma_start3A_293] : memref<80x125xi32, #tpu.memory_space<vmem>> -> memref<1x125xi32, #tpu.memory_space<vmem>>
        %dma_start3A_295 = tpu.memref_squeeze %dma_start3A_294 : memref<1x125xi32, #tpu.memory_space<vmem>> -> memref<125xi32, #tpu.memory_space<vmem>>
        %dma_start3A_296 = arith.constant 0 : i32
        %dma_start3A_297 = arith.constant 0 : i32
        %dma_start3A_298 = tpu.memref_slice %arg2[%dma_start3A_296, %dma_start3A_297] : memref<10000x64xbf16, #tpu.memory_space<hbm>> -> memref<10000x64xbf16, #tpu.memory_space<hbm>>
        tpu.enqueue_indirect_dma source(%dma_start3A_298 : memref<10000x64xbf16, #tpu.memory_space<hbm>>) target(%arg10 : memref<125x64xbf16, #tpu.memory_space<vmem>>) offsets(%dma_start3A_295 : memref<125xi32, #tpu.memory_space<vmem>>) semaphore(%arg19 : memref<!tpu.dma_semaphore, #tpu.memory_space<semaphore_mem>>)
      } else {
      }
      %dma_wait3A_251 = arith.constant 0 : i32
      %dma_wait3A_252 = tpu.memref_slice %arg6[%add3A_238, %dma_wait3A_251] : memref<80x125xi32, #tpu.memory_space<vmem>> -> memref<1x125xi32, #tpu.memory_space<vmem>>
      %dma_wait3A_253 = tpu.memref_squeeze %dma_wait3A_252 : memref<1x125xi32, #tpu.memory_space<vmem>> -> memref<125xi32, #tpu.memory_space<vmem>>
      %dma_wait3A_254 = arith.constant 0 : i32
      %dma_wait3A_255 = arith.constant 0 : i32
      %dma_wait3A_256 = tpu.memref_slice %arg2[%dma_wait3A_254, %dma_wait3A_255] : memref<10000x64xbf16, #tpu.memory_space<hbm>> -> memref<10000x64xbf16, #tpu.memory_space<hbm>>
      tpu.wait_indirect_dma semaphore(%arg23 : memref<!tpu.dma_semaphore, #tpu.memory_space<semaphore_mem>>) src(%dma_wait3A_256 : memref<10000x64xbf16, #tpu.memory_space<hbm>>) dst(%arg14 : memref<125x64xbf16, #tpu.memory_space<vmem>>)
      %dma_start3A_257 = arith.constant 0 : i32
      %dma_start3A_258 = tpu.memref_slice %arg7[%add3A_238, %dma_start3A_257] : memref<80x125xi32, #tpu.memory_space<vmem>> -> memref<1x125xi32, #tpu.memory_space<vmem>>
      %dma_start3A_259 = tpu.memref_squeeze %dma_start3A_258 : memref<1x125xi32, #tpu.memory_space<vmem>> -> memref<125xi32, #tpu.memory_space<vmem>>
      %dma_start3A_260 = arith.constant 0 : i32
      %dma_start3A_261 = arith.constant 0 : i32
      %dma_start3A_262 = tpu.memref_slice %arg16[%dma_start3A_260, %dma_start3A_261] : memref<10112x64xbf16, #tpu.memory_space<vmem_shared>> -> memref<10112x64xbf16, #tpu.memory_space<vmem_shared>>
      tpu.enqueue_indirect_dma source(%arg14 : memref<125x64xbf16, #tpu.memory_space<vmem>>) target(%dma_start3A_262 : memref<10112x64xbf16, #tpu.memory_space<vmem_shared>>) offsets(%dma_start3A_259 : memref<125xi32, #tpu.memory_space<vmem>>) semaphore(%arg31 : memref<!tpu.dma_semaphore, #tpu.memory_space<semaphore_mem>>) {add = true}
      %mul3A_263 = arith.constant 8 : i32
      %mul3A_264 = arith.muli %mul3A_263, %scan3A_70 : i32
      %add3A_265 = arith.constant 7 : i32
      %add3A_266 = arith.addi %mul3A_264, %add3A_265 : i32
      %ge3A_267 = arith.constant 4 : i32
      %ge3A_268 = arith.cmpi sge, %add3A_266, %ge3A_267 : i32
      %convert_element_type3A_269 = arith.extui %ge3A_268 : i1 to i32
      %cond3A_270 = arith.constant 0 : i32
      %cond3A_271 = arith.cmpi ne, %convert_element_type3A_269, %cond3A_270 : i32
      scf.if %cond3A_271 {
        %sub3A = arith.constant 4 : i32
        %sub3A_291 = arith.subi %add3A_266, %sub3A : i32
        %dma_wait3A_292 = arith.constant 0 : i32
        %dma_wait3A_293 = tpu.memref_slice %arg7[%sub3A_291, %dma_wait3A_292] : memref<80x125xi32, #tpu.memory_space<vmem>> -> memref<1x125xi32, #tpu.memory_space<vmem>>
        %dma_wait3A_294 = tpu.memref_squeeze %dma_wait3A_293 : memref<1x125xi32, #tpu.memory_space<vmem>> -> memref<125xi32, #tpu.memory_space<vmem>>
        %dma_wait3A_295 = arith.constant 0 : i32
        %dma_wait3A_296 = arith.constant 0 : i32
        %dma_wait3A_297 = tpu.memref_slice %arg16[%dma_wait3A_295, %dma_wait3A_296] : memref<10112x64xbf16, #tpu.memory_space<vmem_shared>> -> memref<10112x64xbf16, #tpu.memory_space<vmem_shared>>
        tpu.wait_indirect_dma semaphore(%arg28 : memref<!tpu.dma_semaphore, #tpu.memory_space<semaphore_mem>>) src(%arg11 : memref<125x64xbf16, #tpu.memory_space<vmem>>) dst(%dma_wait3A_297 : memref<10112x64xbf16, #tpu.memory_space<vmem_shared>>)
      } else {
      }
      %add3A_272 = arith.constant 4 : i32
      %add3A_273 = arith.addi %add3A_266, %add3A_272 : i32
      %lt3A_274 = arith.constant 80 : i32
      %lt3A_275 = arith.cmpi slt, %add3A_273, %lt3A_274 : i32
      %convert_element_type3A_276 = arith.extui %lt3A_275 : i1 to i32
      %cond3A_277 = arith.constant 0 : i32
      %cond3A_278 = arith.cmpi ne, %convert_element_type3A_276, %cond3A_277 : i32
      scf.if %cond3A_278 {
        %add3A_291 = arith.constant 4 : i32
        %add3A_292 = arith.addi %add3A_266, %add3A_291 : i32
        %dma_start3A_293 = arith.constant 0 : i32
        %dma_start3A_294 = tpu.memref_slice %arg6[%add3A_292, %dma_start3A_293] : memref<80x125xi32, #tpu.memory_space<vmem>> -> memref<1x125xi32, #tpu.memory_space<vmem>>
        %dma_start3A_295 = tpu.memref_squeeze %dma_start3A_294 : memref<1x125xi32, #tpu.memory_space<vmem>> -> memref<125xi32, #tpu.memory_space<vmem>>
        %dma_start3A_296 = arith.constant 0 : i32
        %dma_start3A_297 = arith.constant 0 : i32
        %dma_start3A_298 = tpu.memref_slice %arg2[%dma_start3A_296, %dma_start3A_297] : memref<10000x64xbf16, #tpu.memory_space<hbm>> -> memref<10000x64xbf16, #tpu.memory_space<hbm>>
        tpu.enqueue_indirect_dma source(%dma_start3A_298 : memref<10000x64xbf16, #tpu.memory_space<hbm>>) target(%arg11 : memref<125x64xbf16, #tpu.memory_space<vmem>>) offsets(%dma_start3A_295 : memref<125xi32, #tpu.memory_space<vmem>>) semaphore(%arg20 : memref<!tpu.dma_semaphore, #tpu.memory_space<semaphore_mem>>)
      } else {
      }
      %dma_wait3A_279 = arith.constant 0 : i32
      %dma_wait3A_280 = tpu.memref_slice %arg6[%add3A_266, %dma_wait3A_279] : memref<80x125xi32, #tpu.memory_space<vmem>> -> memref<1x125xi32, #tpu.memory_space<vmem>>
      %dma_wait3A_281 = tpu.memref_squeeze %dma_wait3A_280 : memref<1x125xi32, #tpu.memory_space<vmem>> -> memref<125xi32, #tpu.memory_space<vmem>>
      %dma_wait3A_282 = arith.constant 0 : i32
      %dma_wait3A_283 = arith.constant 0 : i32
      %dma_wait3A_284 = tpu.memref_slice %arg2[%dma_wait3A_282, %dma_wait3A_283] : memref<10000x64xbf16, #tpu.memory_space<hbm>> -> memref<10000x64xbf16, #tpu.memory_space<hbm>>
      tpu.wait_indirect_dma semaphore(%arg24 : memref<!tpu.dma_semaphore, #tpu.memory_space<semaphore_mem>>) src(%dma_wait3A_284 : memref<10000x64xbf16, #tpu.memory_space<hbm>>) dst(%arg15 : memref<125x64xbf16, #tpu.memory_space<vmem>>)
      %dma_start3A_285 = arith.constant 0 : i32
      %dma_start3A_286 = tpu.memref_slice %arg7[%add3A_266, %dma_start3A_285] : memref<80x125xi32, #tpu.memory_space<vmem>> -> memref<1x125xi32, #tpu.memory_space<vmem>>
      %dma_start3A_287 = tpu.memref_squeeze %dma_start3A_286 : memref<1x125xi32, #tpu.memory_space<vmem>> -> memref<125xi32, #tpu.memory_space<vmem>>
      %dma_start3A_288 = arith.constant 0 : i32
      %dma_start3A_289 = arith.constant 0 : i32
      %dma_start3A_290 = tpu.memref_slice %arg16[%dma_start3A_288, %dma_start3A_289] : memref<10112x64xbf16, #tpu.memory_space<vmem_shared>> -> memref<10112x64xbf16, #tpu.memory_space<vmem_shared>>
      tpu.enqueue_indirect_dma source(%arg15 : memref<125x64xbf16, #tpu.memory_space<vmem>>) target(%dma_start3A_290 : memref<10112x64xbf16, #tpu.memory_space<vmem_shared>>) offsets(%dma_start3A_287 : memref<125xi32, #tpu.memory_space<vmem>>) semaphore(%arg32 : memref<!tpu.dma_semaphore, #tpu.memory_space<semaphore_mem>>) {add = true}
    }
    %scan3A_37 = arith.constant 10 : i32
    %dma_wait3A = arith.constant 76 : i32
    %dma_wait3A_38 = arith.constant 0 : i32
    %dma_wait3A_39 = tpu.memref_slice %arg7[%dma_wait3A, %dma_wait3A_38] : memref<80x125xi32, #tpu.memory_space<vmem>> -> memref<1x125xi32, #tpu.memory_space<vmem>>
    %dma_wait3A_40 = tpu.memref_squeeze %dma_wait3A_39 : memref<1x125xi32, #tpu.memory_space<vmem>> -> memref<125xi32, #tpu.memory_space<vmem>>
    %dma_wait3A_41 = arith.constant 0 : i32
    %dma_wait3A_42 = arith.constant 0 : i32
    %dma_wait3A_43 = tpu.memref_slice %arg16[%dma_wait3A_41, %dma_wait3A_42] : memref<10112x64xbf16, #tpu.memory_space<vmem_shared>> -> memref<10112x64xbf16, #tpu.memory_space<vmem_shared>>
    tpu.wait_indirect_dma semaphore(%arg29 : memref<!tpu.dma_semaphore, #tpu.memory_space<semaphore_mem>>) src(%arg12 : memref<125x64xbf16, #tpu.memory_space<vmem>>) dst(%dma_wait3A_43 : memref<10112x64xbf16, #tpu.memory_space<vmem_shared>>)
    %dma_wait3A_44 = arith.constant 77 : i32
    %dma_wait3A_45 = arith.constant 0 : i32
    %dma_wait3A_46 = tpu.memref_slice %arg7[%dma_wait3A_44, %dma_wait3A_45] : memref<80x125xi32, #tpu.memory_space<vmem>> -> memref<1x125xi32, #tpu.memory_space<vmem>>
    %dma_wait3A_47 = tpu.memref_squeeze %dma_wait3A_46 : memref<1x125xi32, #tpu.memory_space<vmem>> -> memref<125xi32, #tpu.memory_space<vmem>>
    %dma_wait3A_48 = arith.constant 0 : i32
    %dma_wait3A_49 = arith.constant 0 : i32
    %dma_wait3A_50 = tpu.memref_slice %arg16[%dma_wait3A_48, %dma_wait3A_49] : memref<10112x64xbf16, #tpu.memory_space<vmem_shared>> -> memref<10112x64xbf16, #tpu.memory_space<vmem_shared>>
    tpu.wait_indirect_dma semaphore(%arg30 : memref<!tpu.dma_semaphore, #tpu.memory_space<semaphore_mem>>) src(%arg13 : memref<125x64xbf16, #tpu.memory_space<vmem>>) dst(%dma_wait3A_50 : memref<10112x64xbf16, #tpu.memory_space<vmem_shared>>)
    %dma_wait3A_51 = arith.constant 78 : i32
    %dma_wait3A_52 = arith.constant 0 : i32
    %dma_wait3A_53 = tpu.memref_slice %arg7[%dma_wait3A_51, %dma_wait3A_52] : memref<80x125xi32, #tpu.memory_space<vmem>> -> memref<1x125xi32, #tpu.memory_space<vmem>>
    %dma_wait3A_54 = tpu.memref_squeeze %dma_wait3A_53 : memref<1x125xi32, #tpu.memory_space<vmem>> -> memref<125xi32, #tpu.memory_space<vmem>>
    %dma_wait3A_55 = arith.constant 0 : i32
    %dma_wait3A_56 = arith.constant 0 : i32
    %dma_wait3A_57 = tpu.memref_slice %arg16[%dma_wait3A_55, %dma_wait3A_56] : memref<10112x64xbf16, #tpu.memory_space<vmem_shared>> -> memref<10112x64xbf16, #tpu.memory_space<vmem_shared>>
    tpu.wait_indirect_dma semaphore(%arg31 : memref<!tpu.dma_semaphore, #tpu.memory_space<semaphore_mem>>) src(%arg14 : memref<125x64xbf16, #tpu.memory_space<vmem>>) dst(%dma_wait3A_57 : memref<10112x64xbf16, #tpu.memory_space<vmem_shared>>)
    %dma_wait3A_58 = arith.constant 79 : i32
    %dma_wait3A_59 = arith.constant 0 : i32
    %dma_wait3A_60 = tpu.memref_slice %arg7[%dma_wait3A_58, %dma_wait3A_59] : memref<80x125xi32, #tpu.memory_space<vmem>> -> memref<1x125xi32, #tpu.memory_space<vmem>>
    %dma_wait3A_61 = tpu.memref_squeeze %dma_wait3A_60 : memref<1x125xi32, #tpu.memory_space<vmem>> -> memref<125xi32, #tpu.memory_space<vmem>>
    %dma_wait3A_62 = arith.constant 0 : i32
    %dma_wait3A_63 = arith.constant 0 : i32
    %dma_wait3A_64 = tpu.memref_slice %arg16[%dma_wait3A_62, %dma_wait3A_63] : memref<10112x64xbf16, #tpu.memory_space<vmem_shared>> -> memref<10112x64xbf16, #tpu.memory_space<vmem_shared>>
    tpu.wait_indirect_dma semaphore(%arg32 : memref<!tpu.dma_semaphore, #tpu.memory_space<semaphore_mem>>) src(%arg15 : memref<125x64xbf16, #tpu.memory_space<vmem>>) dst(%dma_wait3A_64 : memref<10112x64xbf16, #tpu.memory_space<vmem_shared>>)
    %barrier3A_65 = arith.constant 0 : index
    tpu.barrier barrier_id(%barrier3A_65)
    %mul3A_66 = arith.constant 632 : i32
    %mul3A_67 = arith.muli %arg1, %mul3A_66 : i32
    %mul3A_68 = arith.constant 632 : i32
    %mul3A_69 = arith.muli %arg1, %mul3A_68 : i32
    "tpu.region"() ({
      %run_scoped3A_70 = tpu.sem_alloc : memref<!tpu.dma_semaphore, #tpu.memory_space<semaphore_mem>>
      %dma_start3A_71 = arith.constant 0 : i32
      %dma_start3A_72 = tpu.memref_slice %arg5[%arg0, %mul3A_69, %dma_start3A_71] : memref<2x10112x64xbf16, #tpu.memory_space<hbm>> -> memref<1x632x64xbf16, #tpu.memory_space<hbm>>
      %dma_start3A_73 = tpu.memref_squeeze %dma_start3A_72 : memref<1x632x64xbf16, #tpu.memory_space<hbm>> -> memref<632x64xbf16, #tpu.memory_space<hbm>>
      %dma_start3A_74 = arith.constant 0 : i32
      %dma_start3A_75 = tpu.memref_slice %arg16[%mul3A_67, %dma_start3A_74] : memref<10112x64xbf16, #tpu.memory_space<vmem_shared>> -> memref<632x64xbf16, #tpu.memory_space<vmem_shared>>
      tpu.enqueue_dma source(%dma_start3A_75 : memref<632x64xbf16, #tpu.memory_space<vmem_shared>>) target(%dma_start3A_73 : memref<632x64xbf16, #tpu.memory_space<hbm>>) target_semaphore(%run_scoped3A_70 : memref<!tpu.dma_semaphore, #tpu.memory_space<semaphore_mem>>)
      %dma_wait3A_76 = arith.constant 0 : i32
      %dma_wait3A_77 = tpu.memref_slice %arg5[%arg0, %mul3A_69, %dma_wait3A_76] : memref<2x10112x64xbf16, #tpu.memory_space<hbm>> -> memref<1x632x64xbf16, #tpu.memory_space<hbm>>
      %dma_wait3A_78 = tpu.memref_squeeze %dma_wait3A_77 : memref<1x632x64xbf16, #tpu.memory_space<hbm>> -> memref<632x64xbf16, #tpu.memory_space<hbm>>
      %dma_wait3A_79 = arith.constant 0 : i32
      %dma_wait3A_80 = tpu.memref_slice %arg16[%mul3A_67, %dma_wait3A_79] : memref<10112x64xbf16, #tpu.memory_space<vmem_shared>> -> memref<632x64xbf16, #tpu.memory_space<vmem_shared>>
      tpu.wait_dma2 semaphore(%run_scoped3A_70 : memref<!tpu.dma_semaphore, #tpu.memory_space<semaphore_mem>>) src(%dma_wait3A_80 : memref<632x64xbf16, #tpu.memory_space<vmem_shared>>) dst(%dma_wait3A_78 : memref<632x64xbf16, #tpu.memory_space<hbm>>)
      tpu.yield
    }) : () -> ()
    return
  }
}

#map = affine_map<(d0, d1) -> (0, 0)>
#map1 = affine_map<(d0, d1) -> (0, 0, 0, 0)>
#map2 = affine_map<(d0, d1) -> (0, 0, 0)>
module attributes {stable_mosaic.version = 14 : i64} {
  func.func @k(%arg0: i32, %arg1: i32, %arg2: memref<10000x32xbf16, #tpu.memory_space<hbm>>, %arg3: memref<2x32x80x125xi32, #tpu.memory_space<hbm>>, %arg4: memref<10112x32xbf16, #tpu.memory_space<hbm>>, %arg5: memref<2x10112x32xbf16, #tpu.memory_space<hbm>>, %arg6: memref<80x125xi32, #tpu.memory_space<vmem>>, %arg7: memref<80x125xi32, #tpu.memory_space<vmem>>, %arg8: memref<125x32xbf16, #tpu.memory_space<vmem>>, %arg9: memref<125x32xbf16, #tpu.memory_space<vmem>>, %arg10: memref<125x32xbf16, #tpu.memory_space<vmem>>, %arg11: memref<125x32xbf16, #tpu.memory_space<vmem>>, %arg12: memref<125x32xbf16, #tpu.memory_space<vmem>>, %arg13: memref<125x32xbf16, #tpu.memory_space<vmem>>, %arg14: memref<125x32xbf16, #tpu.memory_space<vmem>>, %arg15: memref<125x32xbf16, #tpu.memory_space<vmem>>, %arg16: memref<10112x32xbf16, #tpu.memory_space<vmem_shared>>, %arg17: memref<!tpu.dma_semaphore, #tpu.memory_space<semaphore_mem>>, %arg18: memref<!tpu.dma_semaphore, #tpu.memory_space<semaphore_mem>>, %arg19: memref<!tpu.dma_semaphore, #tpu.memory_space<semaphore_mem>>, %arg20: memref<!tpu.dma_semaphore, #tpu.memory_space<semaphore_mem>>, %arg21: memref<!tpu.dma_semaphore, #tpu.memory_space<semaphore_mem>>, %arg22: memref<!tpu.dma_semaphore, #tpu.memory_space<semaphore_mem>>, %arg23: memref<!tpu.dma_semaphore, #tpu.memory_space<semaphore_mem>>, %arg24: memref<!tpu.dma_semaphore, #tpu.memory_space<semaphore_mem>>, %arg25: memref<!tpu.dma_semaphore, #tpu.memory_space<semaphore_mem>>, %arg26: memref<!tpu.dma_semaphore, #tpu.memory_space<semaphore_mem>>, %arg27: memref<!tpu.dma_semaphore, #tpu.memory_space<semaphore_mem>>, %arg28: memref<!tpu.dma_semaphore, #tpu.memory_space<semaphore_mem>>, %arg29: memref<!tpu.dma_semaphore, #tpu.memory_space<semaphore_mem>>, %arg30: memref<!tpu.dma_semaphore, #tpu.memory_space<semaphore_mem>>, %arg31: memref<!tpu.dma_semaphore, #tpu.memory_space<semaphore_mem>>, %arg32: memref<!tpu.dma_semaphore, #tpu.memory_space<semaphore_mem>>) attributes {dimension_semantics = [#tpu.dimension_semantics<core_parallel>, #tpu.dimension_semantics<subcore_parallel>], iteration_bounds = array<i64: 2, 16>, scalar_prefetch = 0 : i64, scratch_operands = 27 : i64, tpu.core_type = #tpu.core_type<sc_vector_subcore>, window_params = [{transform_indices = #map}, {transform_indices = #map1}, {transform_indices = #map}, {transform_indices = #map2}]} {
    %mul3A = arith.constant 16 : i32
    %mul3A_0 = arith.muli %arg0, %mul3A : i32
    %add3A = arith.addi %mul3A_0, %arg1 : i32
    %mul3A_1 = arith.constant 632 : i32
    %mul3A_2 = arith.muli %arg1, %mul3A_1 : i32
    %mul3A_3 = arith.constant 632 : i32
    %mul3A_4 = arith.muli %arg1, %mul3A_3 : i32
    "tpu.region"() ({
      %run_scoped3A_70 = tpu.sem_alloc : memref<!tpu.dma_semaphore, #tpu.memory_space<semaphore_mem>>
      %dma_start3A_71 = arith.constant 0 : i32
      %dma_start3A_72 = tpu.memref_slice %arg16[%mul3A_4, %dma_start3A_71] : memref<10112x32xbf16, #tpu.memory_space<vmem_shared>> -> memref<632x32xbf16, #tpu.memory_space<vmem_shared>>
      %dma_start3A_73 = arith.constant 0 : i32
      %dma_start3A_74 = tpu.memref_slice %arg4[%mul3A_2, %dma_start3A_73] : memref<10112x32xbf16, #tpu.memory_space<hbm>> -> memref<632x32xbf16, #tpu.memory_space<hbm>>
      tpu.enqueue_dma source(%dma_start3A_74 : memref<632x32xbf16, #tpu.memory_space<hbm>>) target(%dma_start3A_72 : memref<632x32xbf16, #tpu.memory_space<vmem_shared>>) target_semaphore(%run_scoped3A_70 : memref<!tpu.dma_semaphore, #tpu.memory_space<semaphore_mem>>)
      %dma_wait3A_75 = arith.constant 0 : i32
      %dma_wait3A_76 = tpu.memref_slice %arg16[%mul3A_4, %dma_wait3A_75] : memref<10112x32xbf16, #tpu.memory_space<vmem_shared>> -> memref<632x32xbf16, #tpu.memory_space<vmem_shared>>
      %dma_wait3A_77 = arith.constant 0 : i32
      %dma_wait3A_78 = tpu.memref_slice %arg4[%mul3A_2, %dma_wait3A_77] : memref<10112x32xbf16, #tpu.memory_space<hbm>> -> memref<632x32xbf16, #tpu.memory_space<hbm>>
      tpu.wait_dma2 semaphore(%run_scoped3A_70 : memref<!tpu.dma_semaphore, #tpu.memory_space<semaphore_mem>>) src(%dma_wait3A_78 : memref<632x32xbf16, #tpu.memory_space<hbm>>) dst(%dma_wait3A_76 : memref<632x32xbf16, #tpu.memory_space<vmem_shared>>)
      tpu.yield
    }) : () -> ()
    %run_scoped3A = arith.constant 0 : i32
    "tpu.region"() ({
      %run_scoped3A_70 = tpu.sem_alloc : memref<!tpu.dma_semaphore, #tpu.memory_space<semaphore_mem>>
      %dma_start3A_71 = arith.constant 0 : i32
      %dma_start3A_72 = arith.constant 0 : i32
      %dma_start3A_73 = tpu.memref_slice %arg3[%run_scoped3A, %add3A, %dma_start3A_71, %dma_start3A_72] : memref<2x32x80x125xi32, #tpu.memory_space<hbm>> -> memref<1x1x80x125xi32, #tpu.memory_space<hbm>>
      %dma_start3A_74 = tpu.memref_squeeze %dma_start3A_73 : memref<1x1x80x125xi32, #tpu.memory_space<hbm>> -> memref<80x125xi32, #tpu.memory_space<hbm>>
      %dma_start3A_75 = arith.constant 0 : i32
      %dma_start3A_76 = arith.constant 0 : i32
      %dma_start3A_77 = tpu.memref_slice %arg3[%run_scoped3A, %add3A, %dma_start3A_75, %dma_start3A_76] : memref<2x32x80x125xi32, #tpu.memory_space<hbm>> -> memref<1x1x80x125xi32, #tpu.memory_space<hbm>>
      %dma_start3A_78 = tpu.memref_squeeze %dma_start3A_77 : memref<1x1x80x125xi32, #tpu.memory_space<hbm>> -> memref<80x125xi32, #tpu.memory_space<hbm>>
      tpu.enqueue_dma source(%dma_start3A_78 : memref<80x125xi32, #tpu.memory_space<hbm>>) target(%arg6 : memref<80x125xi32, #tpu.memory_space<vmem>>) target_semaphore(%run_scoped3A_70 : memref<!tpu.dma_semaphore, #tpu.memory_space<semaphore_mem>>)
      %dma_wait3A_79 = arith.constant 0 : i32
      %dma_wait3A_80 = arith.constant 0 : i32
      %dma_wait3A_81 = tpu.memref_slice %arg3[%run_scoped3A, %add3A, %dma_wait3A_79, %dma_wait3A_80] : memref<2x32x80x125xi32, #tpu.memory_space<hbm>> -> memref<1x1x80x125xi32, #tpu.memory_space<hbm>>
      %dma_wait3A_82 = tpu.memref_squeeze %dma_wait3A_81 : memref<1x1x80x125xi32, #tpu.memory_space<hbm>> -> memref<80x125xi32, #tpu.memory_space<hbm>>
      %dma_wait3A_83 = arith.constant 0 : i32
      %dma_wait3A_84 = arith.constant 0 : i32
      %dma_wait3A_85 = tpu.memref_slice %arg3[%run_scoped3A, %add3A, %dma_wait3A_83, %dma_wait3A_84] : memref<2x32x80x125xi32, #tpu.memory_space<hbm>> -> memref<1x1x80x125xi32, #tpu.memory_space<hbm>>
      %dma_wait3A_86 = tpu.memref_squeeze %dma_wait3A_85 : memref<1x1x80x125xi32, #tpu.memory_space<hbm>> -> memref<80x125xi32, #tpu.memory_space<hbm>>
      tpu.wait_dma2 semaphore(%run_scoped3A_70 : memref<!tpu.dma_semaphore, #tpu.memory_space<semaphore_mem>>) src(%dma_wait3A_86 : memref<80x125xi32, #tpu.memory_space<hbm>>) dst(%arg6 : memref<80x125xi32, #tpu.memory_space<vmem>>)
      tpu.yield
    }) : () -> ()
    %run_scoped3A_5 = arith.constant 1 : i32
    "tpu.region"() ({
      %run_scoped3A_70 = tpu.sem_alloc : memref<!tpu.dma_semaphore, #tpu.memory_space<semaphore_mem>>
      %dma_start3A_71 = arith.constant 0 : i32
      %dma_start3A_72 = arith.constant 0 : i32
      %dma_start3A_73 = tpu.memref_slice %arg3[%run_scoped3A_5, %add3A, %dma_start3A_71, %dma_start3A_72] : memref<2x32x80x125xi32, #tpu.memory_space<hbm>> -> memref<1x1x80x125xi32, #tpu.memory_space<hbm>>
      %dma_start3A_74 = tpu.memref_squeeze %dma_start3A_73 : memref<1x1x80x125xi32, #tpu.memory_space<hbm>> -> memref<80x125xi32, #tpu.memory_space<hbm>>
      %dma_start3A_75 = arith.constant 0 : i32
      %dma_start3A_76 = arith.constant 0 : i32
      %dma_start3A_77 = tpu.memref_slice %arg3[%run_scoped3A_5, %add3A, %dma_start3A_75, %dma_start3A_76] : memref<2x32x80x125xi32, #tpu.memory_space<hbm>> -> memref<1x1x80x125xi32, #tpu.memory_space<hbm>>
      %dma_start3A_78 = tpu.memref_squeeze %dma_start3A_77 : memref<1x1x80x125xi32, #tpu.memory_space<hbm>> -> memref<80x125xi32, #tpu.memory_space<hbm>>
      tpu.enqueue_dma source(%dma_start3A_78 : memref<80x125xi32, #tpu.memory_space<hbm>>) target(%arg7 : memref<80x125xi32, #tpu.memory_space<vmem>>) target_semaphore(%run_scoped3A_70 : memref<!tpu.dma_semaphore, #tpu.memory_space<semaphore_mem>>)
      %dma_wait3A_79 = arith.constant 0 : i32
      %dma_wait3A_80 = arith.constant 0 : i32
      %dma_wait3A_81 = tpu.memref_slice %arg3[%run_scoped3A_5, %add3A, %dma_wait3A_79, %dma_wait3A_80] : memref<2x32x80x125xi32, #tpu.memory_space<hbm>> -> memref<1x1x80x125xi32, #tpu.memory_space<hbm>>
      %dma_wait3A_82 = tpu.memref_squeeze %dma_wait3A_81 : memref<1x1x80x125xi32, #tpu.memory_space<hbm>> -> memref<80x125xi32, #tpu.memory_space<hbm>>
      %dma_wait3A_83 = arith.constant 0 : i32
      %dma_wait3A_84 = arith.constant 0 : i32
      %dma_wait3A_85 = tpu.memref_slice %arg3[%run_scoped3A_5, %add3A, %dma_wait3A_83, %dma_wait3A_84] : memref<2x32x80x125xi32, #tpu.memory_space<hbm>> -> memref<1x1x80x125xi32, #tpu.memory_space<hbm>>
      %dma_wait3A_86 = tpu.memref_squeeze %dma_wait3A_85 : memref<1x1x80x125xi32, #tpu.memory_space<hbm>> -> memref<80x125xi32, #tpu.memory_space<hbm>>
      tpu.wait_dma2 semaphore(%run_scoped3A_70 : memref<!tpu.dma_semaphore, #tpu.memory_space<semaphore_mem>>) src(%dma_wait3A_86 : memref<80x125xi32, #tpu.memory_space<hbm>>) dst(%arg7 : memref<80x125xi32, #tpu.memory_space<vmem>>)
      tpu.yield
    }) : () -> ()
    %barrier3A = arith.constant 0 : index
    tpu.barrier barrier_id(%barrier3A)
    %dma_start3A = arith.constant 0 : i32
    %dma_start3A_6 = arith.constant 0 : i32
    %dma_start3A_7 = tpu.memref_slice %arg6[%dma_start3A, %dma_start3A_6] : memref<80x125xi32, #tpu.memory_space<vmem>> -> memref<1x125xi32, #tpu.memory_space<vmem>>
    %dma_start3A_8 = tpu.memref_squeeze %dma_start3A_7 : memref<1x125xi32, #tpu.memory_space<vmem>> -> memref<125xi32, #tpu.memory_space<vmem>>
    %dma_start3A_9 = arith.constant 0 : i32
    %dma_start3A_10 = arith.constant 0 : i32
    %dma_start3A_11 = tpu.memref_slice %arg2[%dma_start3A_9, %dma_start3A_10] : memref<10000x32xbf16, #tpu.memory_space<hbm>> -> memref<10000x32xbf16, #tpu.memory_space<hbm>>
    tpu.enqueue_indirect_dma source(%dma_start3A_11 : memref<10000x32xbf16, #tpu.memory_space<hbm>>) target(%arg8 : memref<125x32xbf16, #tpu.memory_space<vmem>>) offsets(%dma_start3A_8 : memref<125xi32, #tpu.memory_space<vmem>>) semaphore(%arg17 : memref<!tpu.dma_semaphore, #tpu.memory_space<semaphore_mem>>)
    %dma_start3A_12 = arith.constant 1 : i32
    %dma_start3A_13 = arith.constant 0 : i32
    %dma_start3A_14 = tpu.memref_slice %arg6[%dma_start3A_12, %dma_start3A_13] : memref<80x125xi32, #tpu.memory_space<vmem>> -> memref<1x125xi32, #tpu.memory_space<vmem>>
    %dma_start3A_15 = tpu.memref_squeeze %dma_start3A_14 : memref<1x125xi32, #tpu.memory_space<vmem>> -> memref<125xi32, #tpu.memory_space<vmem>>
    %dma_start3A_16 = arith.constant 0 : i32
    %dma_start3A_17 = arith.constant 0 : i32
    %dma_start3A_18 = tpu.memref_slice %arg2[%dma_start3A_16, %dma_start3A_17] : memref<10000x32xbf16, #tpu.memory_space<hbm>> -> memref<10000x32xbf16, #tpu.memory_space<hbm>>
    tpu.enqueue_indirect_dma source(%dma_start3A_18 : memref<10000x32xbf16, #tpu.memory_space<hbm>>) target(%arg9 : memref<125x32xbf16, #tpu.memory_space<vmem>>) offsets(%dma_start3A_15 : memref<125xi32, #tpu.memory_space<vmem>>) semaphore(%arg18 : memref<!tpu.dma_semaphore, #tpu.memory_space<semaphore_mem>>)
    %dma_start3A_19 = arith.constant 2 : i32
    %dma_start3A_20 = arith.constant 0 : i32
    %dma_start3A_21 = tpu.memref_slice %arg6[%dma_start3A_19, %dma_start3A_20] : memref<80x125xi32, #tpu.memory_space<vmem>> -> memref<1x125xi32, #tpu.memory_space<vmem>>
    %dma_start3A_22 = tpu.memref_squeeze %dma_start3A_21 : memref<1x125xi32, #tpu.memory_space<vmem>> -> memref<125xi32, #tpu.memory_space<vmem>>
    %dma_start3A_23 = arith.constant 0 : i32
    %dma_start3A_24 = arith.constant 0 : i32
    %dma_start3A_25 = tpu.memref_slice %arg2[%dma_start3A_23, %dma_start3A_24] : memref<10000x32xbf16, #tpu.memory_space<hbm>> -> memref<10000x32xbf16, #tpu.memory_space<hbm>>
    tpu.enqueue_indirect_dma source(%dma_start3A_25 : memref<10000x32xbf16, #tpu.memory_space<hbm>>) target(%arg10 : memref<125x32xbf16, #tpu.memory_space<vmem>>) offsets(%dma_start3A_22 : memref<125xi32, #tpu.memory_space<vmem>>) semaphore(%arg19 : memref<!tpu.dma_semaphore, #tpu.memory_space<semaphore_mem>>)
    %dma_start3A_26 = arith.constant 3 : i32
    %dma_start3A_27 = arith.constant 0 : i32
    %dma_start3A_28 = tpu.memref_slice %arg6[%dma_start3A_26, %dma_start3A_27] : memref<80x125xi32, #tpu.memory_space<vmem>> -> memref<1x125xi32, #tpu.memory_space<vmem>>
    %dma_start3A_29 = tpu.memref_squeeze %dma_start3A_28 : memref<1x125xi32, #tpu.memory_space<vmem>> -> memref<125xi32, #tpu.memory_space<vmem>>
    %dma_start3A_30 = arith.constant 0 : i32
    %dma_start3A_31 = arith.constant 0 : i32
    %dma_start3A_32 = tpu.memref_slice %arg2[%dma_start3A_30, %dma_start3A_31] : memref<10000x32xbf16, #tpu.memory_space<hbm>> -> memref<10000x32xbf16, #tpu.memory_space<hbm>>
    tpu.enqueue_indirect_dma source(%dma_start3A_32 : memref<10000x32xbf16, #tpu.memory_space<hbm>>) target(%arg11 : memref<125x32xbf16, #tpu.memory_space<vmem>>) offsets(%dma_start3A_29 : memref<125xi32, #tpu.memory_space<vmem>>) semaphore(%arg20 : memref<!tpu.dma_semaphore, #tpu.memory_space<semaphore_mem>>)
    %scan3A = arith.constant 0 : i32
    %scan3A_33 = arith.constant 0 : i32
    %scan3A_34 = arith.constant 10 : i32
    %scan3A_35 = arith.addi %scan3A_33, %scan3A_34 : i32
    %scan3A_36 = arith.constant 1 : i32
    scf.for %scan3A_70 = %scan3A_33 to %scan3A_35 step %scan3A_36  : i32 {
      %mul3A_71 = arith.constant 8 : i32
      %mul3A_72 = arith.muli %mul3A_71, %scan3A_70 : i32
      %add3A_73 = arith.constant 0 : i32
      %add3A_74 = arith.addi %mul3A_72, %add3A_73 : i32
      %ge3A = arith.constant 4 : i32
      %ge3A_75 = arith.cmpi sge, %add3A_74, %ge3A : i32
      %convert_element_type3A = arith.extui %ge3A_75 : i1 to i32
      %cond3A = arith.constant 0 : i32
      %cond3A_76 = arith.cmpi ne, %convert_element_type3A, %cond3A : i32
      scf.if %cond3A_76 {
        %sub3A = arith.constant 4 : i32
        %sub3A_291 = arith.subi %add3A_74, %sub3A : i32
        %dma_wait3A_292 = arith.constant 0 : i32
        %dma_wait3A_293 = tpu.memref_slice %arg7[%sub3A_291, %dma_wait3A_292] : memref<80x125xi32, #tpu.memory_space<vmem>> -> memref<1x125xi32, #tpu.memory_space<vmem>>
        %dma_wait3A_294 = tpu.memref_squeeze %dma_wait3A_293 : memref<1x125xi32, #tpu.memory_space<vmem>> -> memref<125xi32, #tpu.memory_space<vmem>>
        %dma_wait3A_295 = arith.constant 0 : i32
        %dma_wait3A_296 = arith.constant 0 : i32
        %dma_wait3A_297 = tpu.memref_slice %arg16[%dma_wait3A_295, %dma_wait3A_296] : memref<10112x32xbf16, #tpu.memory_space<vmem_shared>> -> memref<10112x32xbf16, #tpu.memory_space<vmem_shared>>
        tpu.wait_indirect_dma semaphore(%arg29 : memref<!tpu.dma_semaphore, #tpu.memory_space<semaphore_mem>>) src(%arg12 : memref<125x32xbf16, #tpu.memory_space<vmem>>) dst(%dma_wait3A_297 : memref<10112x32xbf16, #tpu.memory_space<vmem_shared>>)
      } else {
      }
      %add3A_77 = arith.constant 4 : i32
      %add3A_78 = arith.addi %add3A_74, %add3A_77 : i32
      %lt3A = arith.constant 80 : i32
      %lt3A_79 = arith.cmpi slt, %add3A_78, %lt3A : i32
      %convert_element_type3A_80 = arith.extui %lt3A_79 : i1 to i32
      %cond3A_81 = arith.constant 0 : i32
      %cond3A_82 = arith.cmpi ne, %convert_element_type3A_80, %cond3A_81 : i32
      scf.if %cond3A_82 {
        %add3A_291 = arith.constant 4 : i32
        %add3A_292 = arith.addi %add3A_74, %add3A_291 : i32
        %dma_start3A_293 = arith.constant 0 : i32
        %dma_start3A_294 = tpu.memref_slice %arg6[%add3A_292, %dma_start3A_293] : memref<80x125xi32, #tpu.memory_space<vmem>> -> memref<1x125xi32, #tpu.memory_space<vmem>>
        %dma_start3A_295 = tpu.memref_squeeze %dma_start3A_294 : memref<1x125xi32, #tpu.memory_space<vmem>> -> memref<125xi32, #tpu.memory_space<vmem>>
        %dma_start3A_296 = arith.constant 0 : i32
        %dma_start3A_297 = arith.constant 0 : i32
        %dma_start3A_298 = tpu.memref_slice %arg2[%dma_start3A_296, %dma_start3A_297] : memref<10000x32xbf16, #tpu.memory_space<hbm>> -> memref<10000x32xbf16, #tpu.memory_space<hbm>>
        tpu.enqueue_indirect_dma source(%dma_start3A_298 : memref<10000x32xbf16, #tpu.memory_space<hbm>>) target(%arg12 : memref<125x32xbf16, #tpu.memory_space<vmem>>) offsets(%dma_start3A_295 : memref<125xi32, #tpu.memory_space<vmem>>) semaphore(%arg21 : memref<!tpu.dma_semaphore, #tpu.memory_space<semaphore_mem>>)
      } else {
      }
      %dma_wait3A_83 = arith.constant 0 : i32
      %dma_wait3A_84 = tpu.memref_slice %arg6[%add3A_74, %dma_wait3A_83] : memref<80x125xi32, #tpu.memory_space<vmem>> -> memref<1x125xi32, #tpu.memory_space<vmem>>
      %dma_wait3A_85 = tpu.memref_squeeze %dma_wait3A_84 : memref<1x125xi32, #tpu.memory_space<vmem>> -> memref<125xi32, #tpu.memory_space<vmem>>
      %dma_wait3A_86 = arith.constant 0 : i32
      %dma_wait3A_87 = arith.constant 0 : i32
      %dma_wait3A_88 = tpu.memref_slice %arg2[%dma_wait3A_86, %dma_wait3A_87] : memref<10000x32xbf16, #tpu.memory_space<hbm>> -> memref<10000x32xbf16, #tpu.memory_space<hbm>>
      tpu.wait_indirect_dma semaphore(%arg17 : memref<!tpu.dma_semaphore, #tpu.memory_space<semaphore_mem>>) src(%dma_wait3A_88 : memref<10000x32xbf16, #tpu.memory_space<hbm>>) dst(%arg8 : memref<125x32xbf16, #tpu.memory_space<vmem>>)
      %dma_start3A_89 = arith.constant 0 : i32
      %dma_start3A_90 = tpu.memref_slice %arg7[%add3A_74, %dma_start3A_89] : memref<80x125xi32, #tpu.memory_space<vmem>> -> memref<1x125xi32, #tpu.memory_space<vmem>>
      %dma_start3A_91 = tpu.memref_squeeze %dma_start3A_90 : memref<1x125xi32, #tpu.memory_space<vmem>> -> memref<125xi32, #tpu.memory_space<vmem>>
      %dma_start3A_92 = arith.constant 0 : i32
      %dma_start3A_93 = arith.constant 0 : i32
      %dma_start3A_94 = tpu.memref_slice %arg16[%dma_start3A_92, %dma_start3A_93] : memref<10112x32xbf16, #tpu.memory_space<vmem_shared>> -> memref<10112x32xbf16, #tpu.memory_space<vmem_shared>>
      tpu.enqueue_indirect_dma source(%arg8 : memref<125x32xbf16, #tpu.memory_space<vmem>>) target(%dma_start3A_94 : memref<10112x32xbf16, #tpu.memory_space<vmem_shared>>) offsets(%dma_start3A_91 : memref<125xi32, #tpu.memory_space<vmem>>) semaphore(%arg25 : memref<!tpu.dma_semaphore, #tpu.memory_space<semaphore_mem>>) {add = true}
      %mul3A_95 = arith.constant 8 : i32
      %mul3A_96 = arith.muli %mul3A_95, %scan3A_70 : i32
      %add3A_97 = arith.constant 1 : i32
      %add3A_98 = arith.addi %mul3A_96, %add3A_97 : i32
      %ge3A_99 = arith.constant 4 : i32
      %ge3A_100 = arith.cmpi sge, %add3A_98, %ge3A_99 : i32
      %convert_element_type3A_101 = arith.extui %ge3A_100 : i1 to i32
      %cond3A_102 = arith.constant 0 : i32
      %cond3A_103 = arith.cmpi ne, %convert_element_type3A_101, %cond3A_102 : i32
      scf.if %cond3A_103 {
        %sub3A = arith.constant 4 : i32
        %sub3A_291 = arith.subi %add3A_98, %sub3A : i32
        %dma_wait3A_292 = arith.constant 0 : i32
        %dma_wait3A_293 = tpu.memref_slice %arg7[%sub3A_291, %dma_wait3A_292] : memref<80x125xi32, #tpu.memory_space<vmem>> -> memref<1x125xi32, #tpu.memory_space<vmem>>
        %dma_wait3A_294 = tpu.memref_squeeze %dma_wait3A_293 : memref<1x125xi32, #tpu.memory_space<vmem>> -> memref<125xi32, #tpu.memory_space<vmem>>
        %dma_wait3A_295 = arith.constant 0 : i32
        %dma_wait3A_296 = arith.constant 0 : i32
        %dma_wait3A_297 = tpu.memref_slice %arg16[%dma_wait3A_295, %dma_wait3A_296] : memref<10112x32xbf16, #tpu.memory_space<vmem_shared>> -> memref<10112x32xbf16, #tpu.memory_space<vmem_shared>>
        tpu.wait_indirect_dma semaphore(%arg30 : memref<!tpu.dma_semaphore, #tpu.memory_space<semaphore_mem>>) src(%arg13 : memref<125x32xbf16, #tpu.memory_space<vmem>>) dst(%dma_wait3A_297 : memref<10112x32xbf16, #tpu.memory_space<vmem_shared>>)
      } else {
      }
      %add3A_104 = arith.constant 4 : i32
      %add3A_105 = arith.addi %add3A_98, %add3A_104 : i32
      %lt3A_106 = arith.constant 80 : i32
      %lt3A_107 = arith.cmpi slt, %add3A_105, %lt3A_106 : i32
      %convert_element_type3A_108 = arith.extui %lt3A_107 : i1 to i32
      %cond3A_109 = arith.constant 0 : i32
      %cond3A_110 = arith.cmpi ne, %convert_element_type3A_108, %cond3A_109 : i32
      scf.if %cond3A_110 {
        %add3A_291 = arith.constant 4 : i32
        %add3A_292 = arith.addi %add3A_98, %add3A_291 : i32
        %dma_start3A_293 = arith.constant 0 : i32
        %dma_start3A_294 = tpu.memref_slice %arg6[%add3A_292, %dma_start3A_293] : memref<80x125xi32, #tpu.memory_space<vmem>> -> memref<1x125xi32, #tpu.memory_space<vmem>>
        %dma_start3A_295 = tpu.memref_squeeze %dma_start3A_294 : memref<1x125xi32, #tpu.memory_space<vmem>> -> memref<125xi32, #tpu.memory_space<vmem>>
        %dma_start3A_296 = arith.constant 0 : i32
        %dma_start3A_297 = arith.constant 0 : i32
        %dma_start3A_298 = tpu.memref_slice %arg2[%dma_start3A_296, %dma_start3A_297] : memref<10000x32xbf16, #tpu.memory_space<hbm>> -> memref<10000x32xbf16, #tpu.memory_space<hbm>>
        tpu.enqueue_indirect_dma source(%dma_start3A_298 : memref<10000x32xbf16, #tpu.memory_space<hbm>>) target(%arg13 : memref<125x32xbf16, #tpu.memory_space<vmem>>) offsets(%dma_start3A_295 : memref<125xi32, #tpu.memory_space<vmem>>) semaphore(%arg22 : memref<!tpu.dma_semaphore, #tpu.memory_space<semaphore_mem>>)
      } else {
      }
      %dma_wait3A_111 = arith.constant 0 : i32
      %dma_wait3A_112 = tpu.memref_slice %arg6[%add3A_98, %dma_wait3A_111] : memref<80x125xi32, #tpu.memory_space<vmem>> -> memref<1x125xi32, #tpu.memory_space<vmem>>
      %dma_wait3A_113 = tpu.memref_squeeze %dma_wait3A_112 : memref<1x125xi32, #tpu.memory_space<vmem>> -> memref<125xi32, #tpu.memory_space<vmem>>
      %dma_wait3A_114 = arith.constant 0 : i32
      %dma_wait3A_115 = arith.constant 0 : i32
      %dma_wait3A_116 = tpu.memref_slice %arg2[%dma_wait3A_114, %dma_wait3A_115] : memref<10000x32xbf16, #tpu.memory_space<hbm>> -> memref<10000x32xbf16, #tpu.memory_space<hbm>>
      tpu.wait_indirect_dma semaphore(%arg18 : memref<!tpu.dma_semaphore, #tpu.memory_space<semaphore_mem>>) src(%dma_wait3A_116 : memref<10000x32xbf16, #tpu.memory_space<hbm>>) dst(%arg9 : memref<125x32xbf16, #tpu.memory_space<vmem>>)
      %dma_start3A_117 = arith.constant 0 : i32
      %dma_start3A_118 = tpu.memref_slice %arg7[%add3A_98, %dma_start3A_117] : memref<80x125xi32, #tpu.memory_space<vmem>> -> memref<1x125xi32, #tpu.memory_space<vmem>>
      %dma_start3A_119 = tpu.memref_squeeze %dma_start3A_118 : memref<1x125xi32, #tpu.memory_space<vmem>> -> memref<125xi32, #tpu.memory_space<vmem>>
      %dma_start3A_120 = arith.constant 0 : i32
      %dma_start3A_121 = arith.constant 0 : i32
      %dma_start3A_122 = tpu.memref_slice %arg16[%dma_start3A_120, %dma_start3A_121] : memref<10112x32xbf16, #tpu.memory_space<vmem_shared>> -> memref<10112x32xbf16, #tpu.memory_space<vmem_shared>>
      tpu.enqueue_indirect_dma source(%arg9 : memref<125x32xbf16, #tpu.memory_space<vmem>>) target(%dma_start3A_122 : memref<10112x32xbf16, #tpu.memory_space<vmem_shared>>) offsets(%dma_start3A_119 : memref<125xi32, #tpu.memory_space<vmem>>) semaphore(%arg26 : memref<!tpu.dma_semaphore, #tpu.memory_space<semaphore_mem>>) {add = true}
      %mul3A_123 = arith.constant 8 : i32
      %mul3A_124 = arith.muli %mul3A_123, %scan3A_70 : i32
      %add3A_125 = arith.constant 2 : i32
      %add3A_126 = arith.addi %mul3A_124, %add3A_125 : i32
      %ge3A_127 = arith.constant 4 : i32
      %ge3A_128 = arith.cmpi sge, %add3A_126, %ge3A_127 : i32
      %convert_element_type3A_129 = arith.extui %ge3A_128 : i1 to i32
      %cond3A_130 = arith.constant 0 : i32
      %cond3A_131 = arith.cmpi ne, %convert_element_type3A_129, %cond3A_130 : i32
      scf.if %cond3A_131 {
        %sub3A = arith.constant 4 : i32
        %sub3A_291 = arith.subi %add3A_126, %sub3A : i32
        %dma_wait3A_292 = arith.constant 0 : i32
        %dma_wait3A_293 = tpu.memref_slice %arg7[%sub3A_291, %dma_wait3A_292] : memref<80x125xi32, #tpu.memory_space<vmem>> -> memref<1x125xi32, #tpu.memory_space<vmem>>
        %dma_wait3A_294 = tpu.memref_squeeze %dma_wait3A_293 : memref<1x125xi32, #tpu.memory_space<vmem>> -> memref<125xi32, #tpu.memory_space<vmem>>
        %dma_wait3A_295 = arith.constant 0 : i32
        %dma_wait3A_296 = arith.constant 0 : i32
        %dma_wait3A_297 = tpu.memref_slice %arg16[%dma_wait3A_295, %dma_wait3A_296] : memref<10112x32xbf16, #tpu.memory_space<vmem_shared>> -> memref<10112x32xbf16, #tpu.memory_space<vmem_shared>>
        tpu.wait_indirect_dma semaphore(%arg31 : memref<!tpu.dma_semaphore, #tpu.memory_space<semaphore_mem>>) src(%arg14 : memref<125x32xbf16, #tpu.memory_space<vmem>>) dst(%dma_wait3A_297 : memref<10112x32xbf16, #tpu.memory_space<vmem_shared>>)
      } else {
      }
      %add3A_132 = arith.constant 4 : i32
      %add3A_133 = arith.addi %add3A_126, %add3A_132 : i32
      %lt3A_134 = arith.constant 80 : i32
      %lt3A_135 = arith.cmpi slt, %add3A_133, %lt3A_134 : i32
      %convert_element_type3A_136 = arith.extui %lt3A_135 : i1 to i32
      %cond3A_137 = arith.constant 0 : i32
      %cond3A_138 = arith.cmpi ne, %convert_element_type3A_136, %cond3A_137 : i32
      scf.if %cond3A_138 {
        %add3A_291 = arith.constant 4 : i32
        %add3A_292 = arith.addi %add3A_126, %add3A_291 : i32
        %dma_start3A_293 = arith.constant 0 : i32
        %dma_start3A_294 = tpu.memref_slice %arg6[%add3A_292, %dma_start3A_293] : memref<80x125xi32, #tpu.memory_space<vmem>> -> memref<1x125xi32, #tpu.memory_space<vmem>>
        %dma_start3A_295 = tpu.memref_squeeze %dma_start3A_294 : memref<1x125xi32, #tpu.memory_space<vmem>> -> memref<125xi32, #tpu.memory_space<vmem>>
        %dma_start3A_296 = arith.constant 0 : i32
        %dma_start3A_297 = arith.constant 0 : i32
        %dma_start3A_298 = tpu.memref_slice %arg2[%dma_start3A_296, %dma_start3A_297] : memref<10000x32xbf16, #tpu.memory_space<hbm>> -> memref<10000x32xbf16, #tpu.memory_space<hbm>>
        tpu.enqueue_indirect_dma source(%dma_start3A_298 : memref<10000x32xbf16, #tpu.memory_space<hbm>>) target(%arg14 : memref<125x32xbf16, #tpu.memory_space<vmem>>) offsets(%dma_start3A_295 : memref<125xi32, #tpu.memory_space<vmem>>) semaphore(%arg23 : memref<!tpu.dma_semaphore, #tpu.memory_space<semaphore_mem>>)
      } else {
      }
      %dma_wait3A_139 = arith.constant 0 : i32
      %dma_wait3A_140 = tpu.memref_slice %arg6[%add3A_126, %dma_wait3A_139] : memref<80x125xi32, #tpu.memory_space<vmem>> -> memref<1x125xi32, #tpu.memory_space<vmem>>
      %dma_wait3A_141 = tpu.memref_squeeze %dma_wait3A_140 : memref<1x125xi32, #tpu.memory_space<vmem>> -> memref<125xi32, #tpu.memory_space<vmem>>
      %dma_wait3A_142 = arith.constant 0 : i32
      %dma_wait3A_143 = arith.constant 0 : i32
      %dma_wait3A_144 = tpu.memref_slice %arg2[%dma_wait3A_142, %dma_wait3A_143] : memref<10000x32xbf16, #tpu.memory_space<hbm>> -> memref<10000x32xbf16, #tpu.memory_space<hbm>>
      tpu.wait_indirect_dma semaphore(%arg19 : memref<!tpu.dma_semaphore, #tpu.memory_space<semaphore_mem>>) src(%dma_wait3A_144 : memref<10000x32xbf16, #tpu.memory_space<hbm>>) dst(%arg10 : memref<125x32xbf16, #tpu.memory_space<vmem>>)
      %dma_start3A_145 = arith.constant 0 : i32
      %dma_start3A_146 = tpu.memref_slice %arg7[%add3A_126, %dma_start3A_145] : memref<80x125xi32, #tpu.memory_space<vmem>> -> memref<1x125xi32, #tpu.memory_space<vmem>>
      %dma_start3A_147 = tpu.memref_squeeze %dma_start3A_146 : memref<1x125xi32, #tpu.memory_space<vmem>> -> memref<125xi32, #tpu.memory_space<vmem>>
      %dma_start3A_148 = arith.constant 0 : i32
      %dma_start3A_149 = arith.constant 0 : i32
      %dma_start3A_150 = tpu.memref_slice %arg16[%dma_start3A_148, %dma_start3A_149] : memref<10112x32xbf16, #tpu.memory_space<vmem_shared>> -> memref<10112x32xbf16, #tpu.memory_space<vmem_shared>>
      tpu.enqueue_indirect_dma source(%arg10 : memref<125x32xbf16, #tpu.memory_space<vmem>>) target(%dma_start3A_150 : memref<10112x32xbf16, #tpu.memory_space<vmem_shared>>) offsets(%dma_start3A_147 : memref<125xi32, #tpu.memory_space<vmem>>) semaphore(%arg27 : memref<!tpu.dma_semaphore, #tpu.memory_space<semaphore_mem>>) {add = true}
      %mul3A_151 = arith.constant 8 : i32
      %mul3A_152 = arith.muli %mul3A_151, %scan3A_70 : i32
      %add3A_153 = arith.constant 3 : i32
      %add3A_154 = arith.addi %mul3A_152, %add3A_153 : i32
      %ge3A_155 = arith.constant 4 : i32
      %ge3A_156 = arith.cmpi sge, %add3A_154, %ge3A_155 : i32
      %convert_element_type3A_157 = arith.extui %ge3A_156 : i1 to i32
      %cond3A_158 = arith.constant 0 : i32
      %cond3A_159 = arith.cmpi ne, %convert_element_type3A_157, %cond3A_158 : i32
      scf.if %cond3A_159 {
        %sub3A = arith.constant 4 : i32
        %sub3A_291 = arith.subi %add3A_154, %sub3A : i32
        %dma_wait3A_292 = arith.constant 0 : i32
        %dma_wait3A_293 = tpu.memref_slice %arg7[%sub3A_291, %dma_wait3A_292] : memref<80x125xi32, #tpu.memory_space<vmem>> -> memref<1x125xi32, #tpu.memory_space<vmem>>
        %dma_wait3A_294 = tpu.memref_squeeze %dma_wait3A_293 : memref<1x125xi32, #tpu.memory_space<vmem>> -> memref<125xi32, #tpu.memory_space<vmem>>
        %dma_wait3A_295 = arith.constant 0 : i32
        %dma_wait3A_296 = arith.constant 0 : i32
        %dma_wait3A_297 = tpu.memref_slice %arg16[%dma_wait3A_295, %dma_wait3A_296] : memref<10112x32xbf16, #tpu.memory_space<vmem_shared>> -> memref<10112x32xbf16, #tpu.memory_space<vmem_shared>>
        tpu.wait_indirect_dma semaphore(%arg32 : memref<!tpu.dma_semaphore, #tpu.memory_space<semaphore_mem>>) src(%arg15 : memref<125x32xbf16, #tpu.memory_space<vmem>>) dst(%dma_wait3A_297 : memref<10112x32xbf16, #tpu.memory_space<vmem_shared>>)
      } else {
      }
      %add3A_160 = arith.constant 4 : i32
      %add3A_161 = arith.addi %add3A_154, %add3A_160 : i32
      %lt3A_162 = arith.constant 80 : i32
      %lt3A_163 = arith.cmpi slt, %add3A_161, %lt3A_162 : i32
      %convert_element_type3A_164 = arith.extui %lt3A_163 : i1 to i32
      %cond3A_165 = arith.constant 0 : i32
      %cond3A_166 = arith.cmpi ne, %convert_element_type3A_164, %cond3A_165 : i32
      scf.if %cond3A_166 {
        %add3A_291 = arith.constant 4 : i32
        %add3A_292 = arith.addi %add3A_154, %add3A_291 : i32
        %dma_start3A_293 = arith.constant 0 : i32
        %dma_start3A_294 = tpu.memref_slice %arg6[%add3A_292, %dma_start3A_293] : memref<80x125xi32, #tpu.memory_space<vmem>> -> memref<1x125xi32, #tpu.memory_space<vmem>>
        %dma_start3A_295 = tpu.memref_squeeze %dma_start3A_294 : memref<1x125xi32, #tpu.memory_space<vmem>> -> memref<125xi32, #tpu.memory_space<vmem>>
        %dma_start3A_296 = arith.constant 0 : i32
        %dma_start3A_297 = arith.constant 0 : i32
        %dma_start3A_298 = tpu.memref_slice %arg2[%dma_start3A_296, %dma_start3A_297] : memref<10000x32xbf16, #tpu.memory_space<hbm>> -> memref<10000x32xbf16, #tpu.memory_space<hbm>>
        tpu.enqueue_indirect_dma source(%dma_start3A_298 : memref<10000x32xbf16, #tpu.memory_space<hbm>>) target(%arg15 : memref<125x32xbf16, #tpu.memory_space<vmem>>) offsets(%dma_start3A_295 : memref<125xi32, #tpu.memory_space<vmem>>) semaphore(%arg24 : memref<!tpu.dma_semaphore, #tpu.memory_space<semaphore_mem>>)
      } else {
      }
      %dma_wait3A_167 = arith.constant 0 : i32
      %dma_wait3A_168 = tpu.memref_slice %arg6[%add3A_154, %dma_wait3A_167] : memref<80x125xi32, #tpu.memory_space<vmem>> -> memref<1x125xi32, #tpu.memory_space<vmem>>
      %dma_wait3A_169 = tpu.memref_squeeze %dma_wait3A_168 : memref<1x125xi32, #tpu.memory_space<vmem>> -> memref<125xi32, #tpu.memory_space<vmem>>
      %dma_wait3A_170 = arith.constant 0 : i32
      %dma_wait3A_171 = arith.constant 0 : i32
      %dma_wait3A_172 = tpu.memref_slice %arg2[%dma_wait3A_170, %dma_wait3A_171] : memref<10000x32xbf16, #tpu.memory_space<hbm>> -> memref<10000x32xbf16, #tpu.memory_space<hbm>>
      tpu.wait_indirect_dma semaphore(%arg20 : memref<!tpu.dma_semaphore, #tpu.memory_space<semaphore_mem>>) src(%dma_wait3A_172 : memref<10000x32xbf16, #tpu.memory_space<hbm>>) dst(%arg11 : memref<125x32xbf16, #tpu.memory_space<vmem>>)
      %dma_start3A_173 = arith.constant 0 : i32
      %dma_start3A_174 = tpu.memref_slice %arg7[%add3A_154, %dma_start3A_173] : memref<80x125xi32, #tpu.memory_space<vmem>> -> memref<1x125xi32, #tpu.memory_space<vmem>>
      %dma_start3A_175 = tpu.memref_squeeze %dma_start3A_174 : memref<1x125xi32, #tpu.memory_space<vmem>> -> memref<125xi32, #tpu.memory_space<vmem>>
      %dma_start3A_176 = arith.constant 0 : i32
      %dma_start3A_177 = arith.constant 0 : i32
      %dma_start3A_178 = tpu.memref_slice %arg16[%dma_start3A_176, %dma_start3A_177] : memref<10112x32xbf16, #tpu.memory_space<vmem_shared>> -> memref<10112x32xbf16, #tpu.memory_space<vmem_shared>>
      tpu.enqueue_indirect_dma source(%arg11 : memref<125x32xbf16, #tpu.memory_space<vmem>>) target(%dma_start3A_178 : memref<10112x32xbf16, #tpu.memory_space<vmem_shared>>) offsets(%dma_start3A_175 : memref<125xi32, #tpu.memory_space<vmem>>) semaphore(%arg28 : memref<!tpu.dma_semaphore, #tpu.memory_space<semaphore_mem>>) {add = true}
      %mul3A_179 = arith.constant 8 : i32
      %mul3A_180 = arith.muli %mul3A_179, %scan3A_70 : i32
      %add3A_181 = arith.constant 4 : i32
      %add3A_182 = arith.addi %mul3A_180, %add3A_181 : i32
      %ge3A_183 = arith.constant 4 : i32
      %ge3A_184 = arith.cmpi sge, %add3A_182, %ge3A_183 : i32
      %convert_element_type3A_185 = arith.extui %ge3A_184 : i1 to i32
      %cond3A_186 = arith.constant 0 : i32
      %cond3A_187 = arith.cmpi ne, %convert_element_type3A_185, %cond3A_186 : i32
      scf.if %cond3A_187 {
        %sub3A = arith.constant 4 : i32
        %sub3A_291 = arith.subi %add3A_182, %sub3A : i32
        %dma_wait3A_292 = arith.constant 0 : i32
        %dma_wait3A_293 = tpu.memref_slice %arg7[%sub3A_291, %dma_wait3A_292] : memref<80x125xi32, #tpu.memory_space<vmem>> -> memref<1x125xi32, #tpu.memory_space<vmem>>
        %dma_wait3A_294 = tpu.memref_squeeze %dma_wait3A_293 : memref<1x125xi32, #tpu.memory_space<vmem>> -> memref<125xi32, #tpu.memory_space<vmem>>
        %dma_wait3A_295 = arith.constant 0 : i32
        %dma_wait3A_296 = arith.constant 0 : i32
        %dma_wait3A_297 = tpu.memref_slice %arg16[%dma_wait3A_295, %dma_wait3A_296] : memref<10112x32xbf16, #tpu.memory_space<vmem_shared>> -> memref<10112x32xbf16, #tpu.memory_space<vmem_shared>>
        tpu.wait_indirect_dma semaphore(%arg25 : memref<!tpu.dma_semaphore, #tpu.memory_space<semaphore_mem>>) src(%arg8 : memref<125x32xbf16, #tpu.memory_space<vmem>>) dst(%dma_wait3A_297 : memref<10112x32xbf16, #tpu.memory_space<vmem_shared>>)
      } else {
      }
      %add3A_188 = arith.constant 4 : i32
      %add3A_189 = arith.addi %add3A_182, %add3A_188 : i32
      %lt3A_190 = arith.constant 80 : i32
      %lt3A_191 = arith.cmpi slt, %add3A_189, %lt3A_190 : i32
      %convert_element_type3A_192 = arith.extui %lt3A_191 : i1 to i32
      %cond3A_193 = arith.constant 0 : i32
      %cond3A_194 = arith.cmpi ne, %convert_element_type3A_192, %cond3A_193 : i32
      scf.if %cond3A_194 {
        %add3A_291 = arith.constant 4 : i32
        %add3A_292 = arith.addi %add3A_182, %add3A_291 : i32
        %dma_start3A_293 = arith.constant 0 : i32
        %dma_start3A_294 = tpu.memref_slice %arg6[%add3A_292, %dma_start3A_293] : memref<80x125xi32, #tpu.memory_space<vmem>> -> memref<1x125xi32, #tpu.memory_space<vmem>>
        %dma_start3A_295 = tpu.memref_squeeze %dma_start3A_294 : memref<1x125xi32, #tpu.memory_space<vmem>> -> memref<125xi32, #tpu.memory_space<vmem>>
        %dma_start3A_296 = arith.constant 0 : i32
        %dma_start3A_297 = arith.constant 0 : i32
        %dma_start3A_298 = tpu.memref_slice %arg2[%dma_start3A_296, %dma_start3A_297] : memref<10000x32xbf16, #tpu.memory_space<hbm>> -> memref<10000x32xbf16, #tpu.memory_space<hbm>>
        tpu.enqueue_indirect_dma source(%dma_start3A_298 : memref<10000x32xbf16, #tpu.memory_space<hbm>>) target(%arg8 : memref<125x32xbf16, #tpu.memory_space<vmem>>) offsets(%dma_start3A_295 : memref<125xi32, #tpu.memory_space<vmem>>) semaphore(%arg17 : memref<!tpu.dma_semaphore, #tpu.memory_space<semaphore_mem>>)
      } else {
      }
      %dma_wait3A_195 = arith.constant 0 : i32
      %dma_wait3A_196 = tpu.memref_slice %arg6[%add3A_182, %dma_wait3A_195] : memref<80x125xi32, #tpu.memory_space<vmem>> -> memref<1x125xi32, #tpu.memory_space<vmem>>
      %dma_wait3A_197 = tpu.memref_squeeze %dma_wait3A_196 : memref<1x125xi32, #tpu.memory_space<vmem>> -> memref<125xi32, #tpu.memory_space<vmem>>
      %dma_wait3A_198 = arith.constant 0 : i32
      %dma_wait3A_199 = arith.constant 0 : i32
      %dma_wait3A_200 = tpu.memref_slice %arg2[%dma_wait3A_198, %dma_wait3A_199] : memref<10000x32xbf16, #tpu.memory_space<hbm>> -> memref<10000x32xbf16, #tpu.memory_space<hbm>>
      tpu.wait_indirect_dma semaphore(%arg21 : memref<!tpu.dma_semaphore, #tpu.memory_space<semaphore_mem>>) src(%dma_wait3A_200 : memref<10000x32xbf16, #tpu.memory_space<hbm>>) dst(%arg12 : memref<125x32xbf16, #tpu.memory_space<vmem>>)
      %dma_start3A_201 = arith.constant 0 : i32
      %dma_start3A_202 = tpu.memref_slice %arg7[%add3A_182, %dma_start3A_201] : memref<80x125xi32, #tpu.memory_space<vmem>> -> memref<1x125xi32, #tpu.memory_space<vmem>>
      %dma_start3A_203 = tpu.memref_squeeze %dma_start3A_202 : memref<1x125xi32, #tpu.memory_space<vmem>> -> memref<125xi32, #tpu.memory_space<vmem>>
      %dma_start3A_204 = arith.constant 0 : i32
      %dma_start3A_205 = arith.constant 0 : i32
      %dma_start3A_206 = tpu.memref_slice %arg16[%dma_start3A_204, %dma_start3A_205] : memref<10112x32xbf16, #tpu.memory_space<vmem_shared>> -> memref<10112x32xbf16, #tpu.memory_space<vmem_shared>>
      tpu.enqueue_indirect_dma source(%arg12 : memref<125x32xbf16, #tpu.memory_space<vmem>>) target(%dma_start3A_206 : memref<10112x32xbf16, #tpu.memory_space<vmem_shared>>) offsets(%dma_start3A_203 : memref<125xi32, #tpu.memory_space<vmem>>) semaphore(%arg29 : memref<!tpu.dma_semaphore, #tpu.memory_space<semaphore_mem>>) {add = true}
      %mul3A_207 = arith.constant 8 : i32
      %mul3A_208 = arith.muli %mul3A_207, %scan3A_70 : i32
      %add3A_209 = arith.constant 5 : i32
      %add3A_210 = arith.addi %mul3A_208, %add3A_209 : i32
      %ge3A_211 = arith.constant 4 : i32
      %ge3A_212 = arith.cmpi sge, %add3A_210, %ge3A_211 : i32
      %convert_element_type3A_213 = arith.extui %ge3A_212 : i1 to i32
      %cond3A_214 = arith.constant 0 : i32
      %cond3A_215 = arith.cmpi ne, %convert_element_type3A_213, %cond3A_214 : i32
      scf.if %cond3A_215 {
        %sub3A = arith.constant 4 : i32
        %sub3A_291 = arith.subi %add3A_210, %sub3A : i32
        %dma_wait3A_292 = arith.constant 0 : i32
        %dma_wait3A_293 = tpu.memref_slice %arg7[%sub3A_291, %dma_wait3A_292] : memref<80x125xi32, #tpu.memory_space<vmem>> -> memref<1x125xi32, #tpu.memory_space<vmem>>
        %dma_wait3A_294 = tpu.memref_squeeze %dma_wait3A_293 : memref<1x125xi32, #tpu.memory_space<vmem>> -> memref<125xi32, #tpu.memory_space<vmem>>
        %dma_wait3A_295 = arith.constant 0 : i32
        %dma_wait3A_296 = arith.constant 0 : i32
        %dma_wait3A_297 = tpu.memref_slice %arg16[%dma_wait3A_295, %dma_wait3A_296] : memref<10112x32xbf16, #tpu.memory_space<vmem_shared>> -> memref<10112x32xbf16, #tpu.memory_space<vmem_shared>>
        tpu.wait_indirect_dma semaphore(%arg26 : memref<!tpu.dma_semaphore, #tpu.memory_space<semaphore_mem>>) src(%arg9 : memref<125x32xbf16, #tpu.memory_space<vmem>>) dst(%dma_wait3A_297 : memref<10112x32xbf16, #tpu.memory_space<vmem_shared>>)
      } else {
      }
      %add3A_216 = arith.constant 4 : i32
      %add3A_217 = arith.addi %add3A_210, %add3A_216 : i32
      %lt3A_218 = arith.constant 80 : i32
      %lt3A_219 = arith.cmpi slt, %add3A_217, %lt3A_218 : i32
      %convert_element_type3A_220 = arith.extui %lt3A_219 : i1 to i32
      %cond3A_221 = arith.constant 0 : i32
      %cond3A_222 = arith.cmpi ne, %convert_element_type3A_220, %cond3A_221 : i32
      scf.if %cond3A_222 {
        %add3A_291 = arith.constant 4 : i32
        %add3A_292 = arith.addi %add3A_210, %add3A_291 : i32
        %dma_start3A_293 = arith.constant 0 : i32
        %dma_start3A_294 = tpu.memref_slice %arg6[%add3A_292, %dma_start3A_293] : memref<80x125xi32, #tpu.memory_space<vmem>> -> memref<1x125xi32, #tpu.memory_space<vmem>>
        %dma_start3A_295 = tpu.memref_squeeze %dma_start3A_294 : memref<1x125xi32, #tpu.memory_space<vmem>> -> memref<125xi32, #tpu.memory_space<vmem>>
        %dma_start3A_296 = arith.constant 0 : i32
        %dma_start3A_297 = arith.constant 0 : i32
        %dma_start3A_298 = tpu.memref_slice %arg2[%dma_start3A_296, %dma_start3A_297] : memref<10000x32xbf16, #tpu.memory_space<hbm>> -> memref<10000x32xbf16, #tpu.memory_space<hbm>>
        tpu.enqueue_indirect_dma source(%dma_start3A_298 : memref<10000x32xbf16, #tpu.memory_space<hbm>>) target(%arg9 : memref<125x32xbf16, #tpu.memory_space<vmem>>) offsets(%dma_start3A_295 : memref<125xi32, #tpu.memory_space<vmem>>) semaphore(%arg18 : memref<!tpu.dma_semaphore, #tpu.memory_space<semaphore_mem>>)
      } else {
      }
      %dma_wait3A_223 = arith.constant 0 : i32
      %dma_wait3A_224 = tpu.memref_slice %arg6[%add3A_210, %dma_wait3A_223] : memref<80x125xi32, #tpu.memory_space<vmem>> -> memref<1x125xi32, #tpu.memory_space<vmem>>
      %dma_wait3A_225 = tpu.memref_squeeze %dma_wait3A_224 : memref<1x125xi32, #tpu.memory_space<vmem>> -> memref<125xi32, #tpu.memory_space<vmem>>
      %dma_wait3A_226 = arith.constant 0 : i32
      %dma_wait3A_227 = arith.constant 0 : i32
      %dma_wait3A_228 = tpu.memref_slice %arg2[%dma_wait3A_226, %dma_wait3A_227] : memref<10000x32xbf16, #tpu.memory_space<hbm>> -> memref<10000x32xbf16, #tpu.memory_space<hbm>>
      tpu.wait_indirect_dma semaphore(%arg22 : memref<!tpu.dma_semaphore, #tpu.memory_space<semaphore_mem>>) src(%dma_wait3A_228 : memref<10000x32xbf16, #tpu.memory_space<hbm>>) dst(%arg13 : memref<125x32xbf16, #tpu.memory_space<vmem>>)
      %dma_start3A_229 = arith.constant 0 : i32
      %dma_start3A_230 = tpu.memref_slice %arg7[%add3A_210, %dma_start3A_229] : memref<80x125xi32, #tpu.memory_space<vmem>> -> memref<1x125xi32, #tpu.memory_space<vmem>>
      %dma_start3A_231 = tpu.memref_squeeze %dma_start3A_230 : memref<1x125xi32, #tpu.memory_space<vmem>> -> memref<125xi32, #tpu.memory_space<vmem>>
      %dma_start3A_232 = arith.constant 0 : i32
      %dma_start3A_233 = arith.constant 0 : i32
      %dma_start3A_234 = tpu.memref_slice %arg16[%dma_start3A_232, %dma_start3A_233] : memref<10112x32xbf16, #tpu.memory_space<vmem_shared>> -> memref<10112x32xbf16, #tpu.memory_space<vmem_shared>>
      tpu.enqueue_indirect_dma source(%arg13 : memref<125x32xbf16, #tpu.memory_space<vmem>>) target(%dma_start3A_234 : memref<10112x32xbf16, #tpu.memory_space<vmem_shared>>) offsets(%dma_start3A_231 : memref<125xi32, #tpu.memory_space<vmem>>) semaphore(%arg30 : memref<!tpu.dma_semaphore, #tpu.memory_space<semaphore_mem>>) {add = true}
      %mul3A_235 = arith.constant 8 : i32
      %mul3A_236 = arith.muli %mul3A_235, %scan3A_70 : i32
      %add3A_237 = arith.constant 6 : i32
      %add3A_238 = arith.addi %mul3A_236, %add3A_237 : i32
      %ge3A_239 = arith.constant 4 : i32
      %ge3A_240 = arith.cmpi sge, %add3A_238, %ge3A_239 : i32
      %convert_element_type3A_241 = arith.extui %ge3A_240 : i1 to i32
      %cond3A_242 = arith.constant 0 : i32
      %cond3A_243 = arith.cmpi ne, %convert_element_type3A_241, %cond3A_242 : i32
      scf.if %cond3A_243 {
        %sub3A = arith.constant 4 : i32
        %sub3A_291 = arith.subi %add3A_238, %sub3A : i32
        %dma_wait3A_292 = arith.constant 0 : i32
        %dma_wait3A_293 = tpu.memref_slice %arg7[%sub3A_291, %dma_wait3A_292] : memref<80x125xi32, #tpu.memory_space<vmem>> -> memref<1x125xi32, #tpu.memory_space<vmem>>
        %dma_wait3A_294 = tpu.memref_squeeze %dma_wait3A_293 : memref<1x125xi32, #tpu.memory_space<vmem>> -> memref<125xi32, #tpu.memory_space<vmem>>
        %dma_wait3A_295 = arith.constant 0 : i32
        %dma_wait3A_296 = arith.constant 0 : i32
        %dma_wait3A_297 = tpu.memref_slice %arg16[%dma_wait3A_295, %dma_wait3A_296] : memref<10112x32xbf16, #tpu.memory_space<vmem_shared>> -> memref<10112x32xbf16, #tpu.memory_space<vmem_shared>>
        tpu.wait_indirect_dma semaphore(%arg27 : memref<!tpu.dma_semaphore, #tpu.memory_space<semaphore_mem>>) src(%arg10 : memref<125x32xbf16, #tpu.memory_space<vmem>>) dst(%dma_wait3A_297 : memref<10112x32xbf16, #tpu.memory_space<vmem_shared>>)
      } else {
      }
      %add3A_244 = arith.constant 4 : i32
      %add3A_245 = arith.addi %add3A_238, %add3A_244 : i32
      %lt3A_246 = arith.constant 80 : i32
      %lt3A_247 = arith.cmpi slt, %add3A_245, %lt3A_246 : i32
      %convert_element_type3A_248 = arith.extui %lt3A_247 : i1 to i32
      %cond3A_249 = arith.constant 0 : i32
      %cond3A_250 = arith.cmpi ne, %convert_element_type3A_248, %cond3A_249 : i32
      scf.if %cond3A_250 {
        %add3A_291 = arith.constant 4 : i32
        %add3A_292 = arith.addi %add3A_238, %add3A_291 : i32
        %dma_start3A_293 = arith.constant 0 : i32
        %dma_start3A_294 = tpu.memref_slice %arg6[%add3A_292, %dma_start3A_293] : memref<80x125xi32, #tpu.memory_space<vmem>> -> memref<1x125xi32, #tpu.memory_space<vmem>>
        %dma_start3A_295 = tpu.memref_squeeze %dma_start3A_294 : memref<1x125xi32, #tpu.memory_space<vmem>> -> memref<125xi32, #tpu.memory_space<vmem>>
        %dma_start3A_296 = arith.constant 0 : i32
        %dma_start3A_297 = arith.constant 0 : i32
        %dma_start3A_298 = tpu.memref_slice %arg2[%dma_start3A_296, %dma_start3A_297] : memref<10000x32xbf16, #tpu.memory_space<hbm>> -> memref<10000x32xbf16, #tpu.memory_space<hbm>>
        tpu.enqueue_indirect_dma source(%dma_start3A_298 : memref<10000x32xbf16, #tpu.memory_space<hbm>>) target(%arg10 : memref<125x32xbf16, #tpu.memory_space<vmem>>) offsets(%dma_start3A_295 : memref<125xi32, #tpu.memory_space<vmem>>) semaphore(%arg19 : memref<!tpu.dma_semaphore, #tpu.memory_space<semaphore_mem>>)
      } else {
      }
      %dma_wait3A_251 = arith.constant 0 : i32
      %dma_wait3A_252 = tpu.memref_slice %arg6[%add3A_238, %dma_wait3A_251] : memref<80x125xi32, #tpu.memory_space<vmem>> -> memref<1x125xi32, #tpu.memory_space<vmem>>
      %dma_wait3A_253 = tpu.memref_squeeze %dma_wait3A_252 : memref<1x125xi32, #tpu.memory_space<vmem>> -> memref<125xi32, #tpu.memory_space<vmem>>
      %dma_wait3A_254 = arith.constant 0 : i32
      %dma_wait3A_255 = arith.constant 0 : i32
      %dma_wait3A_256 = tpu.memref_slice %arg2[%dma_wait3A_254, %dma_wait3A_255] : memref<10000x32xbf16, #tpu.memory_space<hbm>> -> memref<10000x32xbf16, #tpu.memory_space<hbm>>
      tpu.wait_indirect_dma semaphore(%arg23 : memref<!tpu.dma_semaphore, #tpu.memory_space<semaphore_mem>>) src(%dma_wait3A_256 : memref<10000x32xbf16, #tpu.memory_space<hbm>>) dst(%arg14 : memref<125x32xbf16, #tpu.memory_space<vmem>>)
      %dma_start3A_257 = arith.constant 0 : i32
      %dma_start3A_258 = tpu.memref_slice %arg7[%add3A_238, %dma_start3A_257] : memref<80x125xi32, #tpu.memory_space<vmem>> -> memref<1x125xi32, #tpu.memory_space<vmem>>
      %dma_start3A_259 = tpu.memref_squeeze %dma_start3A_258 : memref<1x125xi32, #tpu.memory_space<vmem>> -> memref<125xi32, #tpu.memory_space<vmem>>
      %dma_start3A_260 = arith.constant 0 : i32
      %dma_start3A_261 = arith.constant 0 : i32
      %dma_start3A_262 = tpu.memref_slice %arg16[%dma_start3A_260, %dma_start3A_261] : memref<10112x32xbf16, #tpu.memory_space<vmem_shared>> -> memref<10112x32xbf16, #tpu.memory_space<vmem_shared>>
      tpu.enqueue_indirect_dma source(%arg14 : memref<125x32xbf16, #tpu.memory_space<vmem>>) target(%dma_start3A_262 : memref<10112x32xbf16, #tpu.memory_space<vmem_shared>>) offsets(%dma_start3A_259 : memref<125xi32, #tpu.memory_space<vmem>>) semaphore(%arg31 : memref<!tpu.dma_semaphore, #tpu.memory_space<semaphore_mem>>) {add = true}
      %mul3A_263 = arith.constant 8 : i32
      %mul3A_264 = arith.muli %mul3A_263, %scan3A_70 : i32
      %add3A_265 = arith.constant 7 : i32
      %add3A_266 = arith.addi %mul3A_264, %add3A_265 : i32
      %ge3A_267 = arith.constant 4 : i32
      %ge3A_268 = arith.cmpi sge, %add3A_266, %ge3A_267 : i32
      %convert_element_type3A_269 = arith.extui %ge3A_268 : i1 to i32
      %cond3A_270 = arith.constant 0 : i32
      %cond3A_271 = arith.cmpi ne, %convert_element_type3A_269, %cond3A_270 : i32
      scf.if %cond3A_271 {
        %sub3A = arith.constant 4 : i32
        %sub3A_291 = arith.subi %add3A_266, %sub3A : i32
        %dma_wait3A_292 = arith.constant 0 : i32
        %dma_wait3A_293 = tpu.memref_slice %arg7[%sub3A_291, %dma_wait3A_292] : memref<80x125xi32, #tpu.memory_space<vmem>> -> memref<1x125xi32, #tpu.memory_space<vmem>>
        %dma_wait3A_294 = tpu.memref_squeeze %dma_wait3A_293 : memref<1x125xi32, #tpu.memory_space<vmem>> -> memref<125xi32, #tpu.memory_space<vmem>>
        %dma_wait3A_295 = arith.constant 0 : i32
        %dma_wait3A_296 = arith.constant 0 : i32
        %dma_wait3A_297 = tpu.memref_slice %arg16[%dma_wait3A_295, %dma_wait3A_296] : memref<10112x32xbf16, #tpu.memory_space<vmem_shared>> -> memref<10112x32xbf16, #tpu.memory_space<vmem_shared>>
        tpu.wait_indirect_dma semaphore(%arg28 : memref<!tpu.dma_semaphore, #tpu.memory_space<semaphore_mem>>) src(%arg11 : memref<125x32xbf16, #tpu.memory_space<vmem>>) dst(%dma_wait3A_297 : memref<10112x32xbf16, #tpu.memory_space<vmem_shared>>)
      } else {
      }
      %add3A_272 = arith.constant 4 : i32
      %add3A_273 = arith.addi %add3A_266, %add3A_272 : i32
      %lt3A_274 = arith.constant 80 : i32
      %lt3A_275 = arith.cmpi slt, %add3A_273, %lt3A_274 : i32
      %convert_element_type3A_276 = arith.extui %lt3A_275 : i1 to i32
      %cond3A_277 = arith.constant 0 : i32
      %cond3A_278 = arith.cmpi ne, %convert_element_type3A_276, %cond3A_277 : i32
      scf.if %cond3A_278 {
        %add3A_291 = arith.constant 4 : i32
        %add3A_292 = arith.addi %add3A_266, %add3A_291 : i32
        %dma_start3A_293 = arith.constant 0 : i32
        %dma_start3A_294 = tpu.memref_slice %arg6[%add3A_292, %dma_start3A_293] : memref<80x125xi32, #tpu.memory_space<vmem>> -> memref<1x125xi32, #tpu.memory_space<vmem>>
        %dma_start3A_295 = tpu.memref_squeeze %dma_start3A_294 : memref<1x125xi32, #tpu.memory_space<vmem>> -> memref<125xi32, #tpu.memory_space<vmem>>
        %dma_start3A_296 = arith.constant 0 : i32
        %dma_start3A_297 = arith.constant 0 : i32
        %dma_start3A_298 = tpu.memref_slice %arg2[%dma_start3A_296, %dma_start3A_297] : memref<10000x32xbf16, #tpu.memory_space<hbm>> -> memref<10000x32xbf16, #tpu.memory_space<hbm>>
        tpu.enqueue_indirect_dma source(%dma_start3A_298 : memref<10000x32xbf16, #tpu.memory_space<hbm>>) target(%arg11 : memref<125x32xbf16, #tpu.memory_space<vmem>>) offsets(%dma_start3A_295 : memref<125xi32, #tpu.memory_space<vmem>>) semaphore(%arg20 : memref<!tpu.dma_semaphore, #tpu.memory_space<semaphore_mem>>)
      } else {
      }
      %dma_wait3A_279 = arith.constant 0 : i32
      %dma_wait3A_280 = tpu.memref_slice %arg6[%add3A_266, %dma_wait3A_279] : memref<80x125xi32, #tpu.memory_space<vmem>> -> memref<1x125xi32, #tpu.memory_space<vmem>>
      %dma_wait3A_281 = tpu.memref_squeeze %dma_wait3A_280 : memref<1x125xi32, #tpu.memory_space<vmem>> -> memref<125xi32, #tpu.memory_space<vmem>>
      %dma_wait3A_282 = arith.constant 0 : i32
      %dma_wait3A_283 = arith.constant 0 : i32
      %dma_wait3A_284 = tpu.memref_slice %arg2[%dma_wait3A_282, %dma_wait3A_283] : memref<10000x32xbf16, #tpu.memory_space<hbm>> -> memref<10000x32xbf16, #tpu.memory_space<hbm>>
      tpu.wait_indirect_dma semaphore(%arg24 : memref<!tpu.dma_semaphore, #tpu.memory_space<semaphore_mem>>) src(%dma_wait3A_284 : memref<10000x32xbf16, #tpu.memory_space<hbm>>) dst(%arg15 : memref<125x32xbf16, #tpu.memory_space<vmem>>)
      %dma_start3A_285 = arith.constant 0 : i32
      %dma_start3A_286 = tpu.memref_slice %arg7[%add3A_266, %dma_start3A_285] : memref<80x125xi32, #tpu.memory_space<vmem>> -> memref<1x125xi32, #tpu.memory_space<vmem>>
      %dma_start3A_287 = tpu.memref_squeeze %dma_start3A_286 : memref<1x125xi32, #tpu.memory_space<vmem>> -> memref<125xi32, #tpu.memory_space<vmem>>
      %dma_start3A_288 = arith.constant 0 : i32
      %dma_start3A_289 = arith.constant 0 : i32
      %dma_start3A_290 = tpu.memref_slice %arg16[%dma_start3A_288, %dma_start3A_289] : memref<10112x32xbf16, #tpu.memory_space<vmem_shared>> -> memref<10112x32xbf16, #tpu.memory_space<vmem_shared>>
      tpu.enqueue_indirect_dma source(%arg15 : memref<125x32xbf16, #tpu.memory_space<vmem>>) target(%dma_start3A_290 : memref<10112x32xbf16, #tpu.memory_space<vmem_shared>>) offsets(%dma_start3A_287 : memref<125xi32, #tpu.memory_space<vmem>>) semaphore(%arg32 : memref<!tpu.dma_semaphore, #tpu.memory_space<semaphore_mem>>) {add = true}
    }
    %scan3A_37 = arith.constant 10 : i32
    %dma_wait3A = arith.constant 76 : i32
    %dma_wait3A_38 = arith.constant 0 : i32
    %dma_wait3A_39 = tpu.memref_slice %arg7[%dma_wait3A, %dma_wait3A_38] : memref<80x125xi32, #tpu.memory_space<vmem>> -> memref<1x125xi32, #tpu.memory_space<vmem>>
    %dma_wait3A_40 = tpu.memref_squeeze %dma_wait3A_39 : memref<1x125xi32, #tpu.memory_space<vmem>> -> memref<125xi32, #tpu.memory_space<vmem>>
    %dma_wait3A_41 = arith.constant 0 : i32
    %dma_wait3A_42 = arith.constant 0 : i32
    %dma_wait3A_43 = tpu.memref_slice %arg16[%dma_wait3A_41, %dma_wait3A_42] : memref<10112x32xbf16, #tpu.memory_space<vmem_shared>> -> memref<10112x32xbf16, #tpu.memory_space<vmem_shared>>
    tpu.wait_indirect_dma semaphore(%arg29 : memref<!tpu.dma_semaphore, #tpu.memory_space<semaphore_mem>>) src(%arg12 : memref<125x32xbf16, #tpu.memory_space<vmem>>) dst(%dma_wait3A_43 : memref<10112x32xbf16, #tpu.memory_space<vmem_shared>>)
    %dma_wait3A_44 = arith.constant 77 : i32
    %dma_wait3A_45 = arith.constant 0 : i32
    %dma_wait3A_46 = tpu.memref_slice %arg7[%dma_wait3A_44, %dma_wait3A_45] : memref<80x125xi32, #tpu.memory_space<vmem>> -> memref<1x125xi32, #tpu.memory_space<vmem>>
    %dma_wait3A_47 = tpu.memref_squeeze %dma_wait3A_46 : memref<1x125xi32, #tpu.memory_space<vmem>> -> memref<125xi32, #tpu.memory_space<vmem>>
    %dma_wait3A_48 = arith.constant 0 : i32
    %dma_wait3A_49 = arith.constant 0 : i32
    %dma_wait3A_50 = tpu.memref_slice %arg16[%dma_wait3A_48, %dma_wait3A_49] : memref<10112x32xbf16, #tpu.memory_space<vmem_shared>> -> memref<10112x32xbf16, #tpu.memory_space<vmem_shared>>
    tpu.wait_indirect_dma semaphore(%arg30 : memref<!tpu.dma_semaphore, #tpu.memory_space<semaphore_mem>>) src(%arg13 : memref<125x32xbf16, #tpu.memory_space<vmem>>) dst(%dma_wait3A_50 : memref<10112x32xbf16, #tpu.memory_space<vmem_shared>>)
    %dma_wait3A_51 = arith.constant 78 : i32
    %dma_wait3A_52 = arith.constant 0 : i32
    %dma_wait3A_53 = tpu.memref_slice %arg7[%dma_wait3A_51, %dma_wait3A_52] : memref<80x125xi32, #tpu.memory_space<vmem>> -> memref<1x125xi32, #tpu.memory_space<vmem>>
    %dma_wait3A_54 = tpu.memref_squeeze %dma_wait3A_53 : memref<1x125xi32, #tpu.memory_space<vmem>> -> memref<125xi32, #tpu.memory_space<vmem>>
    %dma_wait3A_55 = arith.constant 0 : i32
    %dma_wait3A_56 = arith.constant 0 : i32
    %dma_wait3A_57 = tpu.memref_slice %arg16[%dma_wait3A_55, %dma_wait3A_56] : memref<10112x32xbf16, #tpu.memory_space<vmem_shared>> -> memref<10112x32xbf16, #tpu.memory_space<vmem_shared>>
    tpu.wait_indirect_dma semaphore(%arg31 : memref<!tpu.dma_semaphore, #tpu.memory_space<semaphore_mem>>) src(%arg14 : memref<125x32xbf16, #tpu.memory_space<vmem>>) dst(%dma_wait3A_57 : memref<10112x32xbf16, #tpu.memory_space<vmem_shared>>)
    %dma_wait3A_58 = arith.constant 79 : i32
    %dma_wait3A_59 = arith.constant 0 : i32
    %dma_wait3A_60 = tpu.memref_slice %arg7[%dma_wait3A_58, %dma_wait3A_59] : memref<80x125xi32, #tpu.memory_space<vmem>> -> memref<1x125xi32, #tpu.memory_space<vmem>>
    %dma_wait3A_61 = tpu.memref_squeeze %dma_wait3A_60 : memref<1x125xi32, #tpu.memory_space<vmem>> -> memref<125xi32, #tpu.memory_space<vmem>>
    %dma_wait3A_62 = arith.constant 0 : i32
    %dma_wait3A_63 = arith.constant 0 : i32
    %dma_wait3A_64 = tpu.memref_slice %arg16[%dma_wait3A_62, %dma_wait3A_63] : memref<10112x32xbf16, #tpu.memory_space<vmem_shared>> -> memref<10112x32xbf16, #tpu.memory_space<vmem_shared>>
    tpu.wait_indirect_dma semaphore(%arg32 : memref<!tpu.dma_semaphore, #tpu.memory_space<semaphore_mem>>) src(%arg15 : memref<125x32xbf16, #tpu.memory_space<vmem>>) dst(%dma_wait3A_64 : memref<10112x32xbf16, #tpu.memory_space<vmem_shared>>)
    %barrier3A_65 = arith.constant 0 : index
    tpu.barrier barrier_id(%barrier3A_65)
    %mul3A_66 = arith.constant 632 : i32
    %mul3A_67 = arith.muli %arg1, %mul3A_66 : i32
    %mul3A_68 = arith.constant 632 : i32
    %mul3A_69 = arith.muli %arg1, %mul3A_68 : i32
    "tpu.region"() ({
      %run_scoped3A_70 = tpu.sem_alloc : memref<!tpu.dma_semaphore, #tpu.memory_space<semaphore_mem>>
      %dma_start3A_71 = arith.constant 0 : i32
      %dma_start3A_72 = tpu.memref_slice %arg5[%arg0, %mul3A_69, %dma_start3A_71] : memref<2x10112x32xbf16, #tpu.memory_space<hbm>> -> memref<1x632x32xbf16, #tpu.memory_space<hbm>>
      %dma_start3A_73 = tpu.memref_squeeze %dma_start3A_72 : memref<1x632x32xbf16, #tpu.memory_space<hbm>> -> memref<632x32xbf16, #tpu.memory_space<hbm>>
      %dma_start3A_74 = arith.constant 0 : i32
      %dma_start3A_75 = tpu.memref_slice %arg16[%mul3A_67, %dma_start3A_74] : memref<10112x32xbf16, #tpu.memory_space<vmem_shared>> -> memref<632x32xbf16, #tpu.memory_space<vmem_shared>>
      tpu.enqueue_dma source(%dma_start3A_75 : memref<632x32xbf16, #tpu.memory_space<vmem_shared>>) target(%dma_start3A_73 : memref<632x32xbf16, #tpu.memory_space<hbm>>) target_semaphore(%run_scoped3A_70 : memref<!tpu.dma_semaphore, #tpu.memory_space<semaphore_mem>>)
      %dma_wait3A_76 = arith.constant 0 : i32
      %dma_wait3A_77 = tpu.memref_slice %arg5[%arg0, %mul3A_69, %dma_wait3A_76] : memref<2x10112x32xbf16, #tpu.memory_space<hbm>> -> memref<1x632x32xbf16, #tpu.memory_space<hbm>>
      %dma_wait3A_78 = tpu.memref_squeeze %dma_wait3A_77 : memref<1x632x32xbf16, #tpu.memory_space<hbm>> -> memref<632x32xbf16, #tpu.memory_space<hbm>>
      %dma_wait3A_79 = arith.constant 0 : i32
      %dma_wait3A_80 = tpu.memref_slice %arg16[%mul3A_67, %dma_wait3A_79] : memref<10112x32xbf16, #tpu.memory_space<vmem_shared>> -> memref<632x32xbf16, #tpu.memory_space<vmem_shared>>
      tpu.wait_dma2 semaphore(%run_scoped3A_70 : memref<!tpu.dma_semaphore, #tpu.memory_space<semaphore_mem>>) src(%dma_wait3A_80 : memref<632x32xbf16, #tpu.memory_space<vmem_shared>>) dst(%dma_wait3A_78 : memref<632x32xbf16, #tpu.memory_space<hbm>>)
      tpu.yield
    }) : () -> ()
    return
  }
}

module attributes {stable_mosaic.version = 14 : i64} {
  func.func @body(%arg0: memref<10000x128xf32, #tpu.memory_space<vmem>>, %arg1: memref<128x32xf32, #tpu.memory_space<vmem>>, %arg2: memref<2x10112x8xf32, #tpu.memory_space<vmem>>, %arg3: memref<10000x32xbf16, #tpu.memory_space<vmem>>, %arg4: memref<10000x1xf32, #tpu.memory_space<vmem>>) attributes {dimension_semantics = [], scalar_prefetch = 0 : i64, scratch_operands = 0 : i64, tpu.core_type = #tpu.core_type<tc>} {
    %get3A = arith.constant 0 : index
    %get3A_0 = arith.constant 0 : index
    %get3A_1 = arith.constant 0 : index
    %get3A_2 = vector.load %arg2[%get3A, %get3A_0, %get3A_1] : memref<2x10112x8xf32, #tpu.memory_space<vmem>>, vector<1x10112x1xf32>
    %get3A_3 = vector.shape_cast %get3A_2 : vector<1x10112x1xf32> to vector<10112x1xf32>
    %get3A_4 = arith.constant 1 : index
    %get3A_5 = arith.constant 0 : index
    %get3A_6 = arith.constant 0 : index
    %get3A_7 = vector.load %arg2[%get3A_4, %get3A_5, %get3A_6] : memref<2x10112x8xf32, #tpu.memory_space<vmem>>, vector<1x10112x1xf32>
    %get3A_8 = vector.shape_cast %get3A_7 : vector<1x10112x1xf32> to vector<10112x1xf32>
    %add3A = arith.addf %get3A_3, %get3A_8 : vector<10112x1xf32>
    %add3A_9 = arith.constant 1.000000e+00 : f32
    %add3A_10 = vector.broadcast %add3A_9 : f32 to vector<10112x1xf32>
    %add3A_11 = arith.addf %add3A, %add3A_10 : vector<10112x1xf32>
    %rsqrt3A = math.rsqrt %add3A_11 : vector<10112x1xf32>
    %slice3A = vector.extract_strided_slice %rsqrt3A {offsets = [0, 0], sizes = [10000, 1], strides = [1, 1]} : vector<10112x1xf32> to vector<10000x1xf32>
    %get3A_12 = arith.constant 0 : index
    %get3A_13 = arith.constant 0 : index
    %get3A_14 = vector.load %arg0[%get3A_12, %get3A_13] : memref<10000x128xf32, #tpu.memory_space<vmem>>, vector<10000x128xf32>
    %get3A_15 = arith.constant 0 : index
    %get3A_16 = arith.constant 0 : index
    %get3A_17 = vector.load %arg1[%get3A_15, %get3A_16] : memref<128x32xf32, #tpu.memory_space<vmem>>, vector<128x32xf32>
    %dot_general3A = arith.constant dense<0.000000e+00> : vector<10000x32xf32>
    %dot_general3A_18 = tpu.matmul %get3A_14, %get3A_17, %dot_general3A {dimension_numbers = #tpu.dot_dimension_numbers<[1], [0], [0], [1], [0, 0, 1, 1], [], []>, transpose_lhs_hint = false} : vector<10000x128xf32>, vector<128x32xf32>, vector<10000x32xf32> -> vector<10000x32xf32>
    %mul3A = vector.broadcast %slice3A : vector<10000x1xf32> to vector<10000x32xf32>
    %mul3A_19 = arith.mulf %dot_general3A_18, %mul3A : vector<10000x32xf32>
    %convert_element_type3A = arith.truncf %mul3A_19 : vector<10000x32xf32> to vector<10000x32xbf16>
    %swap3A = arith.constant 0 : index
    %swap3A_20 = arith.constant 0 : index
    %swap3A_21 = vector.load %arg3[%swap3A, %swap3A_20] : memref<10000x32xbf16, #tpu.memory_space<vmem>>, vector<10000x32xbf16>
    tpu.vector_store %arg3[%swap3A, %swap3A_20], %convert_element_type3A {strides = array<i32>} : memref<10000x32xbf16, #tpu.memory_space<vmem>>, vector<10000x32xbf16>,
    %swap3A_22 = arith.constant 0 : index
    %swap3A_23 = arith.constant 0 : index
    %swap3A_24 = vector.load %arg4[%swap3A_22, %swap3A_23] : memref<10000x1xf32, #tpu.memory_space<vmem>>, vector<10000x1xf32>
    tpu.vector_store %arg4[%swap3A_22, %swap3A_23], %slice3A {strides = array<i32>} : memref<10000x1xf32, #tpu.memory_space<vmem>>, vector<10000x1xf32>,
    return
  }
}

module attributes {stable_mosaic.version = 14 : i64} {
  func.func @body(%arg0: memref<2x10112x32xbf16, #tpu.memory_space<vmem>>, %arg1: memref<10000x32xbf16, #tpu.memory_space<vmem>>, %arg2: memref<10000x1xf32, #tpu.memory_space<vmem>>, %arg3: memref<1x32xf32, #tpu.memory_space<vmem>>, %arg4: memref<32x64xf32, #tpu.memory_space<vmem>>, %arg5: memref<10000x64xbf16, #tpu.memory_space<vmem>>) attributes {dimension_semantics = [], scalar_prefetch = 0 : i64, scratch_operands = 0 : i64, tpu.core_type = #tpu.core_type<tc>} {
    %get3A = arith.constant 0 : index
    %get3A_0 = arith.constant 0 : index
    %get3A_1 = arith.constant 0 : index
    %get3A_2 = vector.load %arg0[%get3A, %get3A_0, %get3A_1] : memref<2x10112x32xbf16, #tpu.memory_space<vmem>>, vector<1x10000x32xbf16>
    %get3A_3 = vector.shape_cast %get3A_2 : vector<1x10000x32xbf16> to vector<10000x32xbf16>
    %convert_element_type3A = arith.extf %get3A_3 : vector<10000x32xbf16> to vector<10000x32xf32>
    %get3A_4 = arith.constant 1 : index
    %get3A_5 = arith.constant 0 : index
    %get3A_6 = arith.constant 0 : index
    %get3A_7 = vector.load %arg0[%get3A_4, %get3A_5, %get3A_6] : memref<2x10112x32xbf16, #tpu.memory_space<vmem>>, vector<1x10000x32xbf16>
    %get3A_8 = vector.shape_cast %get3A_7 : vector<1x10000x32xbf16> to vector<10000x32xbf16>
    %convert_element_type3A_9 = arith.extf %get3A_8 : vector<10000x32xbf16> to vector<10000x32xf32>
    %add3A = arith.addf %convert_element_type3A, %convert_element_type3A_9 : vector<10000x32xf32>
    %get3A_10 = arith.constant 0 : index
    %get3A_11 = arith.constant 0 : index
    %get3A_12 = vector.load %arg1[%get3A_10, %get3A_11] : memref<10000x32xbf16, #tpu.memory_space<vmem>>, vector<10000x32xbf16>
    %convert_element_type3A_13 = arith.extf %get3A_12 : vector<10000x32xbf16> to vector<10000x32xf32>
    %add3A_14 = arith.addf %add3A, %convert_element_type3A_13 : vector<10000x32xf32>
    %get3A_15 = arith.constant 0 : index
    %get3A_16 = arith.constant 0 : index
    %get3A_17 = vector.load %arg2[%get3A_15, %get3A_16] : memref<10000x1xf32, #tpu.memory_space<vmem>>, vector<10000x1xf32>
    %mul3A = vector.broadcast %get3A_17 : vector<10000x1xf32> to vector<10000x32xf32>
    %mul3A_18 = arith.mulf %add3A_14, %mul3A : vector<10000x32xf32>
    %get3A_19 = arith.constant 0 : index
    %get3A_20 = arith.constant 0 : index
    %get3A_21 = vector.load %arg3[%get3A_19, %get3A_20] : memref<1x32xf32, #tpu.memory_space<vmem>>, vector<1x32xf32>
    %add3A_22 = vector.broadcast %get3A_21 : vector<1x32xf32> to vector<10000x32xf32>
    %add3A_23 = arith.addf %mul3A_18, %add3A_22 : vector<10000x32xf32>
    %max3A = arith.constant 0.000000e+00 : f32
    %max3A_24 = vector.broadcast %max3A : f32 to vector<10000x32xf32>
    %max3A_25 = arith.maximumf %add3A_23, %max3A_24 : vector<10000x32xf32>
    %get3A_26 = arith.constant 0 : index
    %get3A_27 = arith.constant 0 : index
    %get3A_28 = vector.load %arg4[%get3A_26, %get3A_27] : memref<32x64xf32, #tpu.memory_space<vmem>>, vector<32x64xf32>
    %dot_general3A = arith.constant dense<0.000000e+00> : vector<10000x64xf32>
    %dot_general3A_29 = tpu.matmul %max3A_25, %get3A_28, %dot_general3A {dimension_numbers = #tpu.dot_dimension_numbers<[1], [0], [0], [1], [0, 0, 1, 1], [], []>, transpose_lhs_hint = false} : vector<10000x32xf32>, vector<32x64xf32>, vector<10000x64xf32> -> vector<10000x64xf32>
    %get3A_30 = arith.constant 0 : index
    %get3A_31 = arith.constant 0 : index
    %get3A_32 = vector.load %arg2[%get3A_30, %get3A_31] : memref<10000x1xf32, #tpu.memory_space<vmem>>, vector<10000x1xf32>
    %mul3A_33 = vector.broadcast %get3A_32 : vector<10000x1xf32> to vector<10000x64xf32>
    %mul3A_34 = arith.mulf %dot_general3A_29, %mul3A_33 : vector<10000x64xf32>
    %convert_element_type3A_35 = arith.truncf %mul3A_34 : vector<10000x64xf32> to vector<10000x64xbf16>
    %swap3A = arith.constant 0 : index
    %swap3A_36 = arith.constant 0 : index
    %swap3A_37 = vector.load %arg5[%swap3A, %swap3A_36] : memref<10000x64xbf16, #tpu.memory_space<vmem>>, vector<10000x64xbf16>
    tpu.vector_store %arg5[%swap3A, %swap3A_36], %convert_element_type3A_35 {strides = array<i32>} : memref<10000x64xbf16, #tpu.memory_space<vmem>>, vector<10000x64xbf16>,
    return
  }
}

module attributes {stable_mosaic.version = 14 : i64} {
  func.func @body(%arg0: memref<2x10112x64xbf16, #tpu.memory_space<vmem>>, %arg1: memref<10000x64xbf16, #tpu.memory_space<vmem>>, %arg2: memref<10000x1xf32, #tpu.memory_space<vmem>>, %arg3: memref<1x64xf32, #tpu.memory_space<vmem>>, %arg4: memref<64x128xf32, #tpu.memory_space<vmem>>, %arg5: memref<1x128xf32, #tpu.memory_space<vmem>>, %arg6: memref<128x1xf32, #tpu.memory_space<vmem>>, %arg7: memref<1x1xf32, #tpu.memory_space<vmem>>, %arg8: memref<1x1xf32, #tpu.memory_space<vmem>>) attributes {dimension_semantics = [], scalar_prefetch = 0 : i64, scratch_operands = 0 : i64, tpu.core_type = #tpu.core_type<tc>} {
    %get3A = arith.constant 0 : index
    %get3A_0 = arith.constant 0 : index
    %get3A_1 = arith.constant 0 : index
    %get3A_2 = vector.load %arg0[%get3A, %get3A_0, %get3A_1] : memref<2x10112x64xbf16, #tpu.memory_space<vmem>>, vector<1x10000x64xbf16>
    %get3A_3 = vector.shape_cast %get3A_2 : vector<1x10000x64xbf16> to vector<10000x64xbf16>
    %convert_element_type3A = arith.extf %get3A_3 : vector<10000x64xbf16> to vector<10000x64xf32>
    %get3A_4 = arith.constant 1 : index
    %get3A_5 = arith.constant 0 : index
    %get3A_6 = arith.constant 0 : index
    %get3A_7 = vector.load %arg0[%get3A_4, %get3A_5, %get3A_6] : memref<2x10112x64xbf16, #tpu.memory_space<vmem>>, vector<1x10000x64xbf16>
    %get3A_8 = vector.shape_cast %get3A_7 : vector<1x10000x64xbf16> to vector<10000x64xbf16>
    %convert_element_type3A_9 = arith.extf %get3A_8 : vector<10000x64xbf16> to vector<10000x64xf32>
    %add3A = arith.addf %convert_element_type3A, %convert_element_type3A_9 : vector<10000x64xf32>
    %get3A_10 = arith.constant 0 : index
    %get3A_11 = arith.constant 0 : index
    %get3A_12 = vector.load %arg1[%get3A_10, %get3A_11] : memref<10000x64xbf16, #tpu.memory_space<vmem>>, vector<10000x64xbf16>
    %convert_element_type3A_13 = arith.extf %get3A_12 : vector<10000x64xbf16> to vector<10000x64xf32>
    %add3A_14 = arith.addf %add3A, %convert_element_type3A_13 : vector<10000x64xf32>
    %get3A_15 = arith.constant 0 : index
    %get3A_16 = arith.constant 0 : index
    %get3A_17 = vector.load %arg2[%get3A_15, %get3A_16] : memref<10000x1xf32, #tpu.memory_space<vmem>>, vector<10000x1xf32>
    %mul3A = vector.broadcast %get3A_17 : vector<10000x1xf32> to vector<10000x64xf32>
    %mul3A_18 = arith.mulf %add3A_14, %mul3A : vector<10000x64xf32>
    %get3A_19 = arith.constant 0 : index
    %get3A_20 = arith.constant 0 : index
    %get3A_21 = vector.load %arg3[%get3A_19, %get3A_20] : memref<1x64xf32, #tpu.memory_space<vmem>>, vector<1x64xf32>
    %add3A_22 = vector.broadcast %get3A_21 : vector<1x64xf32> to vector<10000x64xf32>
    %add3A_23 = arith.addf %mul3A_18, %add3A_22 : vector<10000x64xf32>
    %max3A = arith.constant 0.000000e+00 : f32
    %max3A_24 = vector.broadcast %max3A : f32 to vector<10000x64xf32>
    %max3A_25 = arith.maximumf %add3A_23, %max3A_24 : vector<10000x64xf32>
    %reduce_sum3A = arith.constant dense<0.000000e+00> : vector<64xf32>
    %reduce_sum3A_26 = vector.multi_reduction <add>, %max3A_25, %reduce_sum3A [0] : vector<10000x64xf32> to vector<64xf32>
    %broadcast_in_dim3A = vector.shape_cast %reduce_sum3A_26 : vector<64xf32> to vector<1x64xf32>
    %mul3A_27 = arith.constant 9.99999974E-5 : f32
    %mul3A_28 = vector.broadcast %mul3A_27 : f32 to vector<1x64xf32>
    %mul3A_29 = arith.mulf %broadcast_in_dim3A, %mul3A_28 : vector<1x64xf32>
    %get3A_30 = arith.constant 0 : index
    %get3A_31 = arith.constant 0 : index
    %get3A_32 = vector.load %arg4[%get3A_30, %get3A_31] : memref<64x128xf32, #tpu.memory_space<vmem>>, vector<64x128xf32>
    %dot_general3A = arith.constant dense<0.000000e+00> : vector<1x128xf32>
    %dot_general3A_33 = tpu.matmul %mul3A_29, %get3A_32, %dot_general3A {dimension_numbers = #tpu.dot_dimension_numbers<[1], [0], [0], [1], [0, 0, 1, 1], [], []>, transpose_lhs_hint = false} : vector<1x64xf32>, vector<64x128xf32>, vector<1x128xf32> -> vector<1x128xf32>
    %get3A_34 = arith.constant 0 : index
    %get3A_35 = arith.constant 0 : index
    %get3A_36 = vector.load %arg5[%get3A_34, %get3A_35] : memref<1x128xf32, #tpu.memory_space<vmem>>, vector<1x128xf32>
    %add3A_37 = arith.addf %dot_general3A_33, %get3A_36 : vector<1x128xf32>
    %max3A_38 = arith.constant 0.000000e+00 : f32
    %max3A_39 = vector.broadcast %max3A_38 : f32 to vector<1x128xf32>
    %max3A_40 = arith.maximumf %add3A_37, %max3A_39 : vector<1x128xf32>
    %get3A_41 = arith.constant 0 : index
    %get3A_42 = arith.constant 0 : index
    %get3A_43 = vector.load %arg6[%get3A_41, %get3A_42] : memref<128x1xf32, #tpu.memory_space<vmem>>, vector<128x1xf32>
    %dot_general3A_44 = arith.constant dense<0.000000e+00> : vector<1x1xf32>
    %dot_general3A_45 = tpu.matmul %max3A_40, %get3A_43, %dot_general3A_44 {dimension_numbers = #tpu.dot_dimension_numbers<[1], [0], [0], [1], [0, 0, 1, 1], [], []>, transpose_lhs_hint = false} : vector<1x128xf32>, vector<128x1xf32>, vector<1x1xf32> -> vector<1x1xf32>
    %get3A_46 = arith.constant 0 : index
    %get3A_47 = arith.constant 0 : index
    %get3A_48 = vector.load %arg7[%get3A_46, %get3A_47] : memref<1x1xf32, #tpu.memory_space<vmem>>, vector<1x1xf32>
    %add3A_49 = arith.addf %dot_general3A_45, %get3A_48 : vector<1x1xf32>
    %neg3A = arith.constant 0.000000e+00 : f32
    %neg3A_50 = vector.broadcast %neg3A : f32 to vector<1x1xf32>
    %neg3A_51 = arith.subf %neg3A_50, %add3A_49 : vector<1x1xf32>
    %exp3A = math.exp %neg3A_51 : vector<1x1xf32>
    %add3A_52 = arith.constant 1.000000e+00 : f32
    %add3A_53 = vector.broadcast %add3A_52 : f32 to vector<1x1xf32>
    %add3A_54 = arith.addf %add3A_53, %exp3A : vector<1x1xf32>
    %div3A = arith.constant 1.000000e+00 : f32
    %div3A_55 = vector.broadcast %div3A : f32 to vector<1x1xf32>
    %div3A_56 = arith.divf %div3A_55, %add3A_54 : vector<1x1xf32>
    %swap3A = arith.constant 0 : index
    %swap3A_57 = arith.constant 0 : index
    %swap3A_58 = vector.load %arg8[%swap3A, %swap3A_57] : memref<1x1xf32, #tpu.memory_space<vmem>>, vector<1x1xf32>
    tpu.vector_store %arg8[%swap3A, %swap3A_57], %div3A_56 {strides = array<i32>} : memref<1x1xf32, #tpu.memory_space<vmem>>, vector<1x1xf32>,
    return
  }
}

</mosaic_0001>

<sc_bundles>
// kernel: kernel.11.cloned.1.call-start
scs
__scs_entry_jumppad:
0x0: {  	(pc) =	sbr.rel $0x88, $3  }
0x1: {  	(tag) =	ssettag $0x0;
	lr =	simm.s32 $0x1  }
0x2: {  	[smem:$0x3F97] =	sst lr;
	_ =	strace $0xD0000000  }
0x3: {  	_ = 	snop  }
0x4: {  	_ = 	snop  }
0x5: {  	_ = 	snop  }
0x6: {  	_ = 	snop  }
0x7: {  	_ = 	snop  }
__scs_overlays_trampoline_lowered:
0x8: {  	[smem:$0x3FA6] =	sst s0  }
0x9: {  	[smem:$0x3FA7] =	sst s1  }
0xa: {  	[smem:$0x3FA8] =	sst s2  }
0xb: {  	[smem:$0x3FA9] =	sst s3  }
0xc: {  	[smem:$0x3FAA] =	sst s4  }
0xd: {  	[smem:$0x3FAB] =	sst s5  }
0xe: {  	[smem:$0x3FAC] =	sst s6  }
0xf: {  	[smem:$0x3FAD] =	sst s7  }
0x10: {  	[smem:$0x3FAE] =	sst s8  }
0x11: {  	[smem:$0x3FAF] =	sst s9;
	s0 =	simm.s32 @!p0 $0x0  }
0x12: {  	s1 =	sld [smem:$0x3F95];
	s0 =	simm.s32 @p0 $0x1  }
0x13: {  	[smem:$0x3FB0] =	sst s0;
	s0 =	simm.s32 @!p1 $0x0  }
0x14: {  	s2 =	sld [smem:$0x3F94];
	s0 =	simm.s32 @p1 $0x1  }
0x15: {  	[smem:$0x3FB1] =	sst s0;
	s0 =	simm.s32 @!p2 $0x0  }
0x16: {  	s3 =	sld [smem:$0x3FDB];
	s0 =	simm.s32 @p2 $0x1  }
0x17: {  	s4 =	simm.s32 $0x1BF5;
	[smem:$0x3FB3] =	sst s0  }
0x18: {  	s0 =	sld [smem:$0x3F96];
	_ =	swait.ge [sflag:s4], $0x0  }
0x19: {  	s7 =	sld [smem:$0x3F97]  }
0x1a: {  	s8 =	sadd.s32 $0xFFFFE003, lr  }
0x1b: {  	s9 =	sadd.s32 $0xFFFFFEF7, lr;
	s5 =	simm.s32 $0xFFFFFFFF;
	p2 =	slt.u32 s8, $0xFFFFF086  }
0x1c: {  	p1 =	slt.u32 s9, $0xF7A;
	s5 =	simm.s32 @!p2 $0x0  }
0x1d: {  	s5 =	simm.s32 @p1 $0x1;
	p0 =	seq.s32 s7, s2  }
0x1e: {  	s7 =	smul.u32 @!p0 $0xF7A, s2;
	p2 =	seq.s32 @!p0 s5, $0x0  }
0x1f: {  	s9 =	smul.u32 $0xF7A, s1;
	s8 =	simm.s32 @!p0 $0x1BF5;
	p2 =	por !p2, p0  }
0x20: {  	[sflag:s8] =	ssyncset.s32 @!p0 $0xFFFFF086;
	s6 =	sadd.s32 @!p0 s3, s7;
	s7 =	simm.s32 @!p0 $0x108  }
0x21: {  	s3 =	sadd.s32 s3, s9;
	s6 =	sadd.s32 @!p0 $0x88, s6;
	s7 =	simm.s32 @p2 $0x1082  }
0x22: {  	[simem:s7], [sflag:s8] =	dma.local @!p0 [hbm:s6], $0xF7A  }
0x23: {  	s9 =	sor.u32 $0xD0000000, s2;
	s6 =	simm.s32 $0x108;
	_ =	swait.ge @!p0 [sflag:s8], $0x0  }
0x24: {  	s3 =	sadd.s32 $0x88, s3;
	s6 =	simm.s32 @!p1 $0x1082;
	[sflag:s4] =	ssyncset.s32 $0xFFFFF086  }
0x25: {  	[simem:s6], [sflag:s4] =	dma.local [hbm:s3], $0xF7A  }
0x26: {  	[smem:$0x3F97] =	sst s1;
	(tag) =	ssettag s2;
	_ =	strace s9  }
0x27: {  	s1 =	sld [smem:$0x3FA7]  }
0x28: {  	s2 =	sld [smem:$0x3FA8]  }
0x29: {  	s4 =	sld [smem:$0x3FAA]  }
0x2a: {  	p0 =	seq.s32 s5, $0x0;
	s5 =	sld [smem:$0x3FAB]  }
0x2b: {  	s6 =	sld [smem:$0x3FAC]  }
0x2c: {  	s7 =	sld [smem:$0x3FAD]  }
0x2d: {  	s3 =	simm.s32 $0x108;
	s8 =	sld [smem:$0x3FAE]  }
0x2e: {  	s3 =	simm.s32 @!p0 $0x1082;
	s9 =	sld [smem:$0x3FAF]  }
0x2f: {  	lr =	sadd.s32 s0, s3;
	s0 =	sld [smem:$0x3FA6]  }
0x30: {  	s3 =	sld [smem:$0x3FA9]  }
0x31: {  	[smem:$0x3FB2] =	sst s10  }
0x32: {  	s10 =	sld [smem:$0x3FB0];
	_ =	sdelay $0x3  }
0x33: {  	p0 =	seq.s32 s10, $0x1;
	s10 =	sld [smem:$0x3FB2];
	_ =	sdelay $0x3  }
0x34: {  	[smem:$0x3FB2] =	sst s10  }
0x35: {  	s10 =	sld [smem:$0x3FB1];
	_ =	sdelay $0x3  }
0x36: {  	p1 =	seq.s32 s10, $0x1;
	s10 =	sld [smem:$0x3FB2];
	_ =	sdelay $0x3  }
0x37: {  	[smem:$0x3FB2] =	sst s10  }
0x38: {  	s10 =	sld [smem:$0x3FB3]  }
0x39: {  	_ = 	snop;
	(pc) =	sbr.ind lr, $3  }
0x3a: {  	_ = 	snop  }
0x3b: {  	_ = 	snop  }
0x3c: {  	p2 =	seq.s32 s10, $0x1;
	s10 =	sld [smem:$0x3FB2]  }
0x3d: {  	_ =	shalt  }
0x3e: {  	_ =	shalt  }
0x3f: {  	_ =	shalt  }
0x40: {  	_ =	shalt  }
0x41: {  	_ =	shalt  }
0x42: {  	_ =	shalt  }
0x43: {  	_ =	shalt  }
0x44: {  	_ =	shalt  }
0x45: {  	_ =	shalt  }
0x46: {  	_ =	shalt  }
0x47: {  	_ =	shalt  }
0x48: {  	_ =	shalt  }
0x49: {  	_ =	shalt  }
0x4a: {  	_ =	shalt  }
0x4b: {  	_ =	shalt  }
0x4c: {  	_ =	shalt  }
0x4d: {  	_ =	shalt  }
0x4e: {  	_ =	shalt  }
0x4f: {  	_ =	shalt  }
0x50: {  	_ =	shalt  }
0x51: {  	_ =	shalt  }
0x52: {  	_ =	shalt  }
0x53: {  	_ =	shalt  }
0x54: {  	_ =	shalt  }
0x55: {  	_ =	shalt  }
0x56: {  	_ =	shalt  }
0x57: {  	_ =	shalt  }
0x58: {  	_ =	shalt  }
0x59: {  	_ =	shalt  }
0x5a: {  	_ =	shalt  }
0x5b: {  	_ =	shalt  }
0x5c: {  	_ =	shalt  }
0x5d: {  	_ =	shalt  }
0x5e: {  	_ =	shalt  }
0x5f: {  	_ =	shalt  }
0x60: {  	_ =	shalt  }
0x61: {  	_ =	shalt  }
0x62: {  	_ =	shalt  }
0x63: {  	_ =	shalt  }
0x64: {  	_ =	shalt  }
0x65: {  	_ =	shalt  }
0x66: {  	_ =	shalt  }
0x67: {  	_ =	shalt  }
0x68: {  	_ =	shalt  }
0x69: {  	_ =	shalt  }
0x6a: {  	_ =	shalt  }
0x6b: {  	_ =	shalt  }
0x6c: {  	_ =	shalt  }
0x6d: {  	_ =	shalt  }
0x6e: {  	_ =	shalt  }
0x6f: {  	_ =	shalt  }
0x70: {  	_ =	shalt  }
0x71: {  	_ =	shalt  }
0x72: {  	_ =	shalt  }
0x73: {  	_ =	shalt  }
0x74: {  	_ =	shalt  }
0x75: {  	_ =	shalt  }
0x76: {  	_ =	shalt  }
0x77: {  	_ =	shalt  }
0x78: {  	_ =	shalt  }
0x79: {  	_ =	shalt  }
0x7a: {  	_ =	shalt  }
0x7b: {  	_ =	shalt  }
0x7c: {  	_ =	shalt  }
0x7d: {  	_ =	shalt  }
0x7e: {  	_ =	shalt  }
0x7f: {  	_ =	shalt  }
0x80: {  	_ =	shalt  }
0x81: {  	_ =	shalt  }
0x82: {  	_ =	shalt  }
0x83: {  	_ =	shalt  }
0x84: {  	_ =	shalt  }
0x85: {  	_ =	shalt  }
0x86: {  	_ =	shalt  }
0x87: {  	_ =	shalt  }
.Lfunc_end0:
.L_simem_size_0:
called_computation.1_lowered:
.L_overlay_start_0:
0x88: {  	s2 =	sld [smem:$0x3FD9]  }
0x89: {  	s3 =	sld [smem:$0x3FFE];
	_ =	sdelay $0x1  }
0x8a: {  	s1 =	srdreg.scid  }
0x8b: {  	s0 =	sand.u32 $0x1, s1  }
0x8c: {  	s16 =	sshll.u32 s0, $0xA;
	s2 =	sadd.s32 s3, s2  }
0x8d: {  	s2 =	sadd.s32 s2, s16  }
0x8e: {  	[smem:$0x3FBE] =	sst s2  }
0x8f: {  	_ = 	snop  }
0x90: {  	(tm) =	ssettm $0x1  }
0x91: {  	s17 =	sld [smem:$0x3FFB];
	_ =	sdelay $0x3  }
0x92: {  	_ =	strace s17  }
0x93: {  	s2 =	sld [smem:$0x3FFC];
	_ =	sdelay $0x3  }
0x94: {  	_ =	strace s2  }
0x95: {  	s2 =	sld [smem:$0x3FFD];
	_ =	sdelay $0x3  }
0x96: {  	_ =	strace s2  }
0x97: {  	_ =	strace $0x8FFFFFFF  }
0x98: {  	s18 =	sld [smem:$0x3FDB];
	_ =	sdelay $0x1  }
0x99: {  	s19 =	simm.s32 $_scs_section_size  }
0x9a: {  	s4 =	simm.s32 $_size__tile_overlayer_lowered;
	s5 =	simm.s32 $_tile_overlayer_lowered  }
0x9b: {  	s22 =	simm.s32 $0x1BFF;
	s21 =	sshll.u32 s5, $0x1;
	s2 =	sadd.s32 s19, s18  }
0x9c: {  	s6 =	simm.s32 $0x0;
	s20 =	sshll.u32 s4, $0x1;
	s4 =	sadd.s32 s21, s2  }
0x9d: {  	[timem:s6], [sflag:s22] =	dma.local [hbm:s4], s20  }
0x9e: {  	_ =	swait.ge [sflag:s22], s20  }
0x9f: {  	s3 =	ssub.s32 $0x0, s20;
	[sflag:s22] =	ssyncset.done $0x0  }
0xa0: {  	[sflag:s22] =	ssyncadd.s32 s3;
	_ =	sdelay $0x1  }
0xa1: {  	s23 =	simm.s32 $0x1B8B  }
0xa2: {  	_ =	swait.ge [sflag:s23], $0x1  }
0xa3: {  	[sflag:s23] =	ssyncset.done $0x0  }
0xa4: {  	s25 =	simm.s32 $0x1B8E;
	s24 =	sld [smem:$0x3FFE];
	[sflag:s23] =	ssyncadd.s32 $0xFFFFFFFF  }
0xa5: {  	s26 =	simm.s32 $execute0_lowered;
	[smem:$0x3FD2] =	sst s25  }
0xa6: {  	s4 =	sshll.u32 s26, $0x1;
	_ =	strace $0x80000049;
	[dreg:$0x1] =	wrdreg $0xFFFFFFFF  }
0xa7: {  	s28 =	simm.s32 $_size_execute0_lowered;
	s2 =	sadd.s32 s2, s4;
	[dreg:$0x0] =	wrdreg $0x0  }
0xa8: {  	s4 =	sshll.u32 s28, $0x1;
	[dreg:$0x2] =	wrdreg s2  }
0xa9: {  	[dreg:$0x3] =	wrdreg s4  }
0xaa: {  	[dreg:$0x4] =	wrdreg $0xC0  }
0xab: {  	_ =	task [dreg:s6], $0x5FFFF  }
0xac: {  	[dreg:$0x1] =	wrdreg $0xFFFFFFFF  }
0xad: {  	[dreg:$0x0] =	wrdreg $0x60  }
0xae: {  	[dreg:$0x2] =	wrdreg s24  }
0xaf: {  	[dreg:$0x3] =	wrdreg $0x8E800  }
0xb0: {  	[dreg:$0x4] =	wrdreg $0x9  }
0xb1: {  	_ =	task.clear_ibuf [dreg:s6], $0x5FFFF;
	_ =	strace $0x90000049  }
0xb2: {  	s29 =	simm.s32 $0x9;
	_ =	strace $0x8000004B  }
0xb3: {  	_ =	swait.ge [sflag:s29], $0x1  }
0xb4: {  	[sflag:s29] =	ssyncadd.s32 $0xFFFFFFFF  }
0xb5: {  	_ =	strace $0x9000004B  }
0xb6: {  	_ =	sfence  }
0xb7: {  	s30 =	sld [smem:$0x0];
	_ =	sdelay $0x2  }
0xb8: {  	s31 =	sshll.u32 s1, $0xD;
	s1 =	sshrl.u32 s1, $0x2  }
0xb9: {  	s3 =	sand.u32 $0x4000, s31;
	s1 =	sadd.s32 s1, s30  }
0xba: {  	s0 =	sor.u32 s3, s0;
	s1 =	sshll.u32 s1, $0x11  }
0xbb: {  	s0 =	sor.u32 s1, s0  }
0xbc: {  	s0 =	sadd.s32 $0x8F2B, s0  }
0xbd: {  	[sflag:s0] =	ssyncadd.remote.s32 $0x1  }
0xbe: {  	_ =	sfence.sel $0xFFFF  }
0xbf: {  	[dreg:$0x0] =	wrdreg $0xFFFFFFFF;
	(pc) =	sbr.abs _section_cstart, $3  }
0xc0: {  	[dreg:$0x1] =	wrdreg $0xFFFFFFFF  }
0xc1: {  	_ =	task.clear_ibuf [dreg:s6], $0x2FFFF;
	_ =	strace $0x9FFFFFFF  }
0xc2: {  	(tm) =	ssettm $0x7FFFFFFF  }
0xc3: {  	_ =	shalt  }
tec
execute0_lowered:
.L_overlay_start_1:
0x0: {  	(tag) =	ssettag $0x1  }
0x1: {  	s0 =	srdreg.scid;
	s3 =	rddreg [dreg:$0x0]  }
0x2: {  	s8 =	stileid.u32;
	s2 =	rddreg [dreg:$0x1];
	s4 =	simm.s32 $0x0  }
0x3: {  	s14 =	simm.s32 $0x7D;
	s15 =	simm.s32 $0x5000;
	s17 =	simm.s32 $0x57D0  }
0x4: {  	s19 =	simm.s32 $0x5FA0;
	s25 =	simm.s32 $0x6F40;
	s26 =	simm.s32 $0x7EE0  }
0x5: {  	s28 =	simm.s32 $0x4;
	s29 =	simm.s32 $0x9;
	s30 =	simm.s32 $0x6  }
0x6: {  	s31 =	simm.s32 $0xB;
	s20 =	simm.s32 $0x0;
	s0 =	sand.u32 $0x1, s0  }
0x7: {  	s5 =	smul.u32 $0x4F00, s8;
	[smem:$0x7FF] =	sst s4;
	s4 =	sadd.s32 $0x16400, s3  }
0x8: {  	s22 =	sshll.u32 s8, $0x6;
	s1 =	sshll.u32 s0, $0x4;
	s6 =	smul.u32 $0x4F000, s0  }
0x9: {  	_ =	strace $0x8000004A;
	s0 =	ssub.s32 $0x2, s0;
	[dreg:$0x3] =	wrdreg s25  }
0xa: {  	[dreg:$0x4] =	wrdreg s26;
	s25 =	simm.s32 $0x3;
	s26 =	simm.s32 $0x86B0  }
0xb: {  	s1 =	sor.u32 s8, s1;
	s7 =	sshrl.u32 s5, $0x4;
	s21 =	sshrl.u32 s0, $0x1  }
0xc: {  	s1 =	smul.u32 $0x2800, s1;
	s6 =	sadd.s32 s5, s6;
	s7 =	sadd.s32 s7, s3  }
0xd: {  	s5 =	sshrl.u32 s5, $0x1;
	s0 =	ssub.s32 s0, s21;
	s7 =	sadd.s32 $0x1DE00, s7  }
0xe: {  	s21 =	simm.s32 $0x6770;
	s0 =	smax.u32 s0, $0x1;
	[dreg:$0x5] =	wrdreg s7  }
0xf: {  	s6 =	sshrl.u32 s6, $0x4;
	s1 =	sshrl.u32 s1, $0x3;
	[dreg:$0xa] =	wrdreg s0  }
0x10: {  	s1 =	sadd.s32 s1, s3;
	s3 =	sadd.s32 s6, s3;
	s6 =	sor.u32 $0x1C11, s22  }
0x11: {  	s5 =	sadd.s32 s5, s2;
	s23 =	sadd.s32 $0x2400, s1;
	[dreg:$0x6] =	wrdreg s6  }
0x12: {  	s22 =	simm.s32 $0x1;
	s1 =	sadd.s32 $0xC400, s1;
	[dreg:$0x7] =	wrdreg s23  }
0x13: {  	s24 =	sadd.s32 $0x22E00, s3;
	s3 =	sshrl.u32 s5, $0x3;
	[dreg:$0x8] =	wrdreg s1  }
0x14: {  	s5 =	simm.s32 $0x11;
	[dreg:$0x9] =	wrdreg s24;
	s23 =	simm.s32 $0x7710  }
0x15: {  	s24 =	simm.s32 $0x2;
	s1 =	simm.s32 $0x8;
	[dreg:$0xb] =	wrdreg s3  }
.LBB2_1:
0x16: {  	s0 =	rddreg [dreg:$0x5]  }
0x17: {  	[spmem:s3], [sflag:s6] =	dma.local [hbm:s0], $0x4F0  }
0x18: {  	_ =	swait.ge [sflag:s5], $0x4F0  }
0x19: {  	[sflag:s5] =	ssyncset.done $0x0  }
0x1a: {  	s10 =	simm.s32 $0x0;
	s11 =	rddreg [dreg:$0x7];
	[sflag:s5] =	ssyncadd.s32 $0xFFFFFB10  }
0x1b: {  	[tilespmem:s10], [sflag:$0x11] =	stream.linear.gather [hbm4b:s11+s10], $0x2800, $0x38;
	[tilespmem:$0xB600] =	vst v63  }
0x1c: {  	_ =	swait.ge [sflag:s5], $0x2800  }
0x1d: {  	[sflag:s5] =	ssyncset.done $0x0  }
0x1e: {  	s13 =	simm.s32 $0x2800;
	s12 =	rddreg [dreg:$0x8];
	[sflag:s5] =	ssyncadd.s32 $0xFFFFD800  }
0x1f: {  	[tilespmem:s13], [sflag:$0x11] =	stream.linear.gather [hbm4b:s12+s10], $0x2800, $0x38;
	[tilespmem:$0xB600] =	vst v63  }
0x20: {  	_ =	swait.ge [sflag:s5], $0x2800  }
0x21: {  	[sflag:s5] =	ssyncset.done $0x0  }
0x22: {  	[sflag:s5] =	ssyncadd.s32 $0xFFFFD800  }
0x23: {  	[bflag:$0x0] =	sbarrier.arrive $0xFFFF  }
0x24: {  	[tilespmem:s15], [sflag:$0x1] =	stream.indirect.gather [hbm4b:s4+s14], $0x10, s10, s14, $0xb8;
	[tilespmem:$0xB600] =	vst v63  }
0x25: {  	s16 =	simm.s32 $0x80  }
0x26: {  	[tilespmem:s17], [sflag:$0x2] =	stream.indirect.gather [hbm4b:s4+s14], $0x10, s16, s14, $0xb8;
	[tilespmem:$0xB600] =	vst v63  }
0x27: {  	s18 =	simm.s32 $0x100;
	p0 =	por $0x1, $0x1  }
0x28: {  	[tilespmem:s19], [sflag:$0x3] =	stream.indirect.gather [hbm4b:s4+s14], $0x10, s18, s14, $0xb8;
	[tilespmem:$0xB600] =	vst v63  }
0x29: {  	s3 =	simm.s32 $0x180;
	s0 =	simm.s32 @!p0 $0xD  }
0x2a: {  	[tilespmem:s21], [sflag:$0x4] =	stream.indirect.gather [hbm4b:s4+s14], $0x10, s3, s14, $0xb8;
	[tilespmem:$0xB600] =	vst v63  }
0x2b: {  	_ =	swait.ge @!p0 [sflag:s0], $0x7D0  }
0x2c: {  	[sflag:s0] =	ssyncset.done @!p0 $0x0  }
0x2d: {  	s6 =	simm.s32 $0x200;
	s5 =	rddreg [dreg:$0x3];
	[sflag:s0] =	ssyncadd.s32 @!p0 $0xFFFFF830  }
0x2e: {  	[tilespmem:s5], [sflag:$0x5] =	stream.indirect.gather [hbm4b:s4+s14], $0x10, s6, s14, $0xb8;
	[tilespmem:$0xB600] =	vst v63  }
0x2f: {  	_ =	swait.ge [sflag:s22], $0x7D0  }
0x30: {  	[sflag:s22] =	ssyncset.done $0x0  }
0x31: {  	s7 =	simm.s32 $0x2800;
	s3 =	simm.s32 @!p0 $0xE;
	[sflag:s22] =	ssyncadd.s32 $0xFFFFF830  }
0x32: {  	[spmem:s2] =	stream.indirect.scatter.add.bf16 [tilespmem:s15], [sflag:$0x9], $0x10, s7, s14, $0xb8;
	[tilespmem:$0xB600] =	vst v63  }
0x33: {  	_ =	swait.ge @!p0 [sflag:s3], $0x7D0  }
0x34: {  	[sflag:s3] =	ssyncset.done @!p0 $0x0  }
0x35: {  	s8 =	simm.s32 $0x280;
	[sflag:s3] =	ssyncadd.s32 @!p0 $0xFFFFF830  }
0x36: {  	[tilespmem:s23], [sflag:$0x6] =	stream.indirect.gather [hbm4b:s4+s14], $0x10, s8, s14, $0xb8;
	[tilespmem:$0xB600] =	vst v63  }
0x37: {  	_ =	swait.ge [sflag:s24], $0x7D0  }
0x38: {  	[sflag:s24] =	ssyncset.done $0x0  }
0x39: {  	s9 =	simm.s32 $0x2880;
	s3 =	simm.s32 @!p0 $0xF;
	[sflag:s24] =	ssyncadd.s32 $0xFFFFF830  }
0x3a: {  	[spmem:s2] =	stream.indirect.scatter.add.bf16 [tilespmem:s17], [sflag:$0xA], $0x10, s9, s14, $0xb8;
	[tilespmem:$0xB600] =	vst v63  }
0x3b: {  	_ =	swait.ge @!p0 [sflag:s3], $0x7D0  }
0x3c: {  	[sflag:s3] =	ssyncset.done @!p0 $0x0  }
0x3d: {  	s11 =	simm.s32 $0x300;
	s10 =	rddreg [dreg:$0x4];
	[sflag:s3] =	ssyncadd.s32 @!p0 $0xFFFFF830  }
0x3e: {  	[tilespmem:s10], [sflag:$0x7] =	stream.indirect.gather [hbm4b:s4+s14], $0x10, s11, s14, $0xb8;
	[tilespmem:$0xB600] =	vst v63  }
0x3f: {  	_ =	swait.ge [sflag:s25], $0x7D0  }
0x40: {  	[sflag:s25] =	ssyncset.done $0x0  }
0x41: {  	s12 =	simm.s32 $0x2900;
	s3 =	simm.s32 @!p0 $0x10;
	[sflag:s25] =	ssyncadd.s32 $0xFFFFF830  }
0x42: {  	[spmem:s2] =	stream.indirect.scatter.add.bf16 [tilespmem:s19], [sflag:$0xB], $0x10, s12, s14, $0xb8;
	[tilespmem:$0xB600] =	vst v63  }
0x43: {  	_ =	swait.ge @!p0 [sflag:s3], $0x7D0  }
0x44: {  	[sflag:s3] =	ssyncset.done @!p0 $0x0  }
0x45: {  	s13 =	simm.s32 $0x380;
	[sflag:s3] =	ssyncadd.s32 @!p0 $0xFFFFF830  }
0x46: {  	[tilespmem:s26], [sflag:$0x8] =	stream.indirect.gather [hbm4b:s4+s14], $0x10, s13, s14, $0xb8;
	[tilespmem:$0xB600] =	vst v63  }
0x47: {  	_ =	swait.ge [sflag:s28], $0x7D0  }
0x48: {  	[sflag:s28] =	ssyncset.done $0x0  }
0x49: {  	s16 =	simm.s32 $0x2980;
	[sflag:s28] =	ssyncadd.s32 $0xFFFFF830  }
0x4a: {  	[spmem:s2] =	stream.indirect.scatter.add.bf16 [tilespmem:s21], [sflag:$0xC], $0x10, s16, s14, $0xb8;
	[tilespmem:$0xB600] =	vst v63  }
0x4b: {  	_ =	swait.ge [sflag:s29], $0x7D0  }
0x4c: {  	p0 =	por $0x0, $0x0;
	[sflag:s29] =	ssyncset.done $0x0  }
0x4d: {  	s0 =	simm.s32 @p0 $0x5;
	[sflag:s29] =	ssyncadd.s32 $0xFFFFF830  }
0x4e: {  	_ =	swait.ge @p0 [sflag:s0], $0x7D0  }
0x4f: {  	s3 =	simm.s32 @p0 $0x2A00;
	s5 =	simm.s32 @p0 $0xA;
	[sflag:s0] =	ssyncset.done @p0 $0x0  }
0x50: {  	s7 =	simm.s32 @p0 $0x6F40;
	[sflag:s0] =	ssyncadd.s32 @p0 $0xFFFFF830;
	s0 =	simm.s32 @p0 $0x7D  }
0x51: {  	[spmem:s2] =	stream.indirect.scatter.add.bf16 @p0 [tilespmem:s7], [sflag:$0xD], $0x10, s3, s0, $0xb8;
	[tilespmem:$0xB600] =	vst v63  }
0x52: {  	_ =	swait.ge @p0 [sflag:s5], $0x7D0  }
0x53: {  	s3 =	simm.s32 @!p0 $0x400;
	[sflag:s5] =	ssyncset.done @p0 $0x0  }
0x54: {  	s7 =	simm.s32 @!p0 $0x5000;
	[sflag:s5] =	ssyncadd.s32 @p0 $0xFFFFF830;
	s5 =	simm.s32 @!p0 $0x7D  }
0x55: {  	[tilespmem:s7], [sflag:$0x1] =	stream.indirect.gather @!p0 [hbm4b:s4+s5], $0x10, s3, s5, $0xb8;
	[tilespmem:$0xB600] =	vst v63  }
0x56: {  	s3 =	simm.s32 @!p0 $0x5  }
0x57: {  	_ =	swait.ge @!p0 [sflag:s3], $0x7D0  }
0x58: {  	[sflag:s3] =	ssyncset.done @!p0 $0x0  }
0x59: {  	s7 =	simm.s32 @!p0 $0x2A00;
	[sflag:s3] =	ssyncadd.s32 @!p0 $0xFFFFF830;
	s3 =	simm.s32 @!p0 $0x6F40  }
0x5a: {  	[spmem:s2] =	stream.indirect.scatter.add.bf16 @!p0 [tilespmem:s3], [sflag:$0xD], $0x10, s7, s5, $0xb8;
	[tilespmem:$0xB600] =	vst v63  }
0x5b: {  	s3 =	simm.s32 @!p0 $0xA  }
0x5c: {  	_ =	swait.ge @!p0 [sflag:s3], $0x7D0  }
0x5d: {  	[sflag:s3] =	ssyncset.done @!p0 $0x0  }
0x5e: {  	s7 =	simm.s32 @!p0 $0x480;
	[sflag:s3] =	ssyncadd.s32 @!p0 $0xFFFFF830;
	s3 =	simm.s32 @!p0 $0x57D0  }
0x5f: {  	[tilespmem:s3], [sflag:$0x2] =	stream.indirect.gather @!p0 [hbm4b:s4+s5], $0x10, s7, s5, $0xb8;
	[tilespmem:$0xB600] =	vst v63  }
0x60: {  	_ =	swait.ge [sflag:s30], $0x7D0  }
0x61: {  	[sflag:s30] =	ssyncset.done $0x0  }
0x62: {  	s18 =	simm.s32 $0x2A80;
	[sflag:s30] =	ssyncadd.s32 $0xFFFFF830  }
0x63: {  	[spmem:s2] =	stream.indirect.scatter.add.bf16 [tilespmem:s23], [sflag:$0xE], $0x10, s18, s14, $0xb8;
	[tilespmem:$0xB600] =	vst v63  }
0x64: {  	_ =	swait.ge [sflag:s31], $0x7D0  }
0x65: {  	[sflag:s31] =	ssyncset.done $0x0  }
0x66: {  	s3 =	simm.s32 @p0 $0x7;
	[sflag:s31] =	ssyncadd.s32 $0xFFFFF830  }
0x67: {  	_ =	swait.ge @p0 [sflag:s3], $0x7D0  }
0x68: {  	[sflag:s3] =	ssyncset.done @p0 $0x0  }
0x69: {  	s7 =	simm.s32 @p0 $0x2B00;
	[sflag:s3] =	ssyncadd.s32 @p0 $0xFFFFF830;
	s3 =	simm.s32 @p0 $0x7EE0  }
0x6a: {  	[spmem:s2] =	stream.indirect.scatter.add.bf16 @p0 [tilespmem:s3], [sflag:$0xF], $0x10, s7, s0, $0xb8;
	[tilespmem:$0xB600] =	vst v63  }
0x6b: {  	s0 =	simm.s32 @p0 $0xC  }
0x6c: {  	_ =	swait.ge @p0 [sflag:s0], $0x7D0  }
0x6d: {  	[sflag:s0] =	ssyncset.done @p0 $0x0  }
0x6e: {  	s3 =	simm.s32 @!p0 $0x500;
	[sflag:s0] =	ssyncadd.s32 @p0 $0xFFFFF830;
	s0 =	simm.s32 @!p0 $0x5FA0  }
0x6f: {  	[tilespmem:s0], [sflag:$0x3] =	stream.indirect.gather @!p0 [hbm4b:s4+s5], $0x10, s3, s5, $0xb8;
	[tilespmem:$0xB600] =	vst v63  }
0x70: {  	s0 =	simm.s32 @!p0 $0x7  }
0x71: {  	_ =	swait.ge @!p0 [sflag:s0], $0x7D0  }
0x72: {  	[sflag:s0] =	ssyncset.done @!p0 $0x0  }
0x73: {  	s3 =	simm.s32 @!p0 $0x2B00;
	[sflag:s0] =	ssyncadd.s32 @!p0 $0xFFFFF830;
	s0 =	simm.s32 @!p0 $0x7EE0  }
0x74: {  	[spmem:s2] =	stream.indirect.scatter.add.bf16 @!p0 [tilespmem:s0], [sflag:$0xF], $0x10, s3, s5, $0xb8;
	[tilespmem:$0xB600] =	vst v63  }
0x75: {  	s0 =	simm.s32 @!p0 $0xC  }
0x76: {  	_ =	swait.ge @!p0 [sflag:s0], $0x7D0  }
0x77: {  	[sflag:s0] =	ssyncset.done @!p0 $0x0  }
0x78: {  	s3 =	simm.s32 @!p0 $0x580;
	[sflag:s0] =	ssyncadd.s32 @!p0 $0xFFFFF830;
	s0 =	simm.s32 @!p0 $0x6770  }
0x79: {  	[tilespmem:s0], [sflag:$0x4] =	stream.indirect.gather @!p0 [hbm4b:s4+s5], $0x10, s3, s5, $0xb8;
	[tilespmem:$0xB600] =	vst v63  }
0x7a: {  	p1 =	por $0x0, $0x0;
	s7 =	simm.s32 $0x2000;
	_ =	swait.ge [sflag:s1], $0x7D0  }
0x7b: {  	s5 =	simm.s32 $0x1000;
	s0 =	simm.s32 $0x2B80;
	[sflag:s1] =	ssyncset.done $0x0  }
.LBB2_2:
0x7c: {  	s3 =	simm.s32 @!p1 $0xD;
	[sflag:s1] =	ssyncadd.s32 $0xFFFFF830  }
0x7d: {  	[spmem:s2] =	stream.indirect.scatter.add.bf16 [tilespmem:s26], [sflag:$0x10], $0x10, s0, s14, $0xb8;
	[tilespmem:$0xB600] =	vst v63  }
0x7e: {  	_ =	swait.ge @!p1 [sflag:s3], $0x7D0  }
0x7f: {  	s8 =	sshra.s32 s5, $0x2;
	[sflag:s3] =	ssyncset.done @!p1 $0x0  }
0x80: {  	s16 =	sadd.s32 $0x200, s8;
	s13 =	rddreg [dreg:$0x3];
	[sflag:s3] =	ssyncadd.s32 @!p1 $0xFFFFF830  }
0x81: {  	[tilespmem:s13], [sflag:$0x5] =	stream.indirect.gather [hbm4b:s4+s14], $0x10, s16, s14, $0xb8;
	[tilespmem:$0xB600] =	vst v63  }
0x82: {  	_ =	swait.ge [sflag:s22], $0x7D0  }
0x83: {  	[sflag:s22] =	ssyncset.done $0x0  }
0x84: {  	s18 =	sadd.s32 $0x2800, s8;
	s3 =	simm.s32 @!p1 $0xE;
	[sflag:s22] =	ssyncadd.s32 $0xFFFFF830  }
0x85: {  	[spmem:s2] =	stream.indirect.scatter.add.bf16 [tilespmem:s15], [sflag:$0x9], $0x10, s18, s14, $0xb8;
	[tilespmem:$0xB600] =	vst v63  }
0x86: {  	_ =	swait.ge @!p1 [sflag:s3], $0x7D0  }
0x87: {  	[sflag:s3] =	ssyncset.done @!p1 $0x0  }
0x88: {  	[sflag:s3] =	ssyncadd.s32 @!p1 $0xFFFFF830;
	s3 =	sadd.s32 $0x280, s8  }
0x89: {  	[tilespmem:s23], [sflag:$0x6] =	stream.indirect.gather [hbm4b:s4+s14], $0x10, s3, s14, $0xb8;
	[tilespmem:$0xB600] =	vst v63  }
0x8a: {  	_ =	swait.ge [sflag:s24], $0x7D0  }
0x8b: {  	[sflag:s24] =	ssyncset.done $0x0  }
0x8c: {  	s6 =	sadd.s32 $0x2880, s8;
	s3 =	simm.s32 @!p1 $0xF;
	[sflag:s24] =	ssyncadd.s32 $0xFFFFF830  }
0x8d: {  	[spmem:s2] =	stream.indirect.scatter.add.bf16 [tilespmem:s17], [sflag:$0xA], $0x10, s6, s14, $0xb8;
	[tilespmem:$0xB600] =	vst v63  }
0x8e: {  	_ =	swait.ge @!p1 [sflag:s3], $0x7D0  }
0x8f: {  	[sflag:s3] =	ssyncset.done @!p1 $0x0  }
0x90: {  	s11 =	sadd.s32 $0x300, s8;
	s10 =	rddreg [dreg:$0x4];
	[sflag:s3] =	ssyncadd.s32 @!p1 $0xFFFFF830  }
0x91: {  	[tilespmem:s10], [sflag:$0x7] =	stream.indirect.gather [hbm4b:s4+s14], $0x10, s11, s14, $0xb8;
	[tilespmem:$0xB600] =	vst v63  }
0x92: {  	_ =	swait.ge [sflag:s25], $0x7D0  }
0x93: {  	[sflag:s25] =	ssyncset.done $0x0  }
0x94: {  	s12 =	sadd.s32 $0x2900, s8;
	s3 =	simm.s32 @!p1 $0x10;
	[sflag:s25] =	ssyncadd.s32 $0xFFFFF830  }
0x95: {  	[spmem:s2] =	stream.indirect.scatter.add.bf16 [tilespmem:s19], [sflag:$0xB], $0x10, s12, s14, $0xb8;
	[tilespmem:$0xB600] =	vst v63  }
0x96: {  	_ =	swait.ge @!p1 [sflag:s3], $0x7D0  }
0x97: {  	[sflag:s3] =	ssyncset.done @!p1 $0x0  }
0x98: {  	s13 =	sadd.s32 $0x380, s8;
	[sflag:s3] =	ssyncadd.s32 @!p1 $0xFFFFF830  }
0x99: {  	[tilespmem:s26], [sflag:$0x8] =	stream.indirect.gather [hbm4b:s4+s14], $0x10, s13, s14, $0xb8;
	[tilespmem:$0xB600] =	vst v63  }
0x9a: {  	_ =	swait.ge [sflag:s28], $0x7D0  }
0x9b: {  	[sflag:s28] =	ssyncset.done $0x0  }
0x9c: {  	s16 =	sadd.s32 $0x2980, s8;
	[sflag:s28] =	ssyncadd.s32 $0xFFFFF830  }
0x9d: {  	[spmem:s2] =	stream.indirect.scatter.add.bf16 [tilespmem:s21], [sflag:$0xC], $0x10, s16, s14, $0xb8;
	[tilespmem:$0xB600] =	vst v63  }
0x9e: {  	_ =	swait.ge [sflag:s29], $0x7D0  }
0x9f: {  	s9 =	smov.u32 s7;
	p1 =	seq.s32 s5, $0x9000;
	[sflag:s29] =	ssyncset.done $0x0  }
0xa0: {  	s0 =	simm.s32 @p1 $0x5;
	s3 =	sshra.s32 @p1 s5, $0x2;
	[sflag:s29] =	ssyncadd.s32 $0xFFFFF830  }
0xa1: {  	s5 =	sshra.s32 @!p1 s5, $0x2;
	s13 =	simm.s32 @p1 $0xA;
	_ =	swait.ge @p1 [sflag:s0], $0x7D0  }
0xa2: {  	s18 =	simm.s32 @p1 $0x6F40;
	s11 =	simm.s32 @!p1 $0x5;
	[sflag:s0] =	ssyncset.done @p1 $0x0  }
0xa3: {  	s10 =	sadd.s32 @p1 $0x2A00, s3;
	[sflag:s0] =	ssyncadd.s32 @p1 $0xFFFFF830;
	s0 =	simm.s32 @p1 $0x7D  }
0xa4: {  	[spmem:s2] =	stream.indirect.scatter.add.bf16 @p1 [tilespmem:s18], [sflag:$0xD], $0x10, s10, s0, $0xb8;
	[tilespmem:$0xB600] =	vst v63  }
0xa5: {  	s6 =	sadd.s32 @!p1 $0x480, s5;
	s12 =	sadd.s32 @p1 $0x2B00, s3;
	_ =	swait.ge @p1 [sflag:s13], $0x7D0  }
0xa6: {  	s3 =	simm.s32 @!p1 $0x5000;
	s16 =	sadd.s32 @!p1 $0x400, s5;
	[sflag:s13] =	ssyncset.done @p1 $0x0  }
0xa7: {  	s18 =	sadd.s32 @!p1 $0x2A00, s5;
	s10 =	simm.s32 @!p1 $0x7D;
	[sflag:s13] =	ssyncadd.s32 @p1 $0xFFFFF830  }
0xa8: {  	[tilespmem:s3], [sflag:$0x1] =	stream.indirect.gather @!p1 [hbm4b:s4+s10], $0x10, s16, s10, $0xb8;
	[tilespmem:$0xB600] =	vst v63  }
0xa9: {  	s13 =	sadd.s32 @!p1 $0x2B00, s5;
	s16 =	sadd.s32 @!p1 $0x500, s5;
	_ =	swait.ge @!p1 [sflag:s11], $0x7D0  }
0xaa: {  	s3 =	sadd.s32 @!p1 $0x580, s5;
	s5 =	smov.u32 s9;
	[sflag:s11] =	ssyncset.done @!p1 $0x0  }
0xab: {  	s9 =	simm.s32 @!p1 $0x6F40;
	[sflag:s11] =	ssyncadd.s32 @!p1 $0xFFFFF830;
	s11 =	simm.s32 @!p1 $0xA  }
0xac: {  	[spmem:s2] =	stream.indirect.scatter.add.bf16 @!p1 [tilespmem:s9], [sflag:$0xD], $0x10, s18, s10, $0xb8;
	[tilespmem:$0xB600] =	vst v63  }
0xad: {  	_ =	swait.ge @!p1 [sflag:s11], $0x7D0  }
0xae: {  	[sflag:s11] =	ssyncset.done @!p1 $0x0  }
0xaf: {  	s9 =	simm.s32 @!p1 $0x57D0;
	[sflag:s11] =	ssyncadd.s32 @!p1 $0xFFFFF830  }
0xb0: {  	[tilespmem:s9], [sflag:$0x2] =	stream.indirect.gather @!p1 [hbm4b:s4+s10], $0x10, s6, s10, $0xb8;
	[tilespmem:$0xB600] =	vst v63  }
0xb1: {  	_ =	swait.ge [sflag:s30], $0x7D0  }
0xb2: {  	[sflag:s30] =	ssyncset.done $0x0  }
0xb3: {  	s18 =	sadd.s32 $0x2A80, s8;
	[sflag:s30] =	ssyncadd.s32 $0xFFFFF830  }
0xb4: {  	[spmem:s2] =	stream.indirect.scatter.add.bf16 [tilespmem:s23], [sflag:$0xE], $0x10, s18, s14, $0xb8;
	[tilespmem:$0xB600] =	vst v63  }
0xb5: {  	_ =	swait.ge [sflag:s31], $0x7D0  }
0xb6: {  	[sflag:s31] =	ssyncset.done $0x0  }
0xb7: {  	s6 =	simm.s32 @p1 $0x7;
	[sflag:s31] =	ssyncadd.s32 $0xFFFFF830  }
0xb8: {  	_ =	swait.ge @p1 [sflag:s6], $0x7D0  }
0xb9: {  	[sflag:s6] =	ssyncset.done @p1 $0x0  }
0xba: {  	s9 =	simm.s32 @p1 $0xC;
	[sflag:s6] =	ssyncadd.s32 @p1 $0xFFFFF830;
	s6 =	simm.s32 @p1 $0x7EE0  }
0xbb: {  	[spmem:s2] =	stream.indirect.scatter.add.bf16 @p1 [tilespmem:s6], [sflag:$0xF], $0x10, s12, s0, $0xb8;
	[tilespmem:$0xB600] =	vst v63  }
0xbc: {  	_ =	swait.ge @p1 [sflag:s9], $0x7D0  }
0xbd: {  	[sflag:s9] =	ssyncset.done @p1 $0x0  }
0xbe: {  	s0 =	simm.s32 @!p1 $0x5FA0;
	s6 =	simm.s32 @!p1 $0x7;
	[sflag:s9] =	ssyncadd.s32 @p1 $0xFFFFF830  }
0xbf: {  	[tilespmem:s0], [sflag:$0x3] =	stream.indirect.gather @!p1 [hbm4b:s4+s10], $0x10, s16, s10, $0xb8;
	[tilespmem:$0xB600] =	vst v63  }
0xc0: {  	_ =	swait.ge @!p1 [sflag:s6], $0x7D0  }
0xc1: {  	s7 =	sadd.s32 $0x1000, s7;
	[sflag:s6] =	ssyncset.done @!p1 $0x0  }
0xc2: {  	s0 =	simm.s32 @!p1 $0x7EE0;
	[sflag:s6] =	ssyncadd.s32 @!p1 $0xFFFFF830;
	s6 =	simm.s32 @!p1 $0xC  }
0xc3: {  	[spmem:s2] =	stream.indirect.scatter.add.bf16 @!p1 [tilespmem:s0], [sflag:$0xF], $0x10, s13, s10, $0xb8;
	[tilespmem:$0xB600] =	vst v63  }
0xc4: {  	p0 =	sne.s32 s7, $0xA000;
	_ =	swait.ge @!p1 [sflag:s6], $0x7D0  }
.Ltmp0:
0xc5: {  	[sflag:s6] =	ssyncset.done @!p1 $0x0;
	(pc) =	sbr.rel @p0 .LBB2_2-.Ltmp0, $4  }
0xc6: {  	s0 =	simm.s32 @!p1 $0x6770;
	[sflag:s6] =	ssyncadd.s32 @!p1 $0xFFFFF830  }
0xc7: {  	[tilespmem:s0], [sflag:$0x4] =	stream.indirect.gather @!p1 [hbm4b:s4+s10], $0x10, s3, s10, $0xb8;
	[tilespmem:$0xB600] =	vst v63  }
0xc8: {  	_ =	swait.ge [sflag:s1], $0x7D0  }
0xc9: {  	p1 =	seq.s32 s5, $0x0;
	s0 =	sadd.s32 $0x2B80, s8;
	[sflag:s1] =	ssyncset.done $0x0  }
0xca: {  	s3 =	simm.s32 @!p1 $0xD;
	[sflag:s1] =	ssyncadd.s32 $0xFFFFF830  }
0xcb: {  	[spmem:s2] =	stream.indirect.scatter.add.bf16 [tilespmem:s26], [sflag:$0x10], $0x10, s0, s14, $0xb8;
	[tilespmem:$0xB600] =	vst v63  }
0xcc: {  	_ =	swait.ge @!p1 [sflag:s3], $0x7D0  }
0xcd: {  	s7 =	sshra.s32 s5, $0x2;
	[sflag:s3] =	ssyncset.done @!p1 $0x0  }
0xce: {  	s18 =	sadd.s32 $0x200, s7;
	s16 =	rddreg [dreg:$0x3];
	[sflag:s3] =	ssyncadd.s32 @!p1 $0xFFFFF830  }
0xcf: {  	[tilespmem:s16], [sflag:$0x5] =	stream.indirect.gather [hbm4b:s4+s14], $0x10, s18, s14, $0xb8;
	[tilespmem:$0xB600] =	vst v63  }
0xd0: {  	_ =	swait.ge [sflag:s22], $0x7D0  }
0xd1: {  	[sflag:s22] =	ssyncset.done $0x0  }
0xd2: {  	s6 =	sadd.s32 $0x2800, s7;
	s3 =	simm.s32 @!p1 $0xE;
	[sflag:s22] =	ssyncadd.s32 $0xFFFFF830  }
0xd3: {  	[spmem:s2] =	stream.indirect.scatter.add.bf16 [tilespmem:s15], [sflag:$0x9], $0x10, s6, s14, $0xb8;
	[tilespmem:$0xB600] =	vst v63  }
0xd4: {  	_ =	swait.ge @!p1 [sflag:s3], $0x7D0  }
0xd5: {  	[sflag:s3] =	ssyncset.done @!p1 $0x0  }
0xd6: {  	s8 =	sadd.s32 $0x280, s7;
	[sflag:s3] =	ssyncadd.s32 @!p1 $0xFFFFF830  }
0xd7: {  	[tilespmem:s23], [sflag:$0x6] =	stream.indirect.gather [hbm4b:s4+s14], $0x10, s8, s14, $0xb8;
	[tilespmem:$0xB600] =	vst v63  }
0xd8: {  	_ =	swait.ge [sflag:s24], $0x7D0  }
0xd9: {  	[sflag:s24] =	ssyncset.done $0x0  }
0xda: {  	s9 =	sadd.s32 $0x2880, s7;
	s3 =	simm.s32 @!p1 $0xF;
	[sflag:s24] =	ssyncadd.s32 $0xFFFFF830  }
0xdb: {  	[spmem:s2] =	stream.indirect.scatter.add.bf16 [tilespmem:s17], [sflag:$0xA], $0x10, s9, s14, $0xb8;
	[tilespmem:$0xB600] =	vst v63  }
0xdc: {  	_ =	swait.ge @!p1 [sflag:s3], $0x7D0  }
0xdd: {  	[sflag:s3] =	ssyncset.done @!p1 $0x0  }
0xde: {  	s11 =	sadd.s32 $0x300, s7;
	s10 =	rddreg [dreg:$0x4];
	[sflag:s3] =	ssyncadd.s32 @!p1 $0xFFFFF830  }
0xdf: {  	[tilespmem:s10], [sflag:$0x7] =	stream.indirect.gather [hbm4b:s4+s14], $0x10, s11, s14, $0xb8;
	[tilespmem:$0xB600] =	vst v63  }
0xe0: {  	_ =	swait.ge [sflag:s25], $0x7D0  }
0xe1: {  	[sflag:s25] =	ssyncset.done $0x0  }
0xe2: {  	s12 =	sadd.s32 $0x2900, s7;
	s3 =	simm.s32 @!p1 $0x10;
	[sflag:s25] =	ssyncadd.s32 $0xFFFFF830  }
0xe3: {  	[spmem:s2] =	stream.indirect.scatter.add.bf16 [tilespmem:s19], [sflag:$0xB], $0x10, s12, s14, $0xb8;
	[tilespmem:$0xB600] =	vst v63  }
0xe4: {  	_ =	swait.ge @!p1 [sflag:s3], $0x7D0  }
0xe5: {  	[sflag:s3] =	ssyncset.done @!p1 $0x0  }
0xe6: {  	s13 =	sadd.s32 $0x380, s7;
	[sflag:s3] =	ssyncadd.s32 @!p1 $0xFFFFF830  }
0xe7: {  	[tilespmem:s26], [sflag:$0x8] =	stream.indirect.gather [hbm4b:s4+s14], $0x10, s13, s14, $0xb8;
	[tilespmem:$0xB600] =	vst v63  }
0xe8: {  	_ =	swait.ge [sflag:s28], $0x7D0  }
0xe9: {  	[sflag:s28] =	ssyncset.done $0x0  }
0xea: {  	s16 =	sadd.s32 $0x2980, s7;
	[sflag:s28] =	ssyncadd.s32 $0xFFFFF830  }
0xeb: {  	[spmem:s2] =	stream.indirect.scatter.add.bf16 [tilespmem:s21], [sflag:$0xC], $0x10, s16, s14, $0xb8;
	[tilespmem:$0xB600] =	vst v63  }
0xec: {  	_ =	swait.ge [sflag:s29], $0x7D0  }
0xed: {  	p0 =	seq.s32 s5, $0x9000;
	[sflag:s29] =	ssyncset.done $0x0  }
0xee: {  	s0 =	simm.s32 @p0 $0x5;
	[sflag:s29] =	ssyncadd.s32 $0xFFFFF830  }
0xef: {  	s8 =	simm.s32 @p0 $0xA;
	_ =	swait.ge @p0 [sflag:s0], $0x7D0  }
0xf0: {  	s9 =	simm.s32 @p0 $0x6F40;
	s3 =	sshra.s32 @p0 s5, $0x2;
	[sflag:s0] =	ssyncset.done @p0 $0x0  }
0xf1: {  	s6 =	sadd.s32 @p0 $0x2A00, s3;
	[sflag:s0] =	ssyncadd.s32 @p0 $0xFFFFF830;
	s0 =	simm.s32 @p0 $0x7D  }
0xf2: {  	[spmem:s2] =	stream.indirect.scatter.add.bf16 @p0 [tilespmem:s9], [sflag:$0xD], $0x10, s6, s0, $0xb8;
	[tilespmem:$0xB600] =	vst v63  }
0xf3: {  	s5 =	sshra.s32 @!p0 s5, $0x2;
	_ =	swait.ge @p0 [sflag:s8], $0x7D0  }
0xf4: {  	s6 =	sadd.s32 @!p0 $0x400, s5;
	[sflag:s8] =	ssyncset.done @p0 $0x0  }
0xf5: {  	s9 =	simm.s32 @!p0 $0x5000;
	[sflag:s8] =	ssyncadd.s32 @p0 $0xFFFFF830;
	s8 =	simm.s32 @!p0 $0x7D  }
0xf6: {  	[tilespmem:s9], [sflag:$0x1] =	stream.indirect.gather @!p0 [hbm4b:s4+s8], $0x10, s6, s8, $0xb8;
	[tilespmem:$0xB600] =	vst v63  }
0xf7: {  	s6 =	simm.s32 @!p0 $0x5  }
0xf8: {  	_ =	swait.ge @!p0 [sflag:s6], $0x7D0  }
0xf9: {  	[sflag:s6] =	ssyncset.done @!p0 $0x0  }
0xfa: {  	s9 =	sadd.s32 @!p0 $0x2A00, s5;
	[sflag:s6] =	ssyncadd.s32 @!p0 $0xFFFFF830;
	s6 =	simm.s32 @!p0 $0x6F40  }
0xfb: {  	[spmem:s2] =	stream.indirect.scatter.add.bf16 @!p0 [tilespmem:s6], [sflag:$0xD], $0x10, s9, s8, $0xb8;
	[tilespmem:$0xB600] =	vst v63  }
0xfc: {  	s6 =	simm.s32 @!p0 $0xA  }
0xfd: {  	_ =	swait.ge @!p0 [sflag:s6], $0x7D0  }
0xfe: {  	[sflag:s6] =	ssyncset.done @!p0 $0x0  }
0xff: {  	s9 =	sadd.s32 @!p0 $0x480, s5;
	[sflag:s6] =	ssyncadd.s32 @!p0 $0xFFFFF830;
	s6 =	simm.s32 @!p0 $0x57D0  }
0x100: {  	[tilespmem:s6], [sflag:$0x2] =	stream.indirect.gather @!p0 [hbm4b:s4+s8], $0x10, s9, s8, $0xb8;
	[tilespmem:$0xB600] =	vst v63  }
0x101: {  	_ =	swait.ge [sflag:s30], $0x7D0  }
0x102: {  	[sflag:s30] =	ssyncset.done $0x0  }
0x103: {  	s18 =	sadd.s32 $0x2A80, s7;
	[sflag:s30] =	ssyncadd.s32 $0xFFFFF830  }
0x104: {  	[spmem:s2] =	stream.indirect.scatter.add.bf16 [tilespmem:s23], [sflag:$0xE], $0x10, s18, s14, $0xb8;
	[tilespmem:$0xB600] =	vst v63  }
0x105: {  	_ =	swait.ge [sflag:s31], $0x7D0  }
0x106: {  	[sflag:s31] =	ssyncset.done $0x0  }
0x107: {  	s6 =	simm.s32 @p0 $0x7;
	[sflag:s31] =	ssyncadd.s32 $0xFFFFF830  }
0x108: {  	_ =	swait.ge @p0 [sflag:s6], $0x7D0  }
0x109: {  	[sflag:s6] =	ssyncset.done @p0 $0x0  }
0x10a: {  	s3 =	sadd.s32 @p0 $0x2B00, s3;
	[sflag:s6] =	ssyncadd.s32 @p0 $0xFFFFF830;
	s6 =	simm.s32 @p0 $0x7EE0  }
0x10b: {  	[spmem:s2] =	stream.indirect.scatter.add.bf16 @p0 [tilespmem:s6], [sflag:$0xF], $0x10, s3, s0, $0xb8;
	[tilespmem:$0xB600] =	vst v63  }
0x10c: {  	s0 =	simm.s32 @p0 $0xC  }
0x10d: {  	_ =	swait.ge @p0 [sflag:s0], $0x7D0  }
0x10e: {  	[sflag:s0] =	ssyncset.done @p0 $0x0  }
0x10f: {  	s3 =	sadd.s32 @!p0 $0x500, s5;
	[sflag:s0] =	ssyncadd.s32 @p0 $0xFFFFF830;
	s0 =	simm.s32 @!p0 $0x5FA0  }
0x110: {  	[tilespmem:s0], [sflag:$0x3] =	stream.indirect.gather @!p0 [hbm4b:s4+s8], $0x10, s3, s8, $0xb8;
	[tilespmem:$0xB600] =	vst v63  }
0x111: {  	s0 =	simm.s32 @!p0 $0x7  }
0x112: {  	_ =	swait.ge @!p0 [sflag:s0], $0x7D0  }
0x113: {  	[sflag:s0] =	ssyncset.done @!p0 $0x0  }
0x114: {  	s3 =	sadd.s32 @!p0 $0x2B00, s5;
	[sflag:s0] =	ssyncadd.s32 @!p0 $0xFFFFF830;
	s0 =	simm.s32 @!p0 $0x7EE0  }
0x115: {  	[spmem:s2] =	stream.indirect.scatter.add.bf16 @!p0 [tilespmem:s0], [sflag:$0xF], $0x10, s3, s8, $0xb8;
	[tilespmem:$0xB600] =	vst v63  }
0x116: {  	s0 =	simm.s32 @!p0 $0xC  }
0x117: {  	_ =	swait.ge @!p0 [sflag:s0], $0x7D0  }
0x118: {  	[sflag:s0] =	ssyncset.done @!p0 $0x0  }
0x119: {  	s3 =	sadd.s32 @!p0 $0x580, s5;
	[sflag:s0] =	ssyncadd.s32 @!p0 $0xFFFFF830;
	s0 =	simm.s32 @!p0 $0x6770  }
0x11a: {  	[tilespmem:s0], [sflag:$0x4] =	stream.indirect.gather @!p0 [hbm4b:s4+s8], $0x10, s3, s8, $0xb8;
	[tilespmem:$0xB600] =	vst v63  }
0x11b: {  	_ =	swait.ge [sflag:s1], $0x7D0  }
0x11c: {  	[sflag:s1] =	ssyncset.done $0x0  }
0x11d: {  	s10 =	simm.s32 $0xD;
	s9 =	sadd.s32 $0x2B80, s7;
	[sflag:s1] =	ssyncadd.s32 $0xFFFFF830  }
0x11e: {  	[spmem:s2] =	stream.indirect.scatter.add.bf16 [tilespmem:s26], [sflag:$0x10], $0x10, s9, s14, $0xb8;
	[tilespmem:$0xB600] =	vst v63  }
0x11f: {  	_ =	swait.ge [sflag:s10], $0x7D0  }
0x120: {  	[sflag:s10] =	ssyncset.done $0x0  }
0x121: {  	s11 =	simm.s32 $0xE;
	[sflag:s10] =	ssyncadd.s32 $0xFFFFF830  }
0x122: {  	_ =	swait.ge [sflag:s11], $0x7D0  }
0x123: {  	[sflag:s11] =	ssyncset.done $0x0  }
0x124: {  	s12 =	simm.s32 $0xF;
	[sflag:s11] =	ssyncadd.s32 $0xFFFFF830  }
0x125: {  	_ =	swait.ge [sflag:s12], $0x7D0  }
0x126: {  	[sflag:s12] =	ssyncset.done $0x0  }
0x127: {  	s13 =	simm.s32 $0x10;
	[sflag:s12] =	ssyncadd.s32 $0xFFFFF830  }
0x128: {  	_ =	swait.ge [sflag:s13], $0x7D0  }
0x129: {  	[sflag:s13] =	ssyncset.done $0x0  }
0x12a: {  	[sflag:s13] =	ssyncadd.s32 $0xFFFFF830  }
0x12b: {  	[bflag:$0x0] =	sbarrier.arrive $0xFFFF  }
0x12c: {  	s6 =	rddreg [dreg:$0x6]  }
0x12d: {  	s16 =	rddreg [dreg:$0x9]  }
0x12e: {  	s5 =	simm.s32 $0x11;
	s3 =	rddreg [dreg:$0xb]  }
0x12f: {  	[hbm:s16], [sflag:s6] =	dma.local [spmem:s3], $0x4F0  }
0x130: {  	_ =	swait.ge [sflag:s5], $0x4F0  }
0x131: {  	s20 =	sadd.s32 $0x1, s20;
	s18 =	rddreg [dreg:$0xa]  }
0x132: {  	p0 =	sne.s32 s20, s18  }
.Ltmp1:
0x133: {  	_ = 	snop;
	(pc) =	sbr.rel @p0 .LBB2_1-.Ltmp1, $3  }
0x134: {  	_ =	sdelay $0x1  }
0x135: {  	[sflag:s5] =	ssyncset.done $0x0  }
0x136: {  	[sflag:s5] =	ssyncadd.s32 $0xFFFFFB10  }
0x137: {  	_ =	sfence.sel $0x180000  }
0x138: {  	[bflag:$0x0] =	sbarrier.arrive $0xFFFF  }
0x139: {  	_ =	strace $0x9000004A  }
0x13a: {  	s0 =	stileid.u32;
	[bflag:$0x2] =	sbarrier.arrive $0xFFFF  }
0x13b: {  	p0 =	sne.s32 s0, $0x0;
	s0 =	rddreg [dreg:$0x2]  }
0x13c: {  	s0 =	sadd.s32 @!p0 $0x100000, s0  }
0x13d: {  	[sflag:s0] =	ssyncadd.tile.s32 @!p0 $0x1;
	_ =	shalt  }
.Lfunc_end2:
_tile_overlayer_lowered:
.L_overlay_start_2:
0x13e: {  	(tag) =	ssettag $0x2  }
0x13f: {  	s0 =	rddreg [dreg:$0x0];
	s2 =	stileid.u32  }
0x140: {  	s1 =	rddreg [dreg:$0x1];
	p0 =	sne.s32 s2, $0x0  }
0x141: {  	s3 =	rddreg [dreg:$0x2];
	[bflag:$0x3] =	sbarrier.arrive $0xFFFF;
	s2 =	simm.s32 @!p0 $0x1C11  }
0x142: {  	[timem:s3], [sflag:s2] =	dma.local @!p0 [hbm:s0], s1  }
0x143: {  	s0 =	simm.s32 @!p0 $0x11  }
0x144: {  	_ =	swait.ge @!p0 [sflag:s0], s1  }
0x145: {  	s1 =	ssub.s32 @!p0 $0x0, s1;
	[sflag:s0] =	ssyncset.done @!p0 $0x0  }
0x146: {  	[sflag:s0] =	ssyncadd.s32 @!p0 s1  }
0x147: {  	[bflag:$0x3] =	sbarrier.arrive $0xFFFF  }
0x148: {  	_ =	shalt  }

// kernel: kernel.14.cloned.1.call-start
scs
__scs_entry_jumppad:
0x0: {  	(pc) =	sbr.rel $0x88, $3  }
0x1: {  	(tag) =	ssettag $0x0;
	lr =	simm.s32 $0x1  }
0x2: {  	[smem:$0x3F97] =	sst lr;
	_ =	strace $0xD0000000  }
0x3: {  	_ = 	snop  }
0x4: {  	_ = 	snop  }
0x5: {  	_ = 	snop  }
0x6: {  	_ = 	snop  }
0x7: {  	_ = 	snop  }
__scs_overlays_trampoline_lowered:
0x8: {  	[smem:$0x3FA6] =	sst s0  }
0x9: {  	[smem:$0x3FA7] =	sst s1  }
0xa: {  	[smem:$0x3FA8] =	sst s2  }
0xb: {  	[smem:$0x3FA9] =	sst s3  }
0xc: {  	[smem:$0x3FAA] =	sst s4  }
0xd: {  	[smem:$0x3FAB] =	sst s5  }
0xe: {  	[smem:$0x3FAC] =	sst s6  }
0xf: {  	[smem:$0x3FAD] =	sst s7  }
0x10: {  	[smem:$0x3FAE] =	sst s8  }
0x11: {  	[smem:$0x3FAF] =	sst s9;
	s0 =	simm.s32 @!p0 $0x0  }
0x12: {  	s1 =	sld [smem:$0x3F95];
	s0 =	simm.s32 @p0 $0x1  }
0x13: {  	[smem:$0x3FB0] =	sst s0;
	s0 =	simm.s32 @!p1 $0x0  }
0x14: {  	s2 =	sld [smem:$0x3F94];
	s0 =	simm.s32 @p1 $0x1  }
0x15: {  	[smem:$0x3FB1] =	sst s0;
	s0 =	simm.s32 @!p2 $0x0  }
0x16: {  	s3 =	sld [smem:$0x3FDB];
	s0 =	simm.s32 @p2 $0x1  }
0x17: {  	s4 =	simm.s32 $0x1BF5;
	[smem:$0x3FB3] =	sst s0  }
0x18: {  	s0 =	sld [smem:$0x3F96];
	_ =	swait.ge [sflag:s4], $0x0  }
0x19: {  	s7 =	sld [smem:$0x3F97]  }
0x1a: {  	s8 =	sadd.s32 $0xFFFFE003, lr  }
0x1b: {  	s9 =	sadd.s32 $0xFFFFFEF7, lr;
	s5 =	simm.s32 $0xFFFFFFFF;
	p2 =	slt.u32 s8, $0xFFFFF086  }
0x1c: {  	p1 =	slt.u32 s9, $0xF7A;
	s5 =	simm.s32 @!p2 $0x0  }
0x1d: {  	s5 =	simm.s32 @p1 $0x1;
	p0 =	seq.s32 s7, s2  }
0x1e: {  	s7 =	smul.u32 @!p0 $0xF7A, s2;
	p2 =	seq.s32 @!p0 s5, $0x0  }
0x1f: {  	s9 =	smul.u32 $0xF7A, s1;
	s8 =	simm.s32 @!p0 $0x1BF5;
	p2 =	por !p2, p0  }
0x20: {  	[sflag:s8] =	ssyncset.s32 @!p0 $0xFFFFF086;
	s6 =	sadd.s32 @!p0 s3, s7;
	s7 =	simm.s32 @!p0 $0x108  }
0x21: {  	s3 =	sadd.s32 s3, s9;
	s6 =	sadd.s32 @!p0 $0x88, s6;
	s7 =	simm.s32 @p2 $0x1082  }
0x22: {  	[simem:s7], [sflag:s8] =	dma.local @!p0 [hbm:s6], $0xF7A  }
0x23: {  	s9 =	sor.u32 $0xD0000000, s2;
	s6 =	simm.s32 $0x108;
	_ =	swait.ge @!p0 [sflag:s8], $0x0  }
0x24: {  	s3 =	sadd.s32 $0x88, s3;
	s6 =	simm.s32 @!p1 $0x1082;
	[sflag:s4] =	ssyncset.s32 $0xFFFFF086  }
0x25: {  	[simem:s6], [sflag:s4] =	dma.local [hbm:s3], $0xF7A  }
0x26: {  	[smem:$0x3F97] =	sst s1;
	(tag) =	ssettag s2;
	_ =	strace s9  }
0x27: {  	s1 =	sld [smem:$0x3FA7]  }
0x28: {  	s2 =	sld [smem:$0x3FA8]  }
0x29: {  	s4 =	sld [smem:$0x3FAA]  }
0x2a: {  	p0 =	seq.s32 s5, $0x0;
	s5 =	sld [smem:$0x3FAB]  }
0x2b: {  	s6 =	sld [smem:$0x3FAC]  }
0x2c: {  	s7 =	sld [smem:$0x3FAD]  }
0x2d: {  	s3 =	simm.s32 $0x108;
	s8 =	sld [smem:$0x3FAE]  }
0x2e: {  	s3 =	simm.s32 @!p0 $0x1082;
	s9 =	sld [smem:$0x3FAF]  }
0x2f: {  	lr =	sadd.s32 s0, s3;
	s0 =	sld [smem:$0x3FA6]  }
0x30: {  	s3 =	sld [smem:$0x3FA9]  }
0x31: {  	[smem:$0x3FB2] =	sst s10  }
0x32: {  	s10 =	sld [smem:$0x3FB0];
	_ =	sdelay $0x3  }
0x33: {  	p0 =	seq.s32 s10, $0x1;
	s10 =	sld [smem:$0x3FB2];
	_ =	sdelay $0x3  }
0x34: {  	[smem:$0x3FB2] =	sst s10  }
0x35: {  	s10 =	sld [smem:$0x3FB1];
	_ =	sdelay $0x3  }
0x36: {  	p1 =	seq.s32 s10, $0x1;
	s10 =	sld [smem:$0x3FB2];
	_ =	sdelay $0x3  }
0x37: {  	[smem:$0x3FB2] =	sst s10  }
0x38: {  	s10 =	sld [smem:$0x3FB3]  }
0x39: {  	_ = 	snop;
	(pc) =	sbr.ind lr, $3  }
0x3a: {  	_ = 	snop  }
0x3b: {  	_ = 	snop  }
0x3c: {  	p2 =	seq.s32 s10, $0x1;
	s10 =	sld [smem:$0x3FB2]  }
0x3d: {  	_ =	shalt  }
0x3e: {  	_ =	shalt  }
0x3f: {  	_ =	shalt  }
0x40: {  	_ =	shalt  }
0x41: {  	_ =	shalt  }
0x42: {  	_ =	shalt  }
0x43: {  	_ =	shalt  }
0x44: {  	_ =	shalt  }
0x45: {  	_ =	shalt  }
0x46: {  	_ =	shalt  }
0x47: {  	_ =	shalt  }
0x48: {  	_ =	shalt  }
0x49: {  	_ =	shalt  }
0x4a: {  	_ =	shalt  }
0x4b: {  	_ =	shalt  }
0x4c: {  	_ =	shalt  }
0x4d: {  	_ =	shalt  }
0x4e: {  	_ =	shalt  }
0x4f: {  	_ =	shalt  }
0x50: {  	_ =	shalt  }
0x51: {  	_ =	shalt  }
0x52: {  	_ =	shalt  }
0x53: {  	_ =	shalt  }
0x54: {  	_ =	shalt  }
0x55: {  	_ =	shalt  }
0x56: {  	_ =	shalt  }
0x57: {  	_ =	shalt  }
0x58: {  	_ =	shalt  }
0x59: {  	_ =	shalt  }
0x5a: {  	_ =	shalt  }
0x5b: {  	_ =	shalt  }
0x5c: {  	_ =	shalt  }
0x5d: {  	_ =	shalt  }
0x5e: {  	_ =	shalt  }
0x5f: {  	_ =	shalt  }
0x60: {  	_ =	shalt  }
0x61: {  	_ =	shalt  }
0x62: {  	_ =	shalt  }
0x63: {  	_ =	shalt  }
0x64: {  	_ =	shalt  }
0x65: {  	_ =	shalt  }
0x66: {  	_ =	shalt  }
0x67: {  	_ =	shalt  }
0x68: {  	_ =	shalt  }
0x69: {  	_ =	shalt  }
0x6a: {  	_ =	shalt  }
0x6b: {  	_ =	shalt  }
0x6c: {  	_ =	shalt  }
0x6d: {  	_ =	shalt  }
0x6e: {  	_ =	shalt  }
0x6f: {  	_ =	shalt  }
0x70: {  	_ =	shalt  }
0x71: {  	_ =	shalt  }
0x72: {  	_ =	shalt  }
0x73: {  	_ =	shalt  }
0x74: {  	_ =	shalt  }
0x75: {  	_ =	shalt  }
0x76: {  	_ =	shalt  }
0x77: {  	_ =	shalt  }
0x78: {  	_ =	shalt  }
0x79: {  	_ =	shalt  }
0x7a: {  	_ =	shalt  }
0x7b: {  	_ =	shalt  }
0x7c: {  	_ =	shalt  }
0x7d: {  	_ =	shalt  }
0x7e: {  	_ =	shalt  }
0x7f: {  	_ =	shalt  }
0x80: {  	_ =	shalt  }
0x81: {  	_ =	shalt  }
0x82: {  	_ =	shalt  }
0x83: {  	_ =	shalt  }
0x84: {  	_ =	shalt  }
0x85: {  	_ =	shalt  }
0x86: {  	_ =	shalt  }
0x87: {  	_ =	shalt  }
.Lfunc_end0:
.L_simem_size_0:
called_computation.2_lowered:
.L_overlay_start_0:
0x88: {  	s2 =	sld [smem:$0x3FD9]  }
0x89: {  	s3 =	sld [smem:$0x3FFE];
	_ =	sdelay $0x1  }
0x8a: {  	s1 =	srdreg.scid  }
0x8b: {  	s0 =	sand.u32 $0x1, s1  }
0x8c: {  	s16 =	sshll.u32 s0, $0xA;
	s2 =	sadd.s32 s3, s2  }
0x8d: {  	s2 =	sadd.s32 s2, s16  }
0x8e: {  	[smem:$0x3FBE] =	sst s2  }
0x8f: {  	_ = 	snop  }
0x90: {  	(tm) =	ssettm $0x1  }
0x91: {  	s17 =	sld [smem:$0x3FFB];
	_ =	sdelay $0x3  }
0x92: {  	_ =	strace s17  }
0x93: {  	s2 =	sld [smem:$0x3FFC];
	_ =	sdelay $0x3  }
0x94: {  	_ =	strace s2  }
0x95: {  	s2 =	sld [smem:$0x3FFD];
	_ =	sdelay $0x3  }
0x96: {  	_ =	strace s2  }
0x97: {  	_ =	strace $0x8FFFFFFF  }
0x98: {  	s18 =	sld [smem:$0x3FDB];
	_ =	sdelay $0x1  }
0x99: {  	s19 =	simm.s32 $_scs_section_size  }
0x9a: {  	s4 =	simm.s32 $_size__tile_overlayer_lowered;
	s5 =	simm.s32 $_tile_overlayer_lowered  }
0x9b: {  	s22 =	simm.s32 $0x1BFF;
	s21 =	sshll.u32 s5, $0x1;
	s2 =	sadd.s32 s19, s18  }
0x9c: {  	s6 =	simm.s32 $0x0;
	s20 =	sshll.u32 s4, $0x1;
	s4 =	sadd.s32 s21, s2  }
0x9d: {  	[timem:s6], [sflag:s22] =	dma.local [hbm:s4], s20  }
0x9e: {  	_ =	swait.ge [sflag:s22], s20  }
0x9f: {  	s3 =	ssub.s32 $0x0, s20;
	[sflag:s22] =	ssyncset.done $0x0  }
0xa0: {  	[sflag:s22] =	ssyncadd.s32 s3;
	_ =	sdelay $0x1  }
0xa1: {  	s23 =	simm.s32 $0x1B8B  }
0xa2: {  	_ =	swait.ge [sflag:s23], $0x1  }
0xa3: {  	[sflag:s23] =	ssyncset.done $0x0  }
0xa4: {  	s25 =	simm.s32 $0x1B8E;
	s24 =	sld [smem:$0x3FFE];
	[sflag:s23] =	ssyncadd.s32 $0xFFFFFFFF  }
0xa5: {  	s26 =	simm.s32 $execute0_lowered;
	[smem:$0x3FD2] =	sst s25  }
0xa6: {  	s4 =	sshll.u32 s26, $0x1;
	_ =	strace $0x8000004C;
	[dreg:$0x1] =	wrdreg $0xFFFFFFFF  }
0xa7: {  	s28 =	simm.s32 $_size_execute0_lowered;
	s2 =	sadd.s32 s2, s4;
	[dreg:$0x0] =	wrdreg $0x0  }
0xa8: {  	s4 =	sshll.u32 s28, $0x1;
	[dreg:$0x2] =	wrdreg s2  }
0xa9: {  	[dreg:$0x3] =	wrdreg s4  }
0xaa: {  	[dreg:$0x4] =	wrdreg $0xC0  }
0xab: {  	_ =	task [dreg:s6], $0x5FFFF  }
0xac: {  	[dreg:$0x1] =	wrdreg $0xFFFFFFFF  }
0xad: {  	[dreg:$0x0] =	wrdreg $0x60  }
0xae: {  	[dreg:$0x2] =	wrdreg s24  }
0xaf: {  	[dreg:$0x3] =	wrdreg $0xCD000  }
0xb0: {  	[dreg:$0x4] =	wrdreg $0x9  }
0xb1: {  	_ =	task.clear_ibuf [dreg:s6], $0x5FFFF;
	_ =	strace $0x9000004C  }
0xb2: {  	s29 =	simm.s32 $0x9;
	_ =	strace $0x8000004E  }
0xb3: {  	_ =	swait.ge [sflag:s29], $0x1  }
0xb4: {  	[sflag:s29] =	ssyncadd.s32 $0xFFFFFFFF  }
0xb5: {  	_ =	strace $0x9000004E  }
0xb6: {  	_ =	sfence  }
0xb7: {  	s30 =	sld [smem:$0x0];
	_ =	sdelay $0x2  }
0xb8: {  	s31 =	sshll.u32 s1, $0xD;
	s1 =	sshrl.u32 s1, $0x2  }
0xb9: {  	s3 =	sand.u32 $0x4000, s31;
	s1 =	sadd.s32 s1, s30  }
0xba: {  	s0 =	sor.u32 s3, s0;
	s1 =	sshll.u32 s1, $0x11  }
0xbb: {  	s0 =	sor.u32 s1, s0  }
0xbc: {  	s0 =	sadd.s32 $0x8F2B, s0  }
0xbd: {  	[sflag:s0] =	ssyncadd.remote.s32 $0x1  }
0xbe: {  	_ =	sfence.sel $0xFFFF  }
0xbf: {  	[dreg:$0x0] =	wrdreg $0xFFFFFFFF;
	(pc) =	sbr.abs _section_cstart, $3  }
0xc0: {  	[dreg:$0x1] =	wrdreg $0xFFFFFFFF  }
0xc1: {  	_ =	task.clear_ibuf [dreg:s6], $0x2FFFF;
	_ =	strace $0x9FFFFFFF  }
0xc2: {  	(tm) =	ssettm $0x7FFFFFFF  }
0xc3: {  	_ =	shalt  }
tec
execute0_lowered:
.L_overlay_start_1:
0x0: {  	(tag) =	ssettag $0x1  }
0x1: {  	s0 =	srdreg.scid;
	s3 =	rddreg [dreg:$0x0]  }
0x2: {  	s8 =	stileid.u32;
	s2 =	rddreg [dreg:$0x1];
	s4 =	simm.s32 $0x0  }
0x3: {  	s14 =	simm.s32 $0x7D;
	s15 =	simm.s32 $0x5000;
	s17 =	simm.s32 $0x5FA0  }
0x4: {  	s19 =	simm.s32 $0x6F40;
	s25 =	simm.s32 $0x8E80;
	s26 =	simm.s32 $0xADC0  }
0x5: {  	s28 =	simm.s32 $0x4;
	s29 =	simm.s32 $0x9;
	s30 =	simm.s32 $0x6  }
0x6: {  	s31 =	simm.s32 $0xB;
	s20 =	simm.s32 $0x0;
	s0 =	sand.u32 $0x1, s0  }
0x7: {  	s5 =	smul.u32 $0x9E00, s8;
	[smem:$0x7FF] =	sst s4;
	s4 =	sadd.s32 $0x16400, s3  }
0x8: {  	s22 =	sshll.u32 s8, $0x6;
	s1 =	sshll.u32 s0, $0x4;
	s6 =	smul.u32 $0x9E000, s0  }
0x9: {  	_ =	strace $0x8000004D;
	s0 =	ssub.s32 $0x2, s0;
	[dreg:$0x3] =	wrdreg s25  }
0xa: {  	[dreg:$0x4] =	wrdreg s26;
	s25 =	simm.s32 $0x3;
	s26 =	simm.s32 $0xBD60  }
0xb: {  	s1 =	sor.u32 s8, s1;
	s7 =	sshrl.u32 s5, $0x4;
	s21 =	sshrl.u32 s0, $0x1  }
0xc: {  	s1 =	smul.u32 $0x2800, s1;
	s6 =	sadd.s32 s5, s6;
	s7 =	sadd.s32 s7, s3  }
0xd: {  	s5 =	sshrl.u32 s5, $0x1;
	s0 =	ssub.s32 s0, s21;
	s7 =	sadd.s32 $0x2CC00, s7  }
0xe: {  	s21 =	simm.s32 $0x7EE0;
	s0 =	smax.u32 s0, $0x1;
	[dreg:$0x5] =	wrdreg s7  }
0xf: {  	s6 =	sshrl.u32 s6, $0x4;
	s1 =	sshrl.u32 s1, $0x3;
	[dreg:$0xa] =	wrdreg s0  }
0x10: {  	s1 =	sadd.s32 s1, s3;
	s3 =	sadd.s32 s6, s3;
	s6 =	sor.u32 $0x1C11, s22  }
0x11: {  	s5 =	sadd.s32 s5, s2;
	s23 =	sadd.s32 $0x2400, s1;
	[dreg:$0x6] =	wrdreg s6  }
0x12: {  	s22 =	simm.s32 $0x1;
	s1 =	sadd.s32 $0xC400, s1;
	[dreg:$0x7] =	wrdreg s23  }
0x13: {  	s24 =	sadd.s32 $0x36A00, s3;
	s3 =	sshrl.u32 s5, $0x3;
	[dreg:$0x8] =	wrdreg s1  }
0x14: {  	s5 =	simm.s32 $0x11;
	[dreg:$0x9] =	wrdreg s24;
	s23 =	simm.s32 $0x9E20  }
0x15: {  	s24 =	simm.s32 $0x2;
	s1 =	simm.s32 $0x8;
	[dreg:$0xb] =	wrdreg s3  }
.LBB2_1:
0x16: {  	s0 =	rddreg [dreg:$0x5]  }
0x17: {  	[spmem:s3], [sflag:s6] =	dma.local [hbm:s0], $0x9E0  }
0x18: {  	_ =	swait.ge [sflag:s5], $0x9E0  }
0x19: {  	[sflag:s5] =	ssyncset.done $0x0  }
0x1a: {  	s10 =	simm.s32 $0x0;
	s11 =	rddreg [dreg:$0x7];
	[sflag:s5] =	ssyncadd.s32 $0xFFFFF620  }
0x1b: {  	[tilespmem:s10], [sflag:$0x11] =	stream.linear.gather [hbm4b:s11+s10], $0x2800, $0x38;
	[tilespmem:$0x11C00] =	vst v63  }
0x1c: {  	_ =	swait.ge [sflag:s5], $0x2800  }
0x1d: {  	[sflag:s5] =	ssyncset.done $0x0  }
0x1e: {  	s13 =	simm.s32 $0x2800;
	s12 =	rddreg [dreg:$0x8];
	[sflag:s5] =	ssyncadd.s32 $0xFFFFD800  }
0x1f: {  	[tilespmem:s13], [sflag:$0x11] =	stream.linear.gather [hbm4b:s12+s10], $0x2800, $0x38;
	[tilespmem:$0x11C00] =	vst v63  }
0x20: {  	_ =	swait.ge [sflag:s5], $0x2800  }
0x21: {  	[sflag:s5] =	ssyncset.done $0x0  }
0x22: {  	[sflag:s5] =	ssyncadd.s32 $0xFFFFD800  }
0x23: {  	[bflag:$0x0] =	sbarrier.arrive $0xFFFF  }
0x24: {  	[tilespmem:s15], [sflag:$0x1] =	stream.indirect.gather [hbm4b:s4+s14], $0x20, s10, s14, $0xb8;
	[tilespmem:$0x11C00] =	vst v63  }
0x25: {  	s16 =	simm.s32 $0x80  }
0x26: {  	[tilespmem:s17], [sflag:$0x2] =	stream.indirect.gather [hbm4b:s4+s14], $0x20, s16, s14, $0xb8;
	[tilespmem:$0x11C00] =	vst v63  }
0x27: {  	s18 =	simm.s32 $0x100;
	p0 =	por $0x1, $0x1  }
0x28: {  	[tilespmem:s19], [sflag:$0x3] =	stream.indirect.gather [hbm4b:s4+s14], $0x20, s18, s14, $0xb8;
	[tilespmem:$0x11C00] =	vst v63  }
0x29: {  	s3 =	simm.s32 $0x180;
	s0 =	simm.s32 @!p0 $0xD  }
0x2a: {  	[tilespmem:s21], [sflag:$0x4] =	stream.indirect.gather [hbm4b:s4+s14], $0x20, s3, s14, $0xb8;
	[tilespmem:$0x11C00] =	vst v63  }
0x2b: {  	_ =	swait.ge @!p0 [sflag:s0], $0xFA0  }
0x2c: {  	[sflag:s0] =	ssyncset.done @!p0 $0x0  }
0x2d: {  	s6 =	simm.s32 $0x200;
	s5 =	rddreg [dreg:$0x3];
	[sflag:s0] =	ssyncadd.s32 @!p0 $0xFFFFF060  }
0x2e: {  	[tilespmem:s5], [sflag:$0x5] =	stream.indirect.gather [hbm4b:s4+s14], $0x20, s6, s14, $0xb8;
	[tilespmem:$0x11C00] =	vst v63  }
0x2f: {  	_ =	swait.ge [sflag:s22], $0xFA0  }
0x30: {  	[sflag:s22] =	ssyncset.done $0x0  }
0x31: {  	s7 =	simm.s32 $0x2800;
	s3 =	simm.s32 @!p0 $0xE;
	[sflag:s22] =	ssyncadd.s32 $0xFFFFF060  }
0x32: {  	[spmem:s2] =	stream.indirect.scatter.add.bf16 [tilespmem:s15], [sflag:$0x9], $0x20, s7, s14, $0xb8;
	[tilespmem:$0x11C00] =	vst v63  }
0x33: {  	_ =	swait.ge @!p0 [sflag:s3], $0xFA0  }
0x34: {  	[sflag:s3] =	ssyncset.done @!p0 $0x0  }
0x35: {  	s8 =	simm.s32 $0x280;
	[sflag:s3] =	ssyncadd.s32 @!p0 $0xFFFFF060  }
0x36: {  	[tilespmem:s23], [sflag:$0x6] =	stream.indirect.gather [hbm4b:s4+s14], $0x20, s8, s14, $0xb8;
	[tilespmem:$0x11C00] =	vst v63  }
0x37: {  	_ =	swait.ge [sflag:s24], $0xFA0  }
0x38: {  	[sflag:s24] =	ssyncset.done $0x0  }
0x39: {  	s9 =	simm.s32 $0x2880;
	s3 =	simm.s32 @!p0 $0xF;
	[sflag:s24] =	ssyncadd.s32 $0xFFFFF060  }
0x3a: {  	[spmem:s2] =	stream.indirect.scatter.add.bf16 [tilespmem:s17], [sflag:$0xA], $0x20, s9, s14, $0xb8;
	[tilespmem:$0x11C00] =	vst v63  }
0x3b: {  	_ =	swait.ge @!p0 [sflag:s3], $0xFA0  }
0x3c: {  	[sflag:s3] =	ssyncset.done @!p0 $0x0  }
0x3d: {  	s11 =	simm.s32 $0x300;
	s10 =	rddreg [dreg:$0x4];
	[sflag:s3] =	ssyncadd.s32 @!p0 $0xFFFFF060  }
0x3e: {  	[tilespmem:s10], [sflag:$0x7] =	stream.indirect.gather [hbm4b:s4+s14], $0x20, s11, s14, $0xb8;
	[tilespmem:$0x11C00] =	vst v63  }
0x3f: {  	_ =	swait.ge [sflag:s25], $0xFA0  }
0x40: {  	[sflag:s25] =	ssyncset.done $0x0  }
0x41: {  	s12 =	simm.s32 $0x2900;
	s3 =	simm.s32 @!p0 $0x10;
	[sflag:s25] =	ssyncadd.s32 $0xFFFFF060  }
0x42: {  	[spmem:s2] =	stream.indirect.scatter.add.bf16 [tilespmem:s19], [sflag:$0xB], $0x20, s12, s14, $0xb8;
	[tilespmem:$0x11C00] =	vst v63  }
0x43: {  	_ =	swait.ge @!p0 [sflag:s3], $0xFA0  }
0x44: {  	[sflag:s3] =	ssyncset.done @!p0 $0x0  }
0x45: {  	s13 =	simm.s32 $0x380;
	[sflag:s3] =	ssyncadd.s32 @!p0 $0xFFFFF060  }
0x46: {  	[tilespmem:s26], [sflag:$0x8] =	stream.indirect.gather [hbm4b:s4+s14], $0x20, s13, s14, $0xb8;
	[tilespmem:$0x11C00] =	vst v63  }
0x47: {  	_ =	swait.ge [sflag:s28], $0xFA0  }
0x48: {  	[sflag:s28] =	ssyncset.done $0x0  }
0x49: {  	s16 =	simm.s32 $0x2980;
	[sflag:s28] =	ssyncadd.s32 $0xFFFFF060  }
0x4a: {  	[spmem:s2] =	stream.indirect.scatter.add.bf16 [tilespmem:s21], [sflag:$0xC], $0x20, s16, s14, $0xb8;
	[tilespmem:$0x11C00] =	vst v63  }
0x4b: {  	_ =	swait.ge [sflag:s29], $0xFA0  }
0x4c: {  	p0 =	por $0x0, $0x0;
	[sflag:s29] =	ssyncset.done $0x0  }
0x4d: {  	s0 =	simm.s32 @p0 $0x5;
	[sflag:s29] =	ssyncadd.s32 $0xFFFFF060  }
0x4e: {  	_ =	swait.ge @p0 [sflag:s0], $0xFA0  }
0x4f: {  	s3 =	simm.s32 @p0 $0x2A00;
	s5 =	simm.s32 @p0 $0xA;
	[sflag:s0] =	ssyncset.done @p0 $0x0  }
0x50: {  	s7 =	simm.s32 @p0 $0x8E80;
	[sflag:s0] =	ssyncadd.s32 @p0 $0xFFFFF060;
	s0 =	simm.s32 @p0 $0x7D  }
0x51: {  	[spmem:s2] =	stream.indirect.scatter.add.bf16 @p0 [tilespmem:s7], [sflag:$0xD], $0x20, s3, s0, $0xb8;
	[tilespmem:$0x11C00] =	vst v63  }
0x52: {  	_ =	swait.ge @p0 [sflag:s5], $0xFA0  }
0x53: {  	s3 =	simm.s32 @!p0 $0x400;
	[sflag:s5] =	ssyncset.done @p0 $0x0  }
0x54: {  	s7 =	simm.s32 @!p0 $0x5000;
	[sflag:s5] =	ssyncadd.s32 @p0 $0xFFFFF060;
	s5 =	simm.s32 @!p0 $0x7D  }
0x55: {  	[tilespmem:s7], [sflag:$0x1] =	stream.indirect.gather @!p0 [hbm4b:s4+s5], $0x20, s3, s5, $0xb8;
	[tilespmem:$0x11C00] =	vst v63  }
0x56: {  	s3 =	simm.s32 @!p0 $0x5  }
0x57: {  	_ =	swait.ge @!p0 [sflag:s3], $0xFA0  }
0x58: {  	[sflag:s3] =	ssyncset.done @!p0 $0x0  }
0x59: {  	s7 =	simm.s32 @!p0 $0x2A00;
	[sflag:s3] =	ssyncadd.s32 @!p0 $0xFFFFF060;
	s3 =	simm.s32 @!p0 $0x8E80  }
0x5a: {  	[spmem:s2] =	stream.indirect.scatter.add.bf16 @!p0 [tilespmem:s3], [sflag:$0xD], $0x20, s7, s5, $0xb8;
	[tilespmem:$0x11C00] =	vst v63  }
0x5b: {  	s3 =	simm.s32 @!p0 $0xA  }
0x5c: {  	_ =	swait.ge @!p0 [sflag:s3], $0xFA0  }
0x5d: {  	[sflag:s3] =	ssyncset.done @!p0 $0x0  }
0x5e: {  	s7 =	simm.s32 @!p0 $0x480;
	[sflag:s3] =	ssyncadd.s32 @!p0 $0xFFFFF060;
	s3 =	simm.s32 @!p0 $0x5FA0  }
0x5f: {  	[tilespmem:s3], [sflag:$0x2] =	stream.indirect.gather @!p0 [hbm4b:s4+s5], $0x20, s7, s5, $0xb8;
	[tilespmem:$0x11C00] =	vst v63  }
0x60: {  	_ =	swait.ge [sflag:s30], $0xFA0  }
0x61: {  	[sflag:s30] =	ssyncset.done $0x0  }
0x62: {  	s18 =	simm.s32 $0x2A80;
	[sflag:s30] =	ssyncadd.s32 $0xFFFFF060  }
0x63: {  	[spmem:s2] =	stream.indirect.scatter.add.bf16 [tilespmem:s23], [sflag:$0xE], $0x20, s18, s14, $0xb8;
	[tilespmem:$0x11C00] =	vst v63  }
0x64: {  	_ =	swait.ge [sflag:s31], $0xFA0  }
0x65: {  	[sflag:s31] =	ssyncset.done $0x0  }
0x66: {  	s3 =	simm.s32 @p0 $0x7;
	[sflag:s31] =	ssyncadd.s32 $0xFFFFF060  }
0x67: {  	_ =	swait.ge @p0 [sflag:s3], $0xFA0  }
0x68: {  	[sflag:s3] =	ssyncset.done @p0 $0x0  }
0x69: {  	s7 =	simm.s32 @p0 $0x2B00;
	[sflag:s3] =	ssyncadd.s32 @p0 $0xFFFFF060;
	s3 =	simm.s32 @p0 $0xADC0  }
0x6a: {  	[spmem:s2] =	stream.indirect.scatter.add.bf16 @p0 [tilespmem:s3], [sflag:$0xF], $0x20, s7, s0, $0xb8;
	[tilespmem:$0x11C00] =	vst v63  }
0x6b: {  	s0 =	simm.s32 @p0 $0xC  }
0x6c: {  	_ =	swait.ge @p0 [sflag:s0], $0xFA0  }
0x6d: {  	[sflag:s0] =	ssyncset.done @p0 $0x0  }
0x6e: {  	s3 =	simm.s32 @!p0 $0x500;
	[sflag:s0] =	ssyncadd.s32 @p0 $0xFFFFF060;
	s0 =	simm.s32 @!p0 $0x6F40  }
0x6f: {  	[tilespmem:s0], [sflag:$0x3] =	stream.indirect.gather @!p0 [hbm4b:s4+s5], $0x20, s3, s5, $0xb8;
	[tilespmem:$0x11C00] =	vst v63  }
0x70: {  	s0 =	simm.s32 @!p0 $0x7  }
0x71: {  	_ =	swait.ge @!p0 [sflag:s0], $0xFA0  }
0x72: {  	[sflag:s0] =	ssyncset.done @!p0 $0x0  }
0x73: {  	s3 =	simm.s32 @!p0 $0x2B00;
	[sflag:s0] =	ssyncadd.s32 @!p0 $0xFFFFF060;
	s0 =	simm.s32 @!p0 $0xADC0  }
0x74: {  	[spmem:s2] =	stream.indirect.scatter.add.bf16 @!p0 [tilespmem:s0], [sflag:$0xF], $0x20, s3, s5, $0xb8;
	[tilespmem:$0x11C00] =	vst v63  }
0x75: {  	s0 =	simm.s32 @!p0 $0xC  }
0x76: {  	_ =	swait.ge @!p0 [sflag:s0], $0xFA0  }
0x77: {  	[sflag:s0] =	ssyncset.done @!p0 $0x0  }
0x78: {  	s3 =	simm.s32 @!p0 $0x580;
	[sflag:s0] =	ssyncadd.s32 @!p0 $0xFFFFF060;
	s0 =	simm.s32 @!p0 $0x7EE0  }
0x79: {  	[tilespmem:s0], [sflag:$0x4] =	stream.indirect.gather @!p0 [hbm4b:s4+s5], $0x20, s3, s5, $0xb8;
	[tilespmem:$0x11C00] =	vst v63  }
0x7a: {  	p1 =	por $0x0, $0x0;
	s7 =	simm.s32 $0x2000;
	_ =	swait.ge [sflag:s1], $0xFA0  }
0x7b: {  	s5 =	simm.s32 $0x1000;
	s0 =	simm.s32 $0x2B80;
	[sflag:s1] =	ssyncset.done $0x0  }
.LBB2_2:
0x7c: {  	s3 =	simm.s32 @!p1 $0xD;
	[sflag:s1] =	ssyncadd.s32 $0xFFFFF060  }
0x7d: {  	[spmem:s2] =	stream.indirect.scatter.add.bf16 [tilespmem:s26], [sflag:$0x10], $0x20, s0, s14, $0xb8;
	[tilespmem:$0x11C00] =	vst v63  }
0x7e: {  	_ =	swait.ge @!p1 [sflag:s3], $0xFA0  }
0x7f: {  	s8 =	sshra.s32 s5, $0x2;
	[sflag:s3] =	ssyncset.done @!p1 $0x0  }
0x80: {  	s16 =	sadd.s32 $0x200, s8;
	s13 =	rddreg [dreg:$0x3];
	[sflag:s3] =	ssyncadd.s32 @!p1 $0xFFFFF060  }
0x81: {  	[tilespmem:s13], [sflag:$0x5] =	stream.indirect.gather [hbm4b:s4+s14], $0x20, s16, s14, $0xb8;
	[tilespmem:$0x11C00] =	vst v63  }
0x82: {  	_ =	swait.ge [sflag:s22], $0xFA0  }
0x83: {  	[sflag:s22] =	ssyncset.done $0x0  }
0x84: {  	s18 =	sadd.s32 $0x2800, s8;
	s3 =	simm.s32 @!p1 $0xE;
	[sflag:s22] =	ssyncadd.s32 $0xFFFFF060  }
0x85: {  	[spmem:s2] =	stream.indirect.scatter.add.bf16 [tilespmem:s15], [sflag:$0x9], $0x20, s18, s14, $0xb8;
	[tilespmem:$0x11C00] =	vst v63  }
0x86: {  	_ =	swait.ge @!p1 [sflag:s3], $0xFA0  }
0x87: {  	[sflag:s3] =	ssyncset.done @!p1 $0x0  }
0x88: {  	[sflag:s3] =	ssyncadd.s32 @!p1 $0xFFFFF060;
	s3 =	sadd.s32 $0x280, s8  }
0x89: {  	[tilespmem:s23], [sflag:$0x6] =	stream.indirect.gather [hbm4b:s4+s14], $0x20, s3, s14, $0xb8;
	[tilespmem:$0x11C00] =	vst v63  }
0x8a: {  	_ =	swait.ge [sflag:s24], $0xFA0  }
0x8b: {  	[sflag:s24] =	ssyncset.done $0x0  }
0x8c: {  	s6 =	sadd.s32 $0x2880, s8;
	s3 =	simm.s32 @!p1 $0xF;
	[sflag:s24] =	ssyncadd.s32 $0xFFFFF060  }
0x8d: {  	[spmem:s2] =	stream.indirect.scatter.add.bf16 [tilespmem:s17], [sflag:$0xA], $0x20, s6, s14, $0xb8;
	[tilespmem:$0x11C00] =	vst v63  }
0x8e: {  	_ =	swait.ge @!p1 [sflag:s3], $0xFA0  }
0x8f: {  	[sflag:s3] =	ssyncset.done @!p1 $0x0  }
0x90: {  	s11 =	sadd.s32 $0x300, s8;
	s10 =	rddreg [dreg:$0x4];
	[sflag:s3] =	ssyncadd.s32 @!p1 $0xFFFFF060  }
0x91: {  	[tilespmem:s10], [sflag:$0x7] =	stream.indirect.gather [hbm4b:s4+s14], $0x20, s11, s14, $0xb8;
	[tilespmem:$0x11C00] =	vst v63  }
0x92: {  	_ =	swait.ge [sflag:s25], $0xFA0  }
0x93: {  	[sflag:s25] =	ssyncset.done $0x0  }
0x94: {  	s12 =	sadd.s32 $0x2900, s8;
	s3 =	simm.s32 @!p1 $0x10;
	[sflag:s25] =	ssyncadd.s32 $0xFFFFF060  }
0x95: {  	[spmem:s2] =	stream.indirect.scatter.add.bf16 [tilespmem:s19], [sflag:$0xB], $0x20, s12, s14, $0xb8;
	[tilespmem:$0x11C00] =	vst v63  }
0x96: {  	_ =	swait.ge @!p1 [sflag:s3], $0xFA0  }
0x97: {  	[sflag:s3] =	ssyncset.done @!p1 $0x0  }
0x98: {  	s13 =	sadd.s32 $0x380, s8;
	[sflag:s3] =	ssyncadd.s32 @!p1 $0xFFFFF060  }
0x99: {  	[tilespmem:s26], [sflag:$0x8] =	stream.indirect.gather [hbm4b:s4+s14], $0x20, s13, s14, $0xb8;
	[tilespmem:$0x11C00] =	vst v63  }
0x9a: {  	_ =	swait.ge [sflag:s28], $0xFA0  }
0x9b: {  	[sflag:s28] =	ssyncset.done $0x0  }
0x9c: {  	s16 =	sadd.s32 $0x2980, s8;
	[sflag:s28] =	ssyncadd.s32 $0xFFFFF060  }
0x9d: {  	[spmem:s2] =	stream.indirect.scatter.add.bf16 [tilespmem:s21], [sflag:$0xC], $0x20, s16, s14, $0xb8;
	[tilespmem:$0x11C00] =	vst v63  }
0x9e: {  	_ =	swait.ge [sflag:s29], $0xFA0  }
0x9f: {  	s9 =	smov.u32 s7;
	p1 =	seq.s32 s5, $0x9000;
	[sflag:s29] =	ssyncset.done $0x0  }
0xa0: {  	s0 =	simm.s32 @p1 $0x5;
	s3 =	sshra.s32 @p1 s5, $0x2;
	[sflag:s29] =	ssyncadd.s32 $0xFFFFF060  }
0xa1: {  	s5 =	sshra.s32 @!p1 s5, $0x2;
	s13 =	simm.s32 @p1 $0xA;
	_ =	swait.ge @p1 [sflag:s0], $0xFA0  }
0xa2: {  	s18 =	simm.s32 @p1 $0x8E80;
	s11 =	simm.s32 @!p1 $0x5;
	[sflag:s0] =	ssyncset.done @p1 $0x0  }
0xa3: {  	s10 =	sadd.s32 @p1 $0x2A00, s3;
	[sflag:s0] =	ssyncadd.s32 @p1 $0xFFFFF060;
	s0 =	simm.s32 @p1 $0x7D  }
0xa4: {  	[spmem:s2] =	stream.indirect.scatter.add.bf16 @p1 [tilespmem:s18], [sflag:$0xD], $0x20, s10, s0, $0xb8;
	[tilespmem:$0x11C00] =	vst v63  }
0xa5: {  	s6 =	sadd.s32 @!p1 $0x480, s5;
	s12 =	sadd.s32 @p1 $0x2B00, s3;
	_ =	swait.ge @p1 [sflag:s13], $0xFA0  }
0xa6: {  	s3 =	simm.s32 @!p1 $0x5000;
	s16 =	sadd.s32 @!p1 $0x400, s5;
	[sflag:s13] =	ssyncset.done @p1 $0x0  }
0xa7: {  	s18 =	sadd.s32 @!p1 $0x2A00, s5;
	s10 =	simm.s32 @!p1 $0x7D;
	[sflag:s13] =	ssyncadd.s32 @p1 $0xFFFFF060  }
0xa8: {  	[tilespmem:s3], [sflag:$0x1] =	stream.indirect.gather @!p1 [hbm4b:s4+s10], $0x20, s16, s10, $0xb8;
	[tilespmem:$0x11C00] =	vst v63  }
0xa9: {  	s13 =	sadd.s32 @!p1 $0x2B00, s5;
	s16 =	sadd.s32 @!p1 $0x500, s5;
	_ =	swait.ge @!p1 [sflag:s11], $0xFA0  }
0xaa: {  	s3 =	sadd.s32 @!p1 $0x580, s5;
	s5 =	smov.u32 s9;
	[sflag:s11] =	ssyncset.done @!p1 $0x0  }
0xab: {  	s9 =	simm.s32 @!p1 $0x8E80;
	[sflag:s11] =	ssyncadd.s32 @!p1 $0xFFFFF060;
	s11 =	simm.s32 @!p1 $0xA  }
0xac: {  	[spmem:s2] =	stream.indirect.scatter.add.bf16 @!p1 [tilespmem:s9], [sflag:$0xD], $0x20, s18, s10, $0xb8;
	[tilespmem:$0x11C00] =	vst v63  }
0xad: {  	_ =	swait.ge @!p1 [sflag:s11], $0xFA0  }
0xae: {  	[sflag:s11] =	ssyncset.done @!p1 $0x0  }
0xaf: {  	s9 =	simm.s32 @!p1 $0x5FA0;
	[sflag:s11] =	ssyncadd.s32 @!p1 $0xFFFFF060  }
0xb0: {  	[tilespmem:s9], [sflag:$0x2] =	stream.indirect.gather @!p1 [hbm4b:s4+s10], $0x20, s6, s10, $0xb8;
	[tilespmem:$0x11C00] =	vst v63  }
0xb1: {  	_ =	swait.ge [sflag:s30], $0xFA0  }
0xb2: {  	[sflag:s30] =	ssyncset.done $0x0  }
0xb3: {  	s18 =	sadd.s32 $0x2A80, s8;
	[sflag:s30] =	ssyncadd.s32 $0xFFFFF060  }
0xb4: {  	[spmem:s2] =	stream.indirect.scatter.add.bf16 [tilespmem:s23], [sflag:$0xE], $0x20, s18, s14, $0xb8;
	[tilespmem:$0x11C00] =	vst v63  }
0xb5: {  	_ =	swait.ge [sflag:s31], $0xFA0  }
0xb6: {  	[sflag:s31] =	ssyncset.done $0x0  }
0xb7: {  	s6 =	simm.s32 @p1 $0x7;
	[sflag:s31] =	ssyncadd.s32 $0xFFFFF060  }
0xb8: {  	_ =	swait.ge @p1 [sflag:s6], $0xFA0  }
0xb9: {  	[sflag:s6] =	ssyncset.done @p1 $0x0  }
0xba: {  	s9 =	simm.s32 @p1 $0xC;
	[sflag:s6] =	ssyncadd.s32 @p1 $0xFFFFF060;
	s6 =	simm.s32 @p1 $0xADC0  }
0xbb: {  	[spmem:s2] =	stream.indirect.scatter.add.bf16 @p1 [tilespmem:s6], [sflag:$0xF], $0x20, s12, s0, $0xb8;
	[tilespmem:$0x11C00] =	vst v63  }
0xbc: {  	_ =	swait.ge @p1 [sflag:s9], $0xFA0  }
0xbd: {  	[sflag:s9] =	ssyncset.done @p1 $0x0  }
0xbe: {  	s0 =	simm.s32 @!p1 $0x6F40;
	s6 =	simm.s32 @!p1 $0x7;
	[sflag:s9] =	ssyncadd.s32 @p1 $0xFFFFF060  }
0xbf: {  	[tilespmem:s0], [sflag:$0x3] =	stream.indirect.gather @!p1 [hbm4b:s4+s10], $0x20, s16, s10, $0xb8;
	[tilespmem:$0x11C00] =	vst v63  }
0xc0: {  	_ =	swait.ge @!p1 [sflag:s6], $0xFA0  }
0xc1: {  	s7 =	sadd.s32 $0x1000, s7;
	[sflag:s6] =	ssyncset.done @!p1 $0x0  }
0xc2: {  	s0 =	simm.s32 @!p1 $0xADC0;
	[sflag:s6] =	ssyncadd.s32 @!p1 $0xFFFFF060;
	s6 =	simm.s32 @!p1 $0xC  }
0xc3: {  	[spmem:s2] =	stream.indirect.scatter.add.bf16 @!p1 [tilespmem:s0], [sflag:$0xF], $0x20, s13, s10, $0xb8;
	[tilespmem:$0x11C00] =	vst v63  }
0xc4: {  	p0 =	sne.s32 s7, $0xA000;
	_ =	swait.ge @!p1 [sflag:s6], $0xFA0  }
.Ltmp0:
0xc5: {  	[sflag:s6] =	ssyncset.done @!p1 $0x0;
	(pc) =	sbr.rel @p0 .LBB2_2-.Ltmp0, $4  }
0xc6: {  	s0 =	simm.s32 @!p1 $0x7EE0;
	[sflag:s6] =	ssyncadd.s32 @!p1 $0xFFFFF060  }
0xc7: {  	[tilespmem:s0], [sflag:$0x4] =	stream.indirect.gather @!p1 [hbm4b:s4+s10], $0x20, s3, s10, $0xb8;
	[tilespmem:$0x11C00] =	vst v63  }
0xc8: {  	_ =	swait.ge [sflag:s1], $0xFA0  }
0xc9: {  	p1 =	seq.s32 s5, $0x0;
	s0 =	sadd.s32 $0x2B80, s8;
	[sflag:s1] =	ssyncset.done $0x0  }
0xca: {  	s3 =	simm.s32 @!p1 $0xD;
	[sflag:s1] =	ssyncadd.s32 $0xFFFFF060  }
0xcb: {  	[spmem:s2] =	stream.indirect.scatter.add.bf16 [tilespmem:s26], [sflag:$0x10], $0x20, s0, s14, $0xb8;
	[tilespmem:$0x11C00] =	vst v63  }
0xcc: {  	_ =	swait.ge @!p1 [sflag:s3], $0xFA0  }
0xcd: {  	s7 =	sshra.s32 s5, $0x2;
	[sflag:s3] =	ssyncset.done @!p1 $0x0  }
0xce: {  	s18 =	sadd.s32 $0x200, s7;
	s16 =	rddreg [dreg:$0x3];
	[sflag:s3] =	ssyncadd.s32 @!p1 $0xFFFFF060  }
0xcf: {  	[tilespmem:s16], [sflag:$0x5] =	stream.indirect.gather [hbm4b:s4+s14], $0x20, s18, s14, $0xb8;
	[tilespmem:$0x11C00] =	vst v63  }
0xd0: {  	_ =	swait.ge [sflag:s22], $0xFA0  }
0xd1: {  	[sflag:s22] =	ssyncset.done $0x0  }
0xd2: {  	s6 =	sadd.s32 $0x2800, s7;
	s3 =	simm.s32 @!p1 $0xE;
	[sflag:s22] =	ssyncadd.s32 $0xFFFFF060  }
0xd3: {  	[spmem:s2] =	stream.indirect.scatter.add.bf16 [tilespmem:s15], [sflag:$0x9], $0x20, s6, s14, $0xb8;
	[tilespmem:$0x11C00] =	vst v63  }
0xd4: {  	_ =	swait.ge @!p1 [sflag:s3], $0xFA0  }
0xd5: {  	[sflag:s3] =	ssyncset.done @!p1 $0x0  }
0xd6: {  	s8 =	sadd.s32 $0x280, s7;
	[sflag:s3] =	ssyncadd.s32 @!p1 $0xFFFFF060  }
0xd7: {  	[tilespmem:s23], [sflag:$0x6] =	stream.indirect.gather [hbm4b:s4+s14], $0x20, s8, s14, $0xb8;
	[tilespmem:$0x11C00] =	vst v63  }
0xd8: {  	_ =	swait.ge [sflag:s24], $0xFA0  }
0xd9: {  	[sflag:s24] =	ssyncset.done $0x0  }
0xda: {  	s9 =	sadd.s32 $0x2880, s7;
	s3 =	simm.s32 @!p1 $0xF;
	[sflag:s24] =	ssyncadd.s32 $0xFFFFF060  }
0xdb: {  	[spmem:s2] =	stream.indirect.scatter.add.bf16 [tilespmem:s17], [sflag:$0xA], $0x20, s9, s14, $0xb8;
	[tilespmem:$0x11C00] =	vst v63  }
0xdc: {  	_ =	swait.ge @!p1 [sflag:s3], $0xFA0  }
0xdd: {  	[sflag:s3] =	ssyncset.done @!p1 $0x0  }
0xde: {  	s11 =	sadd.s32 $0x300, s7;
	s10 =	rddreg [dreg:$0x4];
	[sflag:s3] =	ssyncadd.s32 @!p1 $0xFFFFF060  }
0xdf: {  	[tilespmem:s10], [sflag:$0x7] =	stream.indirect.gather [hbm4b:s4+s14], $0x20, s11, s14, $0xb8;
	[tilespmem:$0x11C00] =	vst v63  }
0xe0: {  	_ =	swait.ge [sflag:s25], $0xFA0  }
0xe1: {  	[sflag:s25] =	ssyncset.done $0x0  }
0xe2: {  	s12 =	sadd.s32 $0x2900, s7;
	s3 =	simm.s32 @!p1 $0x10;
	[sflag:s25] =	ssyncadd.s32 $0xFFFFF060  }
0xe3: {  	[spmem:s2] =	stream.indirect.scatter.add.bf16 [tilespmem:s19], [sflag:$0xB], $0x20, s12, s14, $0xb8;
	[tilespmem:$0x11C00] =	vst v63  }
0xe4: {  	_ =	swait.ge @!p1 [sflag:s3], $0xFA0  }
0xe5: {  	[sflag:s3] =	ssyncset.done @!p1 $0x0  }
0xe6: {  	s13 =	sadd.s32 $0x380, s7;
	[sflag:s3] =	ssyncadd.s32 @!p1 $0xFFFFF060  }
0xe7: {  	[tilespmem:s26], [sflag:$0x8] =	stream.indirect.gather [hbm4b:s4+s14], $0x20, s13, s14, $0xb8;
	[tilespmem:$0x11C00] =	vst v63  }
0xe8: {  	_ =	swait.ge [sflag:s28], $0xFA0  }
0xe9: {  	[sflag:s28] =	ssyncset.done $0x0  }
0xea: {  	s16 =	sadd.s32 $0x2980, s7;
	[sflag:s28] =	ssyncadd.s32 $0xFFFFF060  }
0xeb: {  	[spmem:s2] =	stream.indirect.scatter.add.bf16 [tilespmem:s21], [sflag:$0xC], $0x20, s16, s14, $0xb8;
	[tilespmem:$0x11C00] =	vst v63  }
0xec: {  	_ =	swait.ge [sflag:s29], $0xFA0  }
0xed: {  	p0 =	seq.s32 s5, $0x9000;
	[sflag:s29] =	ssyncset.done $0x0  }
0xee: {  	s0 =	simm.s32 @p0 $0x5;
	[sflag:s29] =	ssyncadd.s32 $0xFFFFF060  }
0xef: {  	s8 =	simm.s32 @p0 $0xA;
	_ =	swait.ge @p0 [sflag:s0], $0xFA0  }
0xf0: {  	s9 =	simm.s32 @p0 $0x8E80;
	s3 =	sshra.s32 @p0 s5, $0x2;
	[sflag:s0] =	ssyncset.done @p0 $0x0  }
0xf1: {  	s6 =	sadd.s32 @p0 $0x2A00, s3;
	[sflag:s0] =	ssyncadd.s32 @p0 $0xFFFFF060;
	s0 =	simm.s32 @p0 $0x7D  }
0xf2: {  	[spmem:s2] =	stream.indirect.scatter.add.bf16 @p0 [tilespmem:s9], [sflag:$0xD], $0x20, s6, s0, $0xb8;
	[tilespmem:$0x11C00] =	vst v63  }
0xf3: {  	s5 =	sshra.s32 @!p0 s5, $0x2;
	_ =	swait.ge @p0 [sflag:s8], $0xFA0  }
0xf4: {  	s6 =	sadd.s32 @!p0 $0x400, s5;
	[sflag:s8] =	ssyncset.done @p0 $0x0  }
0xf5: {  	s9 =	simm.s32 @!p0 $0x5000;
	[sflag:s8] =	ssyncadd.s32 @p0 $0xFFFFF060;
	s8 =	simm.s32 @!p0 $0x7D  }
0xf6: {  	[tilespmem:s9], [sflag:$0x1] =	stream.indirect.gather @!p0 [hbm4b:s4+s8], $0x20, s6, s8, $0xb8;
	[tilespmem:$0x11C00] =	vst v63  }
0xf7: {  	s6 =	simm.s32 @!p0 $0x5  }
0xf8: {  	_ =	swait.ge @!p0 [sflag:s6], $0xFA0  }
0xf9: {  	[sflag:s6] =	ssyncset.done @!p0 $0x0  }
0xfa: {  	s9 =	sadd.s32 @!p0 $0x2A00, s5;
	[sflag:s6] =	ssyncadd.s32 @!p0 $0xFFFFF060;
	s6 =	simm.s32 @!p0 $0x8E80  }
0xfb: {  	[spmem:s2] =	stream.indirect.scatter.add.bf16 @!p0 [tilespmem:s6], [sflag:$0xD], $0x20, s9, s8, $0xb8;
	[tilespmem:$0x11C00] =	vst v63  }
0xfc: {  	s6 =	simm.s32 @!p0 $0xA  }
0xfd: {  	_ =	swait.ge @!p0 [sflag:s6], $0xFA0  }
0xfe: {  	[sflag:s6] =	ssyncset.done @!p0 $0x0  }
0xff: {  	s9 =	sadd.s32 @!p0 $0x480, s5;
	[sflag:s6] =	ssyncadd.s32 @!p0 $0xFFFFF060;
	s6 =	simm.s32 @!p0 $0x5FA0  }
0x100: {  	[tilespmem:s6], [sflag:$0x2] =	stream.indirect.gather @!p0 [hbm4b:s4+s8], $0x20, s9, s8, $0xb8;
	[tilespmem:$0x11C00] =	vst v63  }
0x101: {  	_ =	swait.ge [sflag:s30], $0xFA0  }
0x102: {  	[sflag:s30] =	ssyncset.done $0x0  }
0x103: {  	s18 =	sadd.s32 $0x2A80, s7;
	[sflag:s30] =	ssyncadd.s32 $0xFFFFF060  }
0x104: {  	[spmem:s2] =	stream.indirect.scatter.add.bf16 [tilespmem:s23], [sflag:$0xE], $0x20, s18, s14, $0xb8;
	[tilespmem:$0x11C00] =	vst v63  }
0x105: {  	_ =	swait.ge [sflag:s31], $0xFA0  }
0x106: {  	[sflag:s31] =	ssyncset.done $0x0  }
0x107: {  	s6 =	simm.s32 @p0 $0x7;
	[sflag:s31] =	ssyncadd.s32 $0xFFFFF060  }
0x108: {  	_ =	swait.ge @p0 [sflag:s6], $0xFA0  }
0x109: {  	[sflag:s6] =	ssyncset.done @p0 $0x0  }
0x10a: {  	s3 =	sadd.s32 @p0 $0x2B00, s3;
	[sflag:s6] =	ssyncadd.s32 @p0 $0xFFFFF060;
	s6 =	simm.s32 @p0 $0xADC0  }
0x10b: {  	[spmem:s2] =	stream.indirect.scatter.add.bf16 @p0 [tilespmem:s6], [sflag:$0xF], $0x20, s3, s0, $0xb8;
	[tilespmem:$0x11C00] =	vst v63  }
0x10c: {  	s0 =	simm.s32 @p0 $0xC  }
0x10d: {  	_ =	swait.ge @p0 [sflag:s0], $0xFA0  }
0x10e: {  	[sflag:s0] =	ssyncset.done @p0 $0x0  }
0x10f: {  	s3 =	sadd.s32 @!p0 $0x500, s5;
	[sflag:s0] =	ssyncadd.s32 @p0 $0xFFFFF060;
	s0 =	simm.s32 @!p0 $0x6F40  }
0x110: {  	[tilespmem:s0], [sflag:$0x3] =	stream.indirect.gather @!p0 [hbm4b:s4+s8], $0x20, s3, s8, $0xb8;
	[tilespmem:$0x11C00] =	vst v63  }
0x111: {  	s0 =	simm.s32 @!p0 $0x7  }
0x112: {  	_ =	swait.ge @!p0 [sflag:s0], $0xFA0  }
0x113: {  	[sflag:s0] =	ssyncset.done @!p0 $0x0  }
0x114: {  	s3 =	sadd.s32 @!p0 $0x2B00, s5;
	[sflag:s0] =	ssyncadd.s32 @!p0 $0xFFFFF060;
	s0 =	simm.s32 @!p0 $0xADC0  }
0x115: {  	[spmem:s2] =	stream.indirect.scatter.add.bf16 @!p0 [tilespmem:s0], [sflag:$0xF], $0x20, s3, s8, $0xb8;
	[tilespmem:$0x11C00] =	vst v63  }
0x116: {  	s0 =	simm.s32 @!p0 $0xC  }
0x117: {  	_ =	swait.ge @!p0 [sflag:s0], $0xFA0  }
0x118: {  	[sflag:s0] =	ssyncset.done @!p0 $0x0  }
0x119: {  	s3 =	sadd.s32 @!p0 $0x580, s5;
	[sflag:s0] =	ssyncadd.s32 @!p0 $0xFFFFF060;
	s0 =	simm.s32 @!p0 $0x7EE0  }
0x11a: {  	[tilespmem:s0], [sflag:$0x4] =	stream.indirect.gather @!p0 [hbm4b:s4+s8], $0x20, s3, s8, $0xb8;
	[tilespmem:$0x11C00] =	vst v63  }
0x11b: {  	_ =	swait.ge [sflag:s1], $0xFA0  }
0x11c: {  	[sflag:s1] =	ssyncset.done $0x0  }
0x11d: {  	s10 =	simm.s32 $0xD;
	s9 =	sadd.s32 $0x2B80, s7;
	[sflag:s1] =	ssyncadd.s32 $0xFFFFF060  }
0x11e: {  	[spmem:s2] =	stream.indirect.scatter.add.bf16 [tilespmem:s26], [sflag:$0x10], $0x20, s9, s14, $0xb8;
	[tilespmem:$0x11C00] =	vst v63  }
0x11f: {  	_ =	swait.ge [sflag:s10], $0xFA0  }
0x120: {  	[sflag:s10] =	ssyncset.done $0x0  }
0x121: {  	s11 =	simm.s32 $0xE;
	[sflag:s10] =	ssyncadd.s32 $0xFFFFF060  }
0x122: {  	_ =	swait.ge [sflag:s11], $0xFA0  }
0x123: {  	[sflag:s11] =	ssyncset.done $0x0  }
0x124: {  	s12 =	simm.s32 $0xF;
	[sflag:s11] =	ssyncadd.s32 $0xFFFFF060  }
0x125: {  	_ =	swait.ge [sflag:s12], $0xFA0  }
0x126: {  	[sflag:s12] =	ssyncset.done $0x0  }
0x127: {  	s13 =	simm.s32 $0x10;
	[sflag:s12] =	ssyncadd.s32 $0xFFFFF060  }
0x128: {  	_ =	swait.ge [sflag:s13], $0xFA0  }
0x129: {  	[sflag:s13] =	ssyncset.done $0x0  }
0x12a: {  	[sflag:s13] =	ssyncadd.s32 $0xFFFFF060  }
0x12b: {  	[bflag:$0x0] =	sbarrier.arrive $0xFFFF  }
0x12c: {  	s6 =	rddreg [dreg:$0x6]  }
0x12d: {  	s16 =	rddreg [dreg:$0x9]  }
0x12e: {  	s5 =	simm.s32 $0x11;
	s3 =	rddreg [dreg:$0xb]  }
0x12f: {  	[hbm:s16], [sflag:s6] =	dma.local [spmem:s3], $0x9E0  }
0x130: {  	_ =	swait.ge [sflag:s5], $0x9E0  }
0x131: {  	s20 =	sadd.s32 $0x1, s20;
	s18 =	rddreg [dreg:$0xa]  }
0x132: {  	p0 =	sne.s32 s20, s18  }
.Ltmp1:
0x133: {  	_ = 	snop;
	(pc) =	sbr.rel @p0 .LBB2_1-.Ltmp1, $3  }
0x134: {  	_ =	sdelay $0x1  }
0x135: {  	[sflag:s5] =	ssyncset.done $0x0  }
0x136: {  	[sflag:s5] =	ssyncadd.s32 $0xFFFFF620  }
0x137: {  	_ =	sfence.sel $0x180000  }
0x138: {  	[bflag:$0x0] =	sbarrier.arrive $0xFFFF  }
0x139: {  	_ =	strace $0x9000004D  }
0x13a: {  	s0 =	stileid.u32;
	[bflag:$0x2] =	sbarrier.arrive $0xFFFF  }
0x13b: {  	p0 =	sne.s32 s0, $0x0;
	s0 =	rddreg [dreg:$0x2]  }
0x13c: {  	s0 =	sadd.s32 @!p0 $0x100000, s0  }
0x13d: {  	[sflag:s0] =	ssyncadd.tile.s32 @!p0 $0x1;
	_ =	shalt  }
.Lfunc_end2:
_tile_overlayer_lowered:
.L_overlay_start_2:
0x13e: {  	(tag) =	ssettag $0x2  }
0x13f: {  	s0 =	rddreg [dreg:$0x0];
	s2 =	stileid.u32  }
0x140: {  	s1 =	rddreg [dreg:$0x1];
	p0 =	sne.s32 s2, $0x0  }
0x141: {  	s3 =	rddreg [dreg:$0x2];
	[bflag:$0x3] =	sbarrier.arrive $0xFFFF;
	s2 =	simm.s32 @!p0 $0x1C11  }
0x142: {  	[timem:s3], [sflag:s2] =	dma.local @!p0 [hbm:s0], s1  }
0x143: {  	s0 =	simm.s32 @!p0 $0x11  }
0x144: {  	_ =	swait.ge @!p0 [sflag:s0], s1  }
0x145: {  	s1 =	ssub.s32 @!p0 $0x0, s1;
	[sflag:s0] =	ssyncset.done @!p0 $0x0  }
0x146: {  	[sflag:s0] =	ssyncadd.s32 @!p0 s1  }
0x147: {  	[bflag:$0x3] =	sbarrier.arrive $0xFFFF  }
0x148: {  	_ =	shalt  }

// kernel: kernel.8.cloned.1.call-start
scs
__scs_entry_jumppad:
0x0: {  	(pc) =	sbr.rel $0x88, $3  }
0x1: {  	(tag) =	ssettag $0x0;
	lr =	simm.s32 $0x1  }
0x2: {  	[smem:$0x3F97] =	sst lr;
	_ =	strace $0xD0000000  }
0x3: {  	_ = 	snop  }
0x4: {  	_ = 	snop  }
0x5: {  	_ = 	snop  }
0x6: {  	_ = 	snop  }
0x7: {  	_ = 	snop  }
__scs_overlays_trampoline_lowered:
0x8: {  	[smem:$0x3FA6] =	sst s0  }
0x9: {  	[smem:$0x3FA7] =	sst s1  }
0xa: {  	[smem:$0x3FA8] =	sst s2  }
0xb: {  	[smem:$0x3FA9] =	sst s3  }
0xc: {  	[smem:$0x3FAA] =	sst s4  }
0xd: {  	[smem:$0x3FAB] =	sst s5  }
0xe: {  	[smem:$0x3FAC] =	sst s6  }
0xf: {  	[smem:$0x3FAD] =	sst s7  }
0x10: {  	[smem:$0x3FAE] =	sst s8  }
0x11: {  	[smem:$0x3FAF] =	sst s9;
	s0 =	simm.s32 @!p0 $0x0  }
0x12: {  	s1 =	sld [smem:$0x3F95];
	s0 =	simm.s32 @p0 $0x1  }
0x13: {  	[smem:$0x3FB0] =	sst s0;
	s0 =	simm.s32 @!p1 $0x0  }
0x14: {  	s2 =	sld [smem:$0x3F94];
	s0 =	simm.s32 @p1 $0x1  }
0x15: {  	[smem:$0x3FB1] =	sst s0;
	s0 =	simm.s32 @!p2 $0x0  }
0x16: {  	s3 =	sld [smem:$0x3FDB];
	s0 =	simm.s32 @p2 $0x1  }
0x17: {  	s4 =	simm.s32 $0x1BF5;
	[smem:$0x3FB3] =	sst s0  }
0x18: {  	s0 =	sld [smem:$0x3F96];
	_ =	swait.ge [sflag:s4], $0x0  }
0x19: {  	s7 =	sld [smem:$0x3F97]  }
0x1a: {  	s8 =	sadd.s32 $0xFFFFE003, lr  }
0x1b: {  	s9 =	sadd.s32 $0xFFFFFEF7, lr;
	s5 =	simm.s32 $0xFFFFFFFF;
	p2 =	slt.u32 s8, $0xFFFFF086  }
0x1c: {  	p1 =	slt.u32 s9, $0xF7A;
	s5 =	simm.s32 @!p2 $0x0  }
0x1d: {  	s5 =	simm.s32 @p1 $0x1;
	p0 =	seq.s32 s7, s2  }
0x1e: {  	s7 =	smul.u32 @!p0 $0xF7A, s2;
	p2 =	seq.s32 @!p0 s5, $0x0  }
0x1f: {  	s9 =	smul.u32 $0xF7A, s1;
	s8 =	simm.s32 @!p0 $0x1BF5;
	p2 =	por !p2, p0  }
0x20: {  	[sflag:s8] =	ssyncset.s32 @!p0 $0xFFFFF086;
	s6 =	sadd.s32 @!p0 s3, s7;
	s7 =	simm.s32 @!p0 $0x108  }
0x21: {  	s3 =	sadd.s32 s3, s9;
	s6 =	sadd.s32 @!p0 $0x88, s6;
	s7 =	simm.s32 @p2 $0x1082  }
0x22: {  	[simem:s7], [sflag:s8] =	dma.local @!p0 [hbm:s6], $0xF7A  }
0x23: {  	s9 =	sor.u32 $0xD0000000, s2;
	s6 =	simm.s32 $0x108;
	_ =	swait.ge @!p0 [sflag:s8], $0x0  }
0x24: {  	s3 =	sadd.s32 $0x88, s3;
	s6 =	simm.s32 @!p1 $0x1082;
	[sflag:s4] =	ssyncset.s32 $0xFFFFF086  }
0x25: {  	[simem:s6], [sflag:s4] =	dma.local [hbm:s3], $0xF7A  }
0x26: {  	[smem:$0x3F97] =	sst s1;
	(tag) =	ssettag s2;
	_ =	strace s9  }
0x27: {  	s1 =	sld [smem:$0x3FA7]  }
0x28: {  	s2 =	sld [smem:$0x3FA8]  }
0x29: {  	s4 =	sld [smem:$0x3FAA]  }
0x2a: {  	p0 =	seq.s32 s5, $0x0;
	s5 =	sld [smem:$0x3FAB]  }
0x2b: {  	s6 =	sld [smem:$0x3FAC]  }
0x2c: {  	s7 =	sld [smem:$0x3FAD]  }
0x2d: {  	s3 =	simm.s32 $0x108;
	s8 =	sld [smem:$0x3FAE]  }
0x2e: {  	s3 =	simm.s32 @!p0 $0x1082;
	s9 =	sld [smem:$0x3FAF]  }
0x2f: {  	lr =	sadd.s32 s0, s3;
	s0 =	sld [smem:$0x3FA6]  }
0x30: {  	s3 =	sld [smem:$0x3FA9]  }
0x31: {  	[smem:$0x3FB2] =	sst s10  }
0x32: {  	s10 =	sld [smem:$0x3FB0];
	_ =	sdelay $0x3  }
0x33: {  	p0 =	seq.s32 s10, $0x1;
	s10 =	sld [smem:$0x3FB2];
	_ =	sdelay $0x3  }
0x34: {  	[smem:$0x3FB2] =	sst s10  }
0x35: {  	s10 =	sld [smem:$0x3FB1];
	_ =	sdelay $0x3  }
0x36: {  	p1 =	seq.s32 s10, $0x1;
	s10 =	sld [smem:$0x3FB2];
	_ =	sdelay $0x3  }
0x37: {  	[smem:$0x3FB2] =	sst s10  }
0x38: {  	s10 =	sld [smem:$0x3FB3]  }
0x39: {  	_ = 	snop;
	(pc) =	sbr.ind lr, $3  }
0x3a: {  	_ = 	snop  }
0x3b: {  	_ = 	snop  }
0x3c: {  	p2 =	seq.s32 s10, $0x1;
	s10 =	sld [smem:$0x3FB2]  }
0x3d: {  	_ =	shalt  }
0x3e: {  	_ =	shalt  }
0x3f: {  	_ =	shalt  }
0x40: {  	_ =	shalt  }
0x41: {  	_ =	shalt  }
0x42: {  	_ =	shalt  }
0x43: {  	_ =	shalt  }
0x44: {  	_ =	shalt  }
0x45: {  	_ =	shalt  }
0x46: {  	_ =	shalt  }
0x47: {  	_ =	shalt  }
0x48: {  	_ =	shalt  }
0x49: {  	_ =	shalt  }
0x4a: {  	_ =	shalt  }
0x4b: {  	_ =	shalt  }
0x4c: {  	_ =	shalt  }
0x4d: {  	_ =	shalt  }
0x4e: {  	_ =	shalt  }
0x4f: {  	_ =	shalt  }
0x50: {  	_ =	shalt  }
0x51: {  	_ =	shalt  }
0x52: {  	_ =	shalt  }
0x53: {  	_ =	shalt  }
0x54: {  	_ =	shalt  }
0x55: {  	_ =	shalt  }
0x56: {  	_ =	shalt  }
0x57: {  	_ =	shalt  }
0x58: {  	_ =	shalt  }
0x59: {  	_ =	shalt  }
0x5a: {  	_ =	shalt  }
0x5b: {  	_ =	shalt  }
0x5c: {  	_ =	shalt  }
0x5d: {  	_ =	shalt  }
0x5e: {  	_ =	shalt  }
0x5f: {  	_ =	shalt  }
0x60: {  	_ =	shalt  }
0x61: {  	_ =	shalt  }
0x62: {  	_ =	shalt  }
0x63: {  	_ =	shalt  }
0x64: {  	_ =	shalt  }
0x65: {  	_ =	shalt  }
0x66: {  	_ =	shalt  }
0x67: {  	_ =	shalt  }
0x68: {  	_ =	shalt  }
0x69: {  	_ =	shalt  }
0x6a: {  	_ =	shalt  }
0x6b: {  	_ =	shalt  }
0x6c: {  	_ =	shalt  }
0x6d: {  	_ =	shalt  }
0x6e: {  	_ =	shalt  }
0x6f: {  	_ =	shalt  }
0x70: {  	_ =	shalt  }
0x71: {  	_ =	shalt  }
0x72: {  	_ =	shalt  }
0x73: {  	_ =	shalt  }
0x74: {  	_ =	shalt  }
0x75: {  	_ =	shalt  }
0x76: {  	_ =	shalt  }
0x77: {  	_ =	shalt  }
0x78: {  	_ =	shalt  }
0x79: {  	_ =	shalt  }
0x7a: {  	_ =	shalt  }
0x7b: {  	_ =	shalt  }
0x7c: {  	_ =	shalt  }
0x7d: {  	_ =	shalt  }
0x7e: {  	_ =	shalt  }
0x7f: {  	_ =	shalt  }
0x80: {  	_ =	shalt  }
0x81: {  	_ =	shalt  }
0x82: {  	_ =	shalt  }
0x83: {  	_ =	shalt  }
0x84: {  	_ =	shalt  }
0x85: {  	_ =	shalt  }
0x86: {  	_ =	shalt  }
0x87: {  	_ =	shalt  }
.Lfunc_end0:
.L_simem_size_0:
called_computation_lowered:
.L_overlay_start_0:
0x88: {  	s2 =	sld [smem:$0x3FD9]  }
0x89: {  	s3 =	sld [smem:$0x3FFE];
	_ =	sdelay $0x1  }
0x8a: {  	s1 =	srdreg.scid  }
0x8b: {  	s0 =	sand.u32 $0x1, s1  }
0x8c: {  	s16 =	sshll.u32 s0, $0xA;
	s2 =	sadd.s32 s3, s2  }
0x8d: {  	s2 =	sadd.s32 s2, s16  }
0x8e: {  	[smem:$0x3FBE] =	sst s2  }
0x8f: {  	_ = 	snop  }
0x90: {  	(tm) =	ssettm $0x1  }
0x91: {  	s17 =	sld [smem:$0x3FFB];
	_ =	sdelay $0x3  }
0x92: {  	_ =	strace s17  }
0x93: {  	s2 =	sld [smem:$0x3FFC];
	_ =	sdelay $0x3  }
0x94: {  	_ =	strace s2  }
0x95: {  	s2 =	sld [smem:$0x3FFD];
	_ =	sdelay $0x3  }
0x96: {  	_ =	strace s2  }
0x97: {  	_ =	strace $0x8FFFFFFF  }
0x98: {  	s18 =	sld [smem:$0x3FDB];
	_ =	sdelay $0x1  }
0x99: {  	s19 =	simm.s32 $_scs_section_size  }
0x9a: {  	s4 =	simm.s32 $_size__tile_overlayer_lowered;
	s5 =	simm.s32 $_tile_overlayer_lowered  }
0x9b: {  	s22 =	simm.s32 $0x1BFF;
	s21 =	sshll.u32 s5, $0x1;
	s2 =	sadd.s32 s19, s18  }
0x9c: {  	s6 =	simm.s32 $0x0;
	s20 =	sshll.u32 s4, $0x1;
	s4 =	sadd.s32 s21, s2  }
0x9d: {  	[timem:s6], [sflag:s22] =	dma.local [hbm:s4], s20  }
0x9e: {  	_ =	swait.ge [sflag:s22], s20  }
0x9f: {  	s3 =	ssub.s32 $0x0, s20;
	[sflag:s22] =	ssyncset.done $0x0  }
0xa0: {  	[sflag:s22] =	ssyncadd.s32 s3;
	_ =	sdelay $0x1  }
0xa1: {  	s23 =	simm.s32 $0x1B8B  }
0xa2: {  	_ =	swait.ge [sflag:s23], $0x1  }
0xa3: {  	[sflag:s23] =	ssyncset.done $0x0  }
0xa4: {  	s25 =	simm.s32 $0x1B8E;
	s24 =	sld [smem:$0x3FFE];
	[sflag:s23] =	ssyncadd.s32 $0xFFFFFFFF  }
0xa5: {  	s26 =	simm.s32 $execute0_lowered;
	[smem:$0x3FD2] =	sst s25  }
0xa6: {  	s4 =	sshll.u32 s26, $0x1;
	_ =	strace $0x80000046;
	[dreg:$0x1] =	wrdreg $0xFFFFFFFF  }
0xa7: {  	s28 =	simm.s32 $_size_execute0_lowered;
	s2 =	sadd.s32 s2, s4;
	[dreg:$0x0] =	wrdreg $0x0  }
0xa8: {  	s4 =	sshll.u32 s28, $0x1;
	[dreg:$0x2] =	wrdreg s2  }
0xa9: {  	[dreg:$0x3] =	wrdreg s4  }
0xaa: {  	[dreg:$0x4] =	wrdreg $0xC0  }
0xab: {  	_ =	task [dreg:s6], $0x5FFFF  }
0xac: {  	[dreg:$0x1] =	wrdreg $0xFFFFFFFF  }
0xad: {  	[dreg:$0x0] =	wrdreg $0x60  }
0xae: {  	[dreg:$0x2] =	wrdreg s24  }
0xaf: {  	[dreg:$0x3] =	wrdreg $0x2BE80  }
0xb0: {  	[dreg:$0x4] =	wrdreg $0x9  }
0xb1: {  	_ =	task.clear_ibuf [dreg:s6], $0x5FFFF;
	_ =	strace $0x90000046  }
0xb2: {  	s29 =	simm.s32 $0x9;
	_ =	strace $0x80000048  }
0xb3: {  	_ =	swait.ge [sflag:s29], $0x1  }
0xb4: {  	[sflag:s29] =	ssyncadd.s32 $0xFFFFFFFF  }
0xb5: {  	_ =	strace $0x90000048  }
0xb6: {  	_ =	sfence  }
0xb7: {  	s30 =	sld [smem:$0x0];
	_ =	sdelay $0x2  }
0xb8: {  	s31 =	sshll.u32 s1, $0xD;
	s1 =	sshrl.u32 s1, $0x2  }
0xb9: {  	s3 =	sand.u32 $0x4000, s31;
	s1 =	sadd.s32 s1, s30  }
0xba: {  	s0 =	sor.u32 s3, s0;
	s1 =	sshll.u32 s1, $0x11  }
0xbb: {  	s0 =	sor.u32 s1, s0  }
0xbc: {  	s0 =	sadd.s32 $0x8F2B, s0  }
0xbd: {  	[sflag:s0] =	ssyncadd.remote.s32 $0x1  }
0xbe: {  	_ =	sfence.sel $0xFFFF  }
0xbf: {  	[dreg:$0x0] =	wrdreg $0xFFFFFFFF;
	(pc) =	sbr.abs _section_cstart, $3  }
0xc0: {  	[dreg:$0x1] =	wrdreg $0xFFFFFFFF  }
0xc1: {  	_ =	task.clear_ibuf [dreg:s6], $0x2FFFF;
	_ =	strace $0x9FFFFFFF  }
0xc2: {  	(tm) =	ssettm $0x7FFFFFFF  }
0xc3: {  	_ =	shalt  }
tec
execute0_lowered:
.L_overlay_start_1:
0x0: {  	(tag) =	ssettag $0x1  }
0x1: {  	s7 =	rddreg [dreg:$0x0]  }
0x2: {  	s2 =	rddreg [dreg:$0x1]  }
0x3: {  	s0 =	rddreg [dreg:$0x2];
	s3 =	simm.s32 $0x0;
	s1 =	stileid.u32  }
0x4: {  	s4 =	srdreg.scid;
	s13 =	simm.s32 $0x7D;
	s14 =	simm.s32 $0x80  }
0x5: {  	s15 =	simm.s32 $0x100;
	s16 =	simm.s32 $0x180;
	s17 =	simm.s32 $0x1  }
0x6: {  	s18 =	simm.s32 $0x2;
	s19 =	simm.s32 $0x3;
	s20 =	simm.s32 $0x4  }
0x7: {  	s21 =	simm.s32 $0x0;
	[smem:$0x7FF] =	sst s3;
	s5 =	smul.u32 $0x13C0, s1  }
0x8: {  	s6 =	sand.u32 $0x1, s4;
	s4 =	sadd.s32 $0x18C00, s7;
	s31 =	sshll.u32 s1, $0x6  }
0x9: {  	_ =	strace $0x80000047;
	s8 =	smul.u32 $0x13C00, s6;
	s10 =	sshll.u32 s6, $0x4  }
0xa: {  	s6 =	ssub.s32 $0x2, s6;
	s9 =	sshrl.u32 s5, $0x3;
	s10 =	sor.u32 s1, s10  }
0xb: {  	s11 =	sshrl.u32 s6, $0x1;
	s12 =	sadd.s32 s5, s2;
	s8 =	sadd.s32 s5, s8  }
0xc: {  	s10 =	smul.u32 $0x2800, s10;
	s9 =	sadd.s32 s9, s7;
	s11 =	ssub.s32 s6, s11  }
0xd: {  	s6 =	sor.u32 $0x1C05, s31;
	s8 =	sshrl.u32 s8, $0x3;
	s5 =	sadd.s32 $0x16400, s9  }
0xe: {  	s9 =	smax.u32 s11, $0x1;
	s8 =	sadd.s32 s8, s7;
	s10 =	sshrl.u32 s10, $0x3  }
0xf: {  	s11 =	simm.s32 $0x5;
	s7 =	sadd.s32 s7, s10;
	s8 =	sadd.s32 $0x18E00, s8  }
0x10: {  	s10 =	sshrl.u32 s12, $0x3;
	s12 =	simm.s32 $0x2800;
	s7 =	sadd.s32 $0xC400, s7  }
.LBB2_1:
0x11: {  	[spmem:s10], [sflag:s6] =	dma.local [hbm:s5], $0x278  }
0x12: {  	_ =	swait.ge [sflag:s11], $0x278  }
0x13: {  	[sflag:s11] =	ssyncset.done $0x0  }
0x14: {  	[sflag:s11] =	ssyncadd.s32 $0xFFFFFD88  }
0x15: {  	[tilespmem:s3], [sflag:$0x5] =	stream.linear.gather [hbm4b:s7+s3], $0x2800, $0x38;
	[tilespmem:$0x3FA8] =	vst v63  }
0x16: {  	_ =	swait.ge [sflag:s11], $0x2800  }
0x17: {  	[sflag:s11] =	ssyncset.done $0x0  }
0x18: {  	[sflag:s11] =	ssyncadd.s32 $0xFFFFD800  }
0x19: {  	[tilespmem:s12], [sflag:$0x5] =	stream.linear.gather [hbm4b:s4+s3], $0x3E8, $0x38;
	[tilespmem:$0x3FA8] =	vst v63  }
0x1a: {  	_ =	swait.ge [sflag:s11], $0x3E8  }
0x1b: {  	[sflag:s11] =	ssyncset.done $0x0  }
0x1c: {  	[sflag:s11] =	ssyncadd.s32 $0xFFFFFC18  }
0x1d: {  	[bflag:$0x0] =	sbarrier.arrive $0xFFFF  }
0x1e: {  	[spmem:s2] =	stream.indirect.scatter.add.f32 [tilespmem:s12], [sflag:$0x1], $0x8, s3, s13, $0xb8;
	[tilespmem:$0x3FA8] =	vst v63  }
0x1f: {  	_ = 	snop  }
0x20: {  	[spmem:s2] =	stream.indirect.scatter.add.f32 [tilespmem:s12], [sflag:$0x2], $0x8, s14, s13, $0xb8;
	[tilespmem:$0x3FA8] =	vst v63  }
0x21: {  	_ = 	snop  }
0x22: {  	[spmem:s2] =	stream.indirect.scatter.add.f32 [tilespmem:s12], [sflag:$0x3], $0x8, s15, s13, $0xb8;
	[tilespmem:$0x3FA8] =	vst v63  }
0x23: {  	_ = 	snop  }
0x24: {  	[spmem:s2] =	stream.indirect.scatter.add.f32 [tilespmem:s12], [sflag:$0x4], $0x8, s16, s13, $0xb8;
	[tilespmem:$0x3FA8] =	vst v63  }
0x25: {  	_ =	swait.ge [sflag:s17], $0x3E8  }
0x26: {  	[sflag:s17] =	ssyncset.done $0x0  }
0x27: {  	s22 =	simm.s32 $0x200;
	[sflag:s17] =	ssyncadd.s32 $0xFFFFFC18  }
0x28: {  	[spmem:s2] =	stream.indirect.scatter.add.f32 [tilespmem:s12], [sflag:$0x1], $0x8, s22, s13, $0xb8;
	[tilespmem:$0x3FA8] =	vst v63  }
0x29: {  	_ =	swait.ge [sflag:s18], $0x3E8  }
0x2a: {  	[sflag:s18] =	ssyncset.done $0x0  }
0x2b: {  	s30 =	simm.s32 $0x280;
	[sflag:s18] =	ssyncadd.s32 $0xFFFFFC18  }
0x2c: {  	[spmem:s2] =	stream.indirect.scatter.add.f32 [tilespmem:s12], [sflag:$0x2], $0x8, s30, s13, $0xb8;
	[tilespmem:$0x3FA8] =	vst v63  }
0x2d: {  	_ =	swait.ge [sflag:s19], $0x3E8  }
0x2e: {  	[sflag:s19] =	ssyncset.done $0x0  }
0x2f: {  	s31 =	simm.s32 $0x300;
	[sflag:s19] =	ssyncadd.s32 $0xFFFFFC18  }
0x30: {  	[spmem:s2] =	stream.indirect.scatter.add.f32 [tilespmem:s12], [sflag:$0x3], $0x8, s31, s13, $0xb8;
	[tilespmem:$0x3FA8] =	vst v63  }
0x31: {  	_ =	swait.ge [sflag:s20], $0x3E8  }
0x32: {  	[sflag:s20] =	ssyncset.done $0x0  }
0x33: {  	s23 =	simm.s32 $0x380;
	s22 =	simm.s32 $0xFFFF7000;
	[sflag:s20] =	ssyncadd.s32 $0xFFFFFC18  }
.LBB2_2:
0x34: {  	[spmem:s2] =	stream.indirect.scatter.add.f32 [tilespmem:s12], [sflag:$0x4], $0x8, s23, s13, $0xb8;
	[tilespmem:$0x3FA8] =	vst v63  }
0x35: {  	s23 =	smov.u32 s22  }
0x36: {  	p0 =	sne.s32 s22, $0xFFFFF800;
	s22 =	sadd.s32 $0x800, s22;
	_ =	swait.ge [sflag:s17], $0x3E8  }
0x37: {  	s23 =	sshra.s32 s23, $0x2;
	[sflag:s17] =	ssyncset.done $0x0  }
0x38: {  	s24 =	sadd.s32 $0x2800, s23;
	[sflag:s17] =	ssyncadd.s32 $0xFFFFFC18  }
0x39: {  	[spmem:s2] =	stream.indirect.scatter.add.f32 [tilespmem:s12], [sflag:$0x1], $0x8, s24, s13, $0xb8;
	[tilespmem:$0x3FA8] =	vst v63  }
0x3a: {  	_ =	swait.ge [sflag:s18], $0x3E8  }
0x3b: {  	[sflag:s18] =	ssyncset.done $0x0  }
0x3c: {  	s24 =	sadd.s32 $0x2880, s23;
	[sflag:s18] =	ssyncadd.s32 $0xFFFFFC18  }
0x3d: {  	[spmem:s2] =	stream.indirect.scatter.add.f32 [tilespmem:s12], [sflag:$0x2], $0x8, s24, s13, $0xb8;
	[tilespmem:$0x3FA8] =	vst v63  }
0x3e: {  	_ =	swait.ge [sflag:s19], $0x3E8  }
0x3f: {  	[sflag:s19] =	ssyncset.done $0x0  }
.Ltmp0:
0x40: {  	s24 =	sadd.s32 $0x2900, s23;
	[sflag:s19] =	ssyncadd.s32 $0xFFFFFC18;
	(pc) =	sbr.rel @p0 .LBB2_2-.Ltmp0, $4  }
0x41: {  	[spmem:s2] =	stream.indirect.scatter.add.f32 [tilespmem:s12], [sflag:$0x3], $0x8, s24, s13, $0xb8;
	[tilespmem:$0x3FA8] =	vst v63  }
0x42: {  	_ =	swait.ge [sflag:s20], $0x3E8  }
0x43: {  	[sflag:s20] =	ssyncset.done $0x0  }
0x44: {  	s23 =	sadd.s32 $0x2980, s23;
	[sflag:s20] =	ssyncadd.s32 $0xFFFFFC18  }
0x45: {  	[spmem:s2] =	stream.indirect.scatter.add.f32 [tilespmem:s12], [sflag:$0x4], $0x8, s23, s13, $0xb8;
	[tilespmem:$0x3FA8] =	vst v63  }
0x46: {  	_ =	swait.ge [sflag:s17], $0x3E8  }
0x47: {  	[sflag:s17] =	ssyncset.done $0x0  }
0x48: {  	[sflag:s17] =	ssyncadd.s32 $0xFFFFFC18  }
0x49: {  	_ =	swait.ge [sflag:s18], $0x3E8  }
0x4a: {  	[sflag:s18] =	ssyncset.done $0x0  }
0x4b: {  	[sflag:s18] =	ssyncadd.s32 $0xFFFFFC18  }
0x4c: {  	_ =	swait.ge [sflag:s19], $0x3E8  }
0x4d: {  	[sflag:s19] =	ssyncset.done $0x0  }
0x4e: {  	[sflag:s19] =	ssyncadd.s32 $0xFFFFFC18  }
0x4f: {  	_ =	swait.ge [sflag:s20], $0x3E8  }
0x50: {  	s21 =	sadd.s32 $0x1, s21;
	[sflag:s20] =	ssyncset.done $0x0  }
0x51: {  	p0 =	sne.s32 s21, s9;
	[sflag:s20] =	ssyncadd.s32 $0xFFFFFC18  }
.Ltmp1:
0x52: {  	[bflag:$0x0] =	sbarrier.arrive $0xFFFF;
	(pc) =	sbr.rel @p0 .LBB2_1-.Ltmp1, $4  }
0x53: {  	[hbm:s8], [sflag:s6] =	dma.local [spmem:s10], $0x278  }
0x54: {  	_ =	swait.ge [sflag:s11], $0x278  }
0x55: {  	[sflag:s11] =	ssyncset.done $0x0  }
0x56: {  	[sflag:s11] =	ssyncadd.s32 $0xFFFFFD88  }
0x57: {  	_ =	sfence.sel $0x180000  }
0x58: {  	[bflag:$0x0] =	sbarrier.arrive $0xFFFF  }
0x59: {  	p0 =	sne.s32 s1, $0x0;
	_ =	strace $0x90000047  }
0x5a: {  	s0 =	sadd.s32 @!p0 $0x100000, s0;
	[bflag:$0x2] =	sbarrier.arrive $0xFFFF  }
0x5b: {  	[sflag:s0] =	ssyncadd.tile.s32 @!p0 $0x1;
	_ =	shalt  }
.Lfunc_end2:
_tile_overlayer_lowered:
.L_overlay_start_2:
0x5c: {  	(tag) =	ssettag $0x2  }
0x5d: {  	s0 =	rddreg [dreg:$0x0];
	s2 =	stileid.u32  }
0x5e: {  	s1 =	rddreg [dreg:$0x1];
	p0 =	sne.s32 s2, $0x0  }
0x5f: {  	s3 =	rddreg [dreg:$0x2];
	[bflag:$0x3] =	sbarrier.arrive $0xFFFF;
	s2 =	simm.s32 @!p0 $0x1C05  }
0x60: {  	[timem:s3], [sflag:s2] =	dma.local @!p0 [hbm:s0], s1  }
0x61: {  	s0 =	simm.s32 @!p0 $0x5  }
0x62: {  	_ =	swait.ge @!p0 [sflag:s0], s1  }
0x63: {  	s1 =	ssub.s32 @!p0 $0x0, s1;
	[sflag:s0] =	ssyncset.done @!p0 $0x0  }
0x64: {  	[sflag:s0] =	ssyncadd.s32 @!p0 s1  }
0x65: {  	[bflag:$0x3] =	sbarrier.arrive $0xFFFF  }
0x66: {  	_ =	shalt  }

</sc_bundles>
